<compile_context>
chip_gen: v7x
topology: tpu7x:2x2x1
jax: 0.10.2.dev20260603
libtpu: 0.0.44.dev20260713+nightly
codegen_flags: <defaults>
</compile_context>

<pallas_src>
import functools

import jax
import jax.numpy as jnp
from jax import lax
from jax.experimental import pallas as pl
from jax.experimental.pallas import tpu as pltpu
from jax.experimental.pallas import tpu_sc as plsc

N_NODES = 10000
D = 128
NC = 2
NS = 16
NW = NC * NS
EDGE_BLK = 128
ROWS_PER_SUB = 624
TAIL_ROWS = N_NODES - NS * ROWS_PER_SUB


def _sc_aggregate(x, src, dst, w, zeros):
  ch = src.shape[1]
  mesh = plsc.VectorSubcoreMesh(core_axis_name="c", subcore_axis_name="s")

  @functools.partial(
      pl.kernel,
      mesh=mesh,
      out_type=jax.ShapeDtypeStruct((NC, N_NODES, D), jnp.float32),
      scratch_types=[
          pltpu.VMEM((ch, EDGE_BLK), jnp.int32),
          pltpu.VMEM((ch, EDGE_BLK), jnp.int32),
          pltpu.VMEM((ch, EDGE_BLK), jnp.float32),
          pltpu.VMEM((EDGE_BLK, D), jnp.float32),
          pltpu.VMEM_SHARED((N_NODES, D), jnp.float32),
          pltpu.SemaphoreType.DMA,
      ],
  )
  def k(x_hbm, src_hbm, dst_hbm, w_hbm, z_hbm, out_hbm,
        src_v, dst_v, w_v, rows_v, acc, sem):
    c = lax.axis_index("c")
    s = lax.axis_index("s")
    wid = c * NS + s

    pltpu.sync_copy(z_hbm.at[pl.ds(s * ROWS_PER_SUB, ROWS_PER_SUB)],
                    acc.at[pl.ds(s * ROWS_PER_SUB, ROWS_PER_SUB)])

    @pl.when(s == NS - 1)
    def _zero_tail():
      pltpu.sync_copy(z_hbm.at[pl.ds(NS * ROWS_PER_SUB, TAIL_ROWS)],
                      acc.at[pl.ds(NS * ROWS_PER_SUB, TAIL_ROWS)])

    pltpu.sync_copy(src_hbm.at[wid], src_v)
    pltpu.sync_copy(dst_hbm.at[wid], dst_v)
    pltpu.sync_copy(w_hbm.at[wid], w_v)

    plsc.subcore_barrier()

    def chunk_body(j, carry):
      pltpu.async_copy(x_hbm.at[src_v.at[j]], rows_v, sem).wait()

      def group_body(g, carry2):
        base = g * 16
        wvec = w_v[j, pl.ds(base, 16)]
        for l in range(16):
          wt = wvec[l]
          i = base + l
          for f in range(D // 16):
            sl = pl.ds(f * 16, 16)
            rows_v[i, sl] = rows_v[i, sl] * wt
        return carry2

      lax.fori_loop(0, EDGE_BLK // 16, group_body, 0)

      pltpu.sync_copy(rows_v, acc.at[dst_v.at[j]], add=True)
      return carry

    lax.fori_loop(0, ch, chunk_body, 0)

    plsc.subcore_barrier()

    pltpu.sync_copy(acc.at[pl.ds(s * ROWS_PER_SUB, ROWS_PER_SUB)],
                    out_hbm.at[c, pl.ds(s * ROWS_PER_SUB, ROWS_PER_SUB)])

    @pl.when(s == NS - 1)
    def _write_tail():
      pltpu.sync_copy(acc.at[pl.ds(NS * ROWS_PER_SUB, TAIL_ROWS)],
                      out_hbm.at[c, pl.ds(NS * ROWS_PER_SUB, TAIL_ROWS)])

  return k(x, src, dst, w, zeros)


def _tc_combine_kernel(ab_ref, p0_ref, p1_ref, h0_ref, w1_ref, w2_ref, out_ref):
  a = ab_ref[0]
  b = ab_ref[1]
  eye = (lax.broadcasted_iota(jnp.int32, (D, D), 0)
         == lax.broadcasted_iota(jnp.int32, (D, D), 1)).astype(jnp.float32)
  m1 = (1.0 - b) * eye + b * w1_ref[...]
  m2 = (1.0 - b) * eye + b * w2_ref[...]
  agg = p0_ref[...] + p1_ref[...]
  left = jnp.dot(agg, m1, preferred_element_type=jnp.float32)
  right = jnp.dot(h0_ref[...], m2, preferred_element_type=jnp.float32)
  out_ref[...] = (1.0 - a) * left + a * right


def _tc_combine(partials, h0, w1, w2, alpha, beta):
  blk = 1000
  grid = N_NODES // blk
  ab = jnp.stack([alpha, beta]).astype(jnp.float32)
  return pl.pallas_call(
      _tc_combine_kernel,
      grid=(grid,),
      in_specs=[
          pl.BlockSpec(memory_space=pltpu.SMEM),
          pl.BlockSpec((blk, D), lambda i: (i, 0)),
          pl.BlockSpec((blk, D), lambda i: (i, 0)),
          pl.BlockSpec((blk, D), lambda i: (i, 0)),
          pl.BlockSpec((D, D), lambda i: (0, 0)),
          pl.BlockSpec((D, D), lambda i: (0, 0)),
      ],
      out_specs=pl.BlockSpec((blk, D), lambda i: (i, 0)),
      out_shape=jax.ShapeDtypeStruct((N_NODES, D), jnp.float32),
  )(ab, partials[0], partials[1], h0, w1, w2)


def kernel(x, edge_index, edge_weight, h0, alpha, beta, W1, W2):
  n_edges = edge_index.shape[1]
  per_worker = -(-n_edges // (NW * EDGE_BLK)) * EDGE_BLK
  pad = NW * per_worker - n_edges

  src = edge_index[0].astype(jnp.int32)
  dst = edge_index[1].astype(jnp.int32)
  w = edge_weight.astype(jnp.float32)
  if pad:
    src = jnp.concatenate([src, jnp.zeros((pad,), jnp.int32)])
    dst = jnp.concatenate([dst, jnp.zeros((pad,), jnp.int32)])
    w = jnp.concatenate([w, jnp.zeros((pad,), jnp.float32)])
  ch = per_worker // EDGE_BLK
  src = src.reshape(NW, ch, EDGE_BLK)
  dst = dst.reshape(NW, ch, EDGE_BLK)
  w = w.reshape(NW, ch, EDGE_BLK)

  zeros = jnp.zeros((N_NODES, D), jnp.float32)
  partials = _sc_aggregate(x, src, dst, w, zeros)
  return _tc_combine(partials, h0, W1, W2, alpha, beta)

# --- scband reference (transcript-rebuilt; emitter-appended) ---
"""Pipeline reference for scband-gcnii-star-layer-22127671509147 (READ-ONLY COPY).

The authoritative reference and input builder live on the scoring server;
editing this copy changes nothing except your own understanding.
"""

import jax, jax.numpy as jnp
import numpy as np
import math

N_NODES = 10000
N_EDGES = 320000
D = 128

def setup_inputs(seed: int = 0) -> dict:
    key = jax.random.key(seed)
    k_x, k_ei, k_ew, k_h0, k_a, k_b, k_w1, k_w2 = jax.random.split(key, 8)
    x = jax.random.normal(k_x, (N_NODES, D), dtype=jnp.float32)
    edge_index = jax.random.randint(k_ei, (2, N_EDGES), 0, N_NODES, dtype=jnp.int64)
    edge_weight = jax.random.uniform(k_ew, (N_EDGES,), dtype=jnp.float32)
    h0 = jax.random.normal(k_h0, (N_NODES, D), dtype=jnp.float32)
    alpha = jax.random.uniform(k_a, (), dtype=jnp.float32)
    beta = jax.random.uniform(k_b, (), dtype=jnp.float32)
    stdv = 1.0 / math.sqrt(D)
    W1 = jax.random.uniform(k_w1, (D, D), dtype=jnp.float32, minval=-stdv, maxval=stdv)
    W2 = jax.random.uniform(k_w2, (D, D), dtype=jnp.float32, minval=-stdv, maxval=stdv)
    return {"x": x, "edge_index": edge_index, "edge_weight": edge_weight, "h0": h0, "alpha": alpha, "beta": beta, "W1": W1, "W2": W2}

def reference(x, edge_index, edge_weight, h0, alpha, beta, W1, W2):
    # sparse adj @ x  == scatter-add of weighted source features to dst nodes
    src = edge_index[0]
    dst = edge_index[1]
    msg = x[src] * edge_weight[:, None]
    agg = jax.ops.segment_sum(msg, dst, num_segments=N_NODES)
    I = jnp.eye(D, dtype=x.dtype)
    left = (1.0 - alpha) * agg @ ((1.0 - beta) * I + beta * W1)
    right = alpha * h0 @ ((1.0 - beta) * I + beta * W2)
    return left + right

if __name__ == "__main__":
    import jax
    _d = setup_inputs()
    print(jax.jit(kernel)(*tuple(_d.values())))

</pallas_src>

<mosaic_0001>
#map = affine_map<(d0, d1) -> (0, 0)>
#map1 = affine_map<(d0, d1) -> (0, 0, 0)>
module attributes {stable_mosaic.version = 14 : i64} {
  func.func @k(%arg0: i32, %arg1: i32, %arg2: memref<10000x128xf32, #tpu.memory_space<hbm>>, %arg3: memref<32x79x128xi32, #tpu.memory_space<hbm>>, %arg4: memref<32x79x128xi32, #tpu.memory_space<hbm>>, %arg5: memref<32x79x128xf32, #tpu.memory_space<hbm>>, %arg6: memref<10000x128xf32, #tpu.memory_space<hbm>>, %arg7: memref<2x10000x128xf32, #tpu.memory_space<hbm>>, %arg8: memref<79x128xi32, #tpu.memory_space<vmem>>, %arg9: memref<79x128xi32, #tpu.memory_space<vmem>>, %arg10: memref<79x128xf32, #tpu.memory_space<vmem>>, %arg11: memref<128x128xf32, #tpu.memory_space<vmem>>, %arg12: memref<10000x128xf32, #tpu.memory_space<vmem_shared>>, %arg13: memref<!tpu.dma_semaphore, #tpu.memory_space<semaphore_mem>>) attributes {dimension_semantics = [#tpu.dimension_semantics<core_parallel>, #tpu.dimension_semantics<subcore_parallel>], iteration_bounds = array<i64: 2, 16>, scalar_prefetch = 0 : i64, scratch_operands = 6 : i64, tpu.core_type = #tpu.core_type<sc_vector_subcore>, window_params = [{transform_indices = #map}, {transform_indices = #map1}, {transform_indices = #map1}, {transform_indices = #map1}, {transform_indices = #map}, {transform_indices = #map1}]} {
    %mul3A = arith.constant 16 : i32
    %mul3A_0 = arith.muli %arg0, %mul3A : i32
    %add3A = arith.addi %mul3A_0, %arg1 : i32
    %mul3A_1 = arith.constant 624 : i32
    %mul3A_2 = arith.muli %arg1, %mul3A_1 : i32
    %mul3A_3 = arith.constant 624 : i32
    %mul3A_4 = arith.muli %arg1, %mul3A_3 : i32
    "tpu.region"() ({
      %run_scoped3A = tpu.sem_alloc : memref<!tpu.dma_semaphore, #tpu.memory_space<semaphore_mem>>
      %dma_start3A = arith.constant 0 : i32
      %dma_start3A_22 = tpu.memref_slice %arg12[%mul3A_4, %dma_start3A] : memref<10000x128xf32, #tpu.memory_space<vmem_shared>> -> memref<624x128xf32, #tpu.memory_space<vmem_shared>>
      %dma_start3A_23 = arith.constant 0 : i32
      %dma_start3A_24 = tpu.memref_slice %arg6[%mul3A_2, %dma_start3A_23] : memref<10000x128xf32, #tpu.memory_space<hbm>> -> memref<624x128xf32, #tpu.memory_space<hbm>>
      tpu.enqueue_dma source(%dma_start3A_24 : memref<624x128xf32, #tpu.memory_space<hbm>>) target(%dma_start3A_22 : memref<624x128xf32, #tpu.memory_space<vmem_shared>>) target_semaphore(%run_scoped3A : memref<!tpu.dma_semaphore, #tpu.memory_space<semaphore_mem>>)
      %dma_wait3A = arith.constant 0 : i32
      %dma_wait3A_25 = tpu.memref_slice %arg12[%mul3A_4, %dma_wait3A] : memref<10000x128xf32, #tpu.memory_space<vmem_shared>> -> memref<624x128xf32, #tpu.memory_space<vmem_shared>>
      %dma_wait3A_26 = arith.constant 0 : i32
      %dma_wait3A_27 = tpu.memref_slice %arg6[%mul3A_2, %dma_wait3A_26] : memref<10000x128xf32, #tpu.memory_space<hbm>> -> memref<624x128xf32, #tpu.memory_space<hbm>>
      tpu.wait_dma2 semaphore(%run_scoped3A : memref<!tpu.dma_semaphore, #tpu.memory_space<semaphore_mem>>) src(%dma_wait3A_27 : memref<624x128xf32, #tpu.memory_space<hbm>>) dst(%dma_wait3A_25 : memref<624x128xf32, #tpu.memory_space<vmem_shared>>)
      tpu.yield
    }) : () -> ()
    %eq3A = arith.constant 15 : i32
    %eq3A_5 = arith.cmpi eq, %arg1, %eq3A : i32
    %convert_element_type3A = arith.extui %eq3A_5 : i1 to i32
    %cond3A = arith.constant 0 : i32
    %cond3A_6 = arith.cmpi ne, %convert_element_type3A, %cond3A : i32
    scf.if %cond3A_6 {
      "tpu.region"() ({
        %run_scoped3A = tpu.sem_alloc : memref<!tpu.dma_semaphore, #tpu.memory_space<semaphore_mem>>
        %dma_start3A = arith.constant 9984 : i32
        %dma_start3A_22 = arith.constant 0 : i32
        %dma_start3A_23 = tpu.memref_slice %arg12[%dma_start3A, %dma_start3A_22] : memref<10000x128xf32, #tpu.memory_space<vmem_shared>> -> memref<16x128xf32, #tpu.memory_space<vmem_shared>>
        %dma_start3A_24 = arith.constant 9984 : i32
        %dma_start3A_25 = arith.constant 0 : i32
        %dma_start3A_26 = tpu.memref_slice %arg6[%dma_start3A_24, %dma_start3A_25] : memref<10000x128xf32, #tpu.memory_space<hbm>> -> memref<16x128xf32, #tpu.memory_space<hbm>>
        tpu.enqueue_dma source(%dma_start3A_26 : memref<16x128xf32, #tpu.memory_space<hbm>>) target(%dma_start3A_23 : memref<16x128xf32, #tpu.memory_space<vmem_shared>>) target_semaphore(%run_scoped3A : memref<!tpu.dma_semaphore, #tpu.memory_space<semaphore_mem>>)
        %dma_wait3A = arith.constant 9984 : i32
        %dma_wait3A_27 = arith.constant 0 : i32
        %dma_wait3A_28 = tpu.memref_slice %arg12[%dma_wait3A, %dma_wait3A_27] : memref<10000x128xf32, #tpu.memory_space<vmem_shared>> -> memref<16x128xf32, #tpu.memory_space<vmem_shared>>
        %dma_wait3A_29 = arith.constant 9984 : i32
        %dma_wait3A_30 = arith.constant 0 : i32
        %dma_wait3A_31 = tpu.memref_slice %arg6[%dma_wait3A_29, %dma_wait3A_30] : memref<10000x128xf32, #tpu.memory_space<hbm>> -> memref<16x128xf32, #tpu.memory_space<hbm>>
        tpu.wait_dma2 semaphore(%run_scoped3A : memref<!tpu.dma_semaphore, #tpu.memory_space<semaphore_mem>>) src(%dma_wait3A_31 : memref<16x128xf32, #tpu.memory_space<hbm>>) dst(%dma_wait3A_28 : memref<16x128xf32, #tpu.memory_space<vmem_shared>>)
        tpu.yield
      }) : () -> ()
    } else {
    }
    "tpu.region"() ({
      %run_scoped3A = tpu.sem_alloc : memref<!tpu.dma_semaphore, #tpu.memory_space<semaphore_mem>>
      %dma_start3A = arith.constant 0 : i32
      %dma_start3A_22 = arith.constant 0 : i32
      %dma_start3A_23 = tpu.memref_slice %arg3[%add3A, %dma_start3A, %dma_start3A_22] : memref<32x79x128xi32, #tpu.memory_space<hbm>> -> memref<1x79x128xi32, #tpu.memory_space<hbm>>
      %dma_start3A_24 = tpu.memref_squeeze %dma_start3A_23 : memref<1x79x128xi32, #tpu.memory_space<hbm>> -> memref<79x128xi32, #tpu.memory_space<hbm>>
      %dma_start3A_25 = arith.constant 0 : i32
      %dma_start3A_26 = arith.constant 0 : i32
      %dma_start3A_27 = tpu.memref_slice %arg3[%add3A, %dma_start3A_25, %dma_start3A_26] : memref<32x79x128xi32, #tpu.memory_space<hbm>> -> memref<1x79x128xi32, #tpu.memory_space<hbm>>
      %dma_start3A_28 = tpu.memref_squeeze %dma_start3A_27 : memref<1x79x128xi32, #tpu.memory_space<hbm>> -> memref<79x128xi32, #tpu.memory_space<hbm>>
      tpu.enqueue_dma source(%dma_start3A_28 : memref<79x128xi32, #tpu.memory_space<hbm>>) target(%arg8 : memref<79x128xi32, #tpu.memory_space<vmem>>) target_semaphore(%run_scoped3A : memref<!tpu.dma_semaphore, #tpu.memory_space<semaphore_mem>>)
      %dma_wait3A = arith.constant 0 : i32
      %dma_wait3A_29 = arith.constant 0 : i32
      %dma_wait3A_30 = tpu.memref_slice %arg3[%add3A, %dma_wait3A, %dma_wait3A_29] : memref<32x79x128xi32, #tpu.memory_space<hbm>> -> memref<1x79x128xi32, #tpu.memory_space<hbm>>
      %dma_wait3A_31 = tpu.memref_squeeze %dma_wait3A_30 : memref<1x79x128xi32, #tpu.memory_space<hbm>> -> memref<79x128xi32, #tpu.memory_space<hbm>>
      %dma_wait3A_32 = arith.constant 0 : i32
      %dma_wait3A_33 = arith.constant 0 : i32
      %dma_wait3A_34 = tpu.memref_slice %arg3[%add3A, %dma_wait3A_32, %dma_wait3A_33] : memref<32x79x128xi32, #tpu.memory_space<hbm>> -> memref<1x79x128xi32, #tpu.memory_space<hbm>>
      %dma_wait3A_35 = tpu.memref_squeeze %dma_wait3A_34 : memref<1x79x128xi32, #tpu.memory_space<hbm>> -> memref<79x128xi32, #tpu.memory_space<hbm>>
      tpu.wait_dma2 semaphore(%run_scoped3A : memref<!tpu.dma_semaphore, #tpu.memory_space<semaphore_mem>>) src(%dma_wait3A_35 : memref<79x128xi32, #tpu.memory_space<hbm>>) dst(%arg8 : memref<79x128xi32, #tpu.memory_space<vmem>>)
      tpu.yield
    }) : () -> ()
    "tpu.region"() ({
      %run_scoped3A = tpu.sem_alloc : memref<!tpu.dma_semaphore, #tpu.memory_space<semaphore_mem>>
      %dma_start3A = arith.constant 0 : i32
      %dma_start3A_22 = arith.constant 0 : i32
      %dma_start3A_23 = tpu.memref_slice %arg4[%add3A, %dma_start3A, %dma_start3A_22] : memref<32x79x128xi32, #tpu.memory_space<hbm>> -> memref<1x79x128xi32, #tpu.memory_space<hbm>>
      %dma_start3A_24 = tpu.memref_squeeze %dma_start3A_23 : memref<1x79x128xi32, #tpu.memory_space<hbm>> -> memref<79x128xi32, #tpu.memory_space<hbm>>
      %dma_start3A_25 = arith.constant 0 : i32
      %dma_start3A_26 = arith.constant 0 : i32
      %dma_start3A_27 = tpu.memref_slice %arg4[%add3A, %dma_start3A_25, %dma_start3A_26] : memref<32x79x128xi32, #tpu.memory_space<hbm>> -> memref<1x79x128xi32, #tpu.memory_space<hbm>>
      %dma_start3A_28 = tpu.memref_squeeze %dma_start3A_27 : memref<1x79x128xi32, #tpu.memory_space<hbm>> -> memref<79x128xi32, #tpu.memory_space<hbm>>
      tpu.enqueue_dma source(%dma_start3A_28 : memref<79x128xi32, #tpu.memory_space<hbm>>) target(%arg9 : memref<79x128xi32, #tpu.memory_space<vmem>>) target_semaphore(%run_scoped3A : memref<!tpu.dma_semaphore, #tpu.memory_space<semaphore_mem>>)
      %dma_wait3A = arith.constant 0 : i32
      %dma_wait3A_29 = arith.constant 0 : i32
      %dma_wait3A_30 = tpu.memref_slice %arg4[%add3A, %dma_wait3A, %dma_wait3A_29] : memref<32x79x128xi32, #tpu.memory_space<hbm>> -> memref<1x79x128xi32, #tpu.memory_space<hbm>>
      %dma_wait3A_31 = tpu.memref_squeeze %dma_wait3A_30 : memref<1x79x128xi32, #tpu.memory_space<hbm>> -> memref<79x128xi32, #tpu.memory_space<hbm>>
      %dma_wait3A_32 = arith.constant 0 : i32
      %dma_wait3A_33 = arith.constant 0 : i32
      %dma_wait3A_34 = tpu.memref_slice %arg4[%add3A, %dma_wait3A_32, %dma_wait3A_33] : memref<32x79x128xi32, #tpu.memory_space<hbm>> -> memref<1x79x128xi32, #tpu.memory_space<hbm>>
      %dma_wait3A_35 = tpu.memref_squeeze %dma_wait3A_34 : memref<1x79x128xi32, #tpu.memory_space<hbm>> -> memref<79x128xi32, #tpu.memory_space<hbm>>
      tpu.wait_dma2 semaphore(%run_scoped3A : memref<!tpu.dma_semaphore, #tpu.memory_space<semaphore_mem>>) src(%dma_wait3A_35 : memref<79x128xi32, #tpu.memory_space<hbm>>) dst(%arg9 : memref<79x128xi32, #tpu.memory_space<vmem>>)
      tpu.yield
    }) : () -> ()
    "tpu.region"() ({
      %run_scoped3A = tpu.sem_alloc : memref<!tpu.dma_semaphore, #tpu.memory_space<semaphore_mem>>
      %dma_start3A = arith.constant 0 : i32
      %dma_start3A_22 = arith.constant 0 : i32
      %dma_start3A_23 = tpu.memref_slice %arg5[%add3A, %dma_start3A, %dma_start3A_22] : memref<32x79x128xf32, #tpu.memory_space<hbm>> -> memref<1x79x128xf32, #tpu.memory_space<hbm>>
      %dma_start3A_24 = tpu.memref_squeeze %dma_start3A_23 : memref<1x79x128xf32, #tpu.memory_space<hbm>> -> memref<79x128xf32, #tpu.memory_space<hbm>>
      %dma_start3A_25 = arith.constant 0 : i32
      %dma_start3A_26 = arith.constant 0 : i32
      %dma_start3A_27 = tpu.memref_slice %arg5[%add3A, %dma_start3A_25, %dma_start3A_26] : memref<32x79x128xf32, #tpu.memory_space<hbm>> -> memref<1x79x128xf32, #tpu.memory_space<hbm>>
      %dma_start3A_28 = tpu.memref_squeeze %dma_start3A_27 : memref<1x79x128xf32, #tpu.memory_space<hbm>> -> memref<79x128xf32, #tpu.memory_space<hbm>>
      tpu.enqueue_dma source(%dma_start3A_28 : memref<79x128xf32, #tpu.memory_space<hbm>>) target(%arg10 : memref<79x128xf32, #tpu.memory_space<vmem>>) target_semaphore(%run_scoped3A : memref<!tpu.dma_semaphore, #tpu.memory_space<semaphore_mem>>)
      %dma_wait3A = arith.constant 0 : i32
      %dma_wait3A_29 = arith.constant 0 : i32
      %dma_wait3A_30 = tpu.memref_slice %arg5[%add3A, %dma_wait3A, %dma_wait3A_29] : memref<32x79x128xf32, #tpu.memory_space<hbm>> -> memref<1x79x128xf32, #tpu.memory_space<hbm>>
      %dma_wait3A_31 = tpu.memref_squeeze %dma_wait3A_30 : memref<1x79x128xf32, #tpu.memory_space<hbm>> -> memref<79x128xf32, #tpu.memory_space<hbm>>
      %dma_wait3A_32 = arith.constant 0 : i32
      %dma_wait3A_33 = arith.constant 0 : i32
      %dma_wait3A_34 = tpu.memref_slice %arg5[%add3A, %dma_wait3A_32, %dma_wait3A_33] : memref<32x79x128xf32, #tpu.memory_space<hbm>> -> memref<1x79x128xf32, #tpu.memory_space<hbm>>
      %dma_wait3A_35 = tpu.memref_squeeze %dma_wait3A_34 : memref<1x79x128xf32, #tpu.memory_space<hbm>> -> memref<79x128xf32, #tpu.memory_space<hbm>>
      tpu.wait_dma2 semaphore(%run_scoped3A : memref<!tpu.dma_semaphore, #tpu.memory_space<semaphore_mem>>) src(%dma_wait3A_35 : memref<79x128xf32, #tpu.memory_space<hbm>>) dst(%arg10 : memref<79x128xf32, #tpu.memory_space<vmem>>)
      tpu.yield
    }) : () -> ()
    %barrier3A = arith.constant 0 : index
    tpu.barrier barrier_id(%barrier3A)
    %scan3A = arith.constant 0 : i32
    %scan3A_7 = arith.constant 0 : i32
    %scan3A_8 = arith.constant 79 : i32
    %scan3A_9 = arith.addi %scan3A_7, %scan3A_8 : i32
    %scan3A_10 = arith.constant 1 : i32
    scf.for %scan3A_22 = %scan3A_7 to %scan3A_9 step %scan3A_10  : i32 {
      %dma_start3A = arith.constant 0 : i32
      %dma_start3A_23 = tpu.memref_slice %arg8[%scan3A_22, %dma_start3A] : memref<79x128xi32, #tpu.memory_space<vmem>> -> memref<1x128xi32, #tpu.memory_space<vmem>>
      %dma_start3A_24 = tpu.memref_squeeze %dma_start3A_23 : memref<1x128xi32, #tpu.memory_space<vmem>> -> memref<128xi32, #tpu.memory_space<vmem>>
      %dma_start3A_25 = arith.constant 0 : i32
      %dma_start3A_26 = arith.constant 0 : i32
      %dma_start3A_27 = tpu.memref_slice %arg2[%dma_start3A_25, %dma_start3A_26] : memref<10000x128xf32, #tpu.memory_space<hbm>> -> memref<10000x128xf32, #tpu.memory_space<hbm>>
      tpu.enqueue_indirect_dma source(%dma_start3A_27 : memref<10000x128xf32, #tpu.memory_space<hbm>>) target(%arg11 : memref<128x128xf32, #tpu.memory_space<vmem>>) offsets(%dma_start3A_24 : memref<128xi32, #tpu.memory_space<vmem>>) semaphore(%arg13 : memref<!tpu.dma_semaphore, #tpu.memory_space<semaphore_mem>>)
      %dma_wait3A = arith.constant 0 : i32
      %dma_wait3A_28 = tpu.memref_slice %arg8[%scan3A_22, %dma_wait3A] : memref<79x128xi32, #tpu.memory_space<vmem>> -> memref<1x128xi32, #tpu.memory_space<vmem>>
      %dma_wait3A_29 = tpu.memref_squeeze %dma_wait3A_28 : memref<1x128xi32, #tpu.memory_space<vmem>> -> memref<128xi32, #tpu.memory_space<vmem>>
      %dma_wait3A_30 = arith.constant 0 : i32
      %dma_wait3A_31 = arith.constant 0 : i32
      %dma_wait3A_32 = tpu.memref_slice %arg2[%dma_wait3A_30, %dma_wait3A_31] : memref<10000x128xf32, #tpu.memory_space<hbm>> -> memref<10000x128xf32, #tpu.memory_space<hbm>>
      tpu.wait_indirect_dma semaphore(%arg13 : memref<!tpu.dma_semaphore, #tpu.memory_space<semaphore_mem>>) src(%dma_wait3A_32 : memref<10000x128xf32, #tpu.memory_space<hbm>>) dst(%arg11 : memref<128x128xf32, #tpu.memory_space<vmem>>)
      %scan3A_33 = arith.constant 0 : i32
      %scan3A_34 = arith.constant 0 : i32
      %scan3A_35 = arith.constant 8 : i32
      %scan3A_36 = arith.addi %scan3A_34, %scan3A_35 : i32
      %scan3A_37 = arith.constant 1 : i32
      scf.for %scan3A_39 = %scan3A_34 to %scan3A_36 step %scan3A_37  : i32 {
        %mul3A_40 = arith.constant 16 : i32
        %mul3A_41 = arith.muli %scan3A_39, %mul3A_40 : i32
        %get3A = arith.index_cast %scan3A_22 : i32 to index
        %get3A_42 = arith.index_cast %mul3A_41 : i32 to index
        %get3A_43 = tpu.vector_load %arg10[%get3A, %get3A_42] {strides = array<i32>} : memref<79x128xf32, #tpu.memory_space<vmem>>, vector<1x16xf32>,
        %get3A_44 = vector.shape_cast %get3A_43 : vector<1x16xf32> to vector<16xf32>
        %slice3A = vector.extract_strided_slice %get3A_44 {offsets = [0], sizes = [1], strides = [1]} : vector<16xf32> to vector<1xf32>
        %squeeze3A = vector.extract %slice3A[0] : f32 from vector<1xf32>
        %add3A_45 = arith.constant 0 : i32
        %add3A_46 = arith.addi %mul3A_41, %add3A_45 : i32
        %get3A_47 = arith.index_cast %add3A_46 : i32 to index
        %get3A_48 = arith.constant 0 : index
        %get3A_49 = tpu.vector_load %arg11[%get3A_47, %get3A_48] {strides = array<i32>} : memref<128x128xf32, #tpu.memory_space<vmem>>, vector<1x16xf32>,
        %get3A_50 = vector.shape_cast %get3A_49 : vector<1x16xf32> to vector<16xf32>
        %mul3A_51 = vector.broadcast %squeeze3A : f32 to vector<16xf32>
        %mul3A_52 = arith.mulf %get3A_50, %mul3A_51 : vector<16xf32>
        %swap3A = arith.index_cast %add3A_46 : i32 to index
        %swap3A_53 = arith.constant 0 : index
        %swap3A_54 = tpu.vector_load %arg11[%swap3A, %swap3A_53] {strides = array<i32>} : memref<128x128xf32, #tpu.memory_space<vmem>>, vector<1x16xf32>,
        %swap3A_55 = vector.shape_cast %swap3A_54 : vector<1x16xf32> to vector<16xf32>
        %swap3A_56 = vector.shape_cast %mul3A_52 : vector<16xf32> to vector<1x16xf32>
        tpu.vector_store %arg11[%swap3A, %swap3A_53], %swap3A_56 {strides = array<i32>} : memref<128x128xf32, #tpu.memory_space<vmem>>, vector<1x16xf32>,
        %get3A_57 = arith.index_cast %add3A_46 : i32 to index
        %get3A_58 = arith.constant 16 : index
        %get3A_59 = tpu.vector_load %arg11[%get3A_57, %get3A_58] {strides = array<i32>} : memref<128x128xf32, #tpu.memory_space<vmem>>, vector<1x16xf32>,
        %get3A_60 = vector.shape_cast %get3A_59 : vector<1x16xf32> to vector<16xf32>
        %mul3A_61 = vector.broadcast %squeeze3A : f32 to vector<16xf32>
        %mul3A_62 = arith.mulf %get3A_60, %mul3A_61 : vector<16xf32>
        %swap3A_63 = arith.index_cast %add3A_46 : i32 to index
        %swap3A_64 = arith.constant 16 : index
        %swap3A_65 = tpu.vector_load %arg11[%swap3A_63, %swap3A_64] {strides = array<i32>} : memref<128x128xf32, #tpu.memory_space<vmem>>, vector<1x16xf32>,
        %swap3A_66 = vector.shape_cast %swap3A_65 : vector<1x16xf32> to vector<16xf32>
        %swap3A_67 = vector.shape_cast %mul3A_62 : vector<16xf32> to vector<1x16xf32>
        tpu.vector_store %arg11[%swap3A_63, %swap3A_64], %swap3A_67 {strides = array<i32>} : memref<128x128xf32, #tpu.memory_space<vmem>>, vector<1x16xf32>,
        %get3A_68 = arith.index_cast %add3A_46 : i32 to index
        %get3A_69 = arith.constant 32 : index
        %get3A_70 = tpu.vector_load %arg11[%get3A_68, %get3A_69] {strides = array<i32>} : memref<128x128xf32, #tpu.memory_space<vmem>>, vector<1x16xf32>,
        %get3A_71 = vector.shape_cast %get3A_70 : vector<1x16xf32> to vector<16xf32>
        %mul3A_72 = vector.broadcast %squeeze3A : f32 to vector<16xf32>
        %mul3A_73 = arith.mulf %get3A_71, %mul3A_72 : vector<16xf32>
        %swap3A_74 = arith.index_cast %add3A_46 : i32 to index
        %swap3A_75 = arith.constant 32 : index
        %swap3A_76 = tpu.vector_load %arg11[%swap3A_74, %swap3A_75] {strides = array<i32>} : memref<128x128xf32, #tpu.memory_space<vmem>>, vector<1x16xf32>,
        %swap3A_77 = vector.shape_cast %swap3A_76 : vector<1x16xf32> to vector<16xf32>
        %swap3A_78 = vector.shape_cast %mul3A_73 : vector<16xf32> to vector<1x16xf32>
        tpu.vector_store %arg11[%swap3A_74, %swap3A_75], %swap3A_78 {strides = array<i32>} : memref<128x128xf32, #tpu.memory_space<vmem>>, vector<1x16xf32>,
        %get3A_79 = arith.index_cast %add3A_46 : i32 to index
        %get3A_80 = arith.constant 48 : index
        %get3A_81 = tpu.vector_load %arg11[%get3A_79, %get3A_80] {strides = array<i32>} : memref<128x128xf32, #tpu.memory_space<vmem>>, vector<1x16xf32>,
        %get3A_82 = vector.shape_cast %get3A_81 : vector<1x16xf32> to vector<16xf32>
        %mul3A_83 = vector.broadcast %squeeze3A : f32 to vector<16xf32>
        %mul3A_84 = arith.mulf %get3A_82, %mul3A_83 : vector<16xf32>
        %swap3A_85 = arith.index_cast %add3A_46 : i32 to index
        %swap3A_86 = arith.constant 48 : index
        %swap3A_87 = tpu.vector_load %arg11[%swap3A_85, %swap3A_86] {strides = array<i32>} : memref<128x128xf32, #tpu.memory_space<vmem>>, vector<1x16xf32>,
        %swap3A_88 = vector.shape_cast %swap3A_87 : vector<1x16xf32> to vector<16xf32>
        %swap3A_89 = vector.shape_cast %mul3A_84 : vector<16xf32> to vector<1x16xf32>
        tpu.vector_store %arg11[%swap3A_85, %swap3A_86], %swap3A_89 {strides = array<i32>} : memref<128x128xf32, #tpu.memory_space<vmem>>, vector<1x16xf32>,
        %get3A_90 = arith.index_cast %add3A_46 : i32 to index
        %get3A_91 = arith.constant 64 : index
        %get3A_92 = tpu.vector_load %arg11[%get3A_90, %get3A_91] {strides = array<i32>} : memref<128x128xf32, #tpu.memory_space<vmem>>, vector<1x16xf32>,
        %get3A_93 = vector.shape_cast %get3A_92 : vector<1x16xf32> to vector<16xf32>
        %mul3A_94 = vector.broadcast %squeeze3A : f32 to vector<16xf32>
        %mul3A_95 = arith.mulf %get3A_93, %mul3A_94 : vector<16xf32>
        %swap3A_96 = arith.index_cast %add3A_46 : i32 to index
        %swap3A_97 = arith.constant 64 : index
        %swap3A_98 = tpu.vector_load %arg11[%swap3A_96, %swap3A_97] {strides = array<i32>} : memref<128x128xf32, #tpu.memory_space<vmem>>, vector<1x16xf32>,
        %swap3A_99 = vector.shape_cast %swap3A_98 : vector<1x16xf32> to vector<16xf32>
        %swap3A_100 = vector.shape_cast %mul3A_95 : vector<16xf32> to vector<1x16xf32>
        tpu.vector_store %arg11[%swap3A_96, %swap3A_97], %swap3A_100 {strides = array<i32>} : memref<128x128xf32, #tpu.memory_space<vmem>>, vector<1x16xf32>,
        %get3A_101 = arith.index_cast %add3A_46 : i32 to index
        %get3A_102 = arith.constant 80 : index
        %get3A_103 = tpu.vector_load %arg11[%get3A_101, %get3A_102] {strides = array<i32>} : memref<128x128xf32, #tpu.memory_space<vmem>>, vector<1x16xf32>,
        %get3A_104 = vector.shape_cast %get3A_103 : vector<1x16xf32> to vector<16xf32>
        %mul3A_105 = vector.broadcast %squeeze3A : f32 to vector<16xf32>
        %mul3A_106 = arith.mulf %get3A_104, %mul3A_105 : vector<16xf32>
        %swap3A_107 = arith.index_cast %add3A_46 : i32 to index
        %swap3A_108 = arith.constant 80 : index
        %swap3A_109 = tpu.vector_load %arg11[%swap3A_107, %swap3A_108] {strides = array<i32>} : memref<128x128xf32, #tpu.memory_space<vmem>>, vector<1x16xf32>,
        %swap3A_110 = vector.shape_cast %swap3A_109 : vector<1x16xf32> to vector<16xf32>
        %swap3A_111 = vector.shape_cast %mul3A_106 : vector<16xf32> to vector<1x16xf32>
        tpu.vector_store %arg11[%swap3A_107, %swap3A_108], %swap3A_111 {strides = array<i32>} : memref<128x128xf32, #tpu.memory_space<vmem>>, vector<1x16xf32>,
        %get3A_112 = arith.index_cast %add3A_46 : i32 to index
        %get3A_113 = arith.constant 96 : index
        %get3A_114 = tpu.vector_load %arg11[%get3A_112, %get3A_113] {strides = array<i32>} : memref<128x128xf32, #tpu.memory_space<vmem>>, vector<1x16xf32>,
        %get3A_115 = vector.shape_cast %get3A_114 : vector<1x16xf32> to vector<16xf32>
        %mul3A_116 = vector.broadcast %squeeze3A : f32 to vector<16xf32>
        %mul3A_117 = arith.mulf %get3A_115, %mul3A_116 : vector<16xf32>
        %swap3A_118 = arith.index_cast %add3A_46 : i32 to index
        %swap3A_119 = arith.constant 96 : index
        %swap3A_120 = tpu.vector_load %arg11[%swap3A_118, %swap3A_119] {strides = array<i32>} : memref<128x128xf32, #tpu.memory_space<vmem>>, vector<1x16xf32>,
        %swap3A_121 = vector.shape_cast %swap3A_120 : vector<1x16xf32> to vector<16xf32>
        %swap3A_122 = vector.shape_cast %mul3A_117 : vector<16xf32> to vector<1x16xf32>
        tpu.vector_store %arg11[%swap3A_118, %swap3A_119], %swap3A_122 {strides = array<i32>} : memref<128x128xf32, #tpu.memory_space<vmem>>, vector<1x16xf32>,
        %get3A_123 = arith.index_cast %add3A_46 : i32 to index
        %get3A_124 = arith.constant 112 : index
        %get3A_125 = tpu.vector_load %arg11[%get3A_123, %get3A_124] {strides = array<i32>} : memref<128x128xf32, #tpu.memory_space<vmem>>, vector<1x16xf32>,
        %get3A_126 = vector.shape_cast %get3A_125 : vector<1x16xf32> to vector<16xf32>
        %mul3A_127 = vector.broadcast %squeeze3A : f32 to vector<16xf32>
        %mul3A_128 = arith.mulf %get3A_126, %mul3A_127 : vector<16xf32>
        %swap3A_129 = arith.index_cast %add3A_46 : i32 to index
        %swap3A_130 = arith.constant 112 : index
        %swap3A_131 = tpu.vector_load %arg11[%swap3A_129, %swap3A_130] {strides = array<i32>} : memref<128x128xf32, #tpu.memory_space<vmem>>, vector<1x16xf32>,
        %swap3A_132 = vector.shape_cast %swap3A_131 : vector<1x16xf32> to vector<16xf32>
        %swap3A_133 = vector.shape_cast %mul3A_128 : vector<16xf32> to vector<1x16xf32>
        tpu.vector_store %arg11[%swap3A_129, %swap3A_130], %swap3A_133 {strides = array<i32>} : memref<128x128xf32, #tpu.memory_space<vmem>>, vector<1x16xf32>,
        %slice3A_134 = vector.extract_strided_slice %get3A_44 {offsets = [1], sizes = [1], strides = [1]} : vector<16xf32> to vector<1xf32>
        %squeeze3A_135 = vector.extract %slice3A_134[0] : f32 from vector<1xf32>
        %add3A_136 = arith.constant 1 : i32
        %add3A_137 = arith.addi %mul3A_41, %add3A_136 : i32
        %get3A_138 = arith.index_cast %add3A_137 : i32 to index
        %get3A_139 = arith.constant 0 : index
        %get3A_140 = tpu.vector_load %arg11[%get3A_138, %get3A_139] {strides = array<i32>} : memref<128x128xf32, #tpu.memory_space<vmem>>, vector<1x16xf32>,
        %get3A_141 = vector.shape_cast %get3A_140 : vector<1x16xf32> to vector<16xf32>
        %mul3A_142 = vector.broadcast %squeeze3A_135 : f32 to vector<16xf32>
        %mul3A_143 = arith.mulf %get3A_141, %mul3A_142 : vector<16xf32>
        %swap3A_144 = arith.index_cast %add3A_137 : i32 to index
        %swap3A_145 = arith.constant 0 : index
        %swap3A_146 = tpu.vector_load %arg11[%swap3A_144, %swap3A_145] {strides = array<i32>} : memref<128x128xf32, #tpu.memory_space<vmem>>, vector<1x16xf32>,
        %swap3A_147 = vector.shape_cast %swap3A_146 : vector<1x16xf32> to vector<16xf32>
        %swap3A_148 = vector.shape_cast %mul3A_143 : vector<16xf32> to vector<1x16xf32>
        tpu.vector_store %arg11[%swap3A_144, %swap3A_145], %swap3A_148 {strides = array<i32>} : memref<128x128xf32, #tpu.memory_space<vmem>>, vector<1x16xf32>,
        %get3A_149 = arith.index_cast %add3A_137 : i32 to index
        %get3A_150 = arith.constant 16 : index
        %get3A_151 = tpu.vector_load %arg11[%get3A_149, %get3A_150] {strides = array<i32>} : memref<128x128xf32, #tpu.memory_space<vmem>>, vector<1x16xf32>,
        %get3A_152 = vector.shape_cast %get3A_151 : vector<1x16xf32> to vector<16xf32>
        %mul3A_153 = vector.broadcast %squeeze3A_135 : f32 to vector<16xf32>
        %mul3A_154 = arith.mulf %get3A_152, %mul3A_153 : vector<16xf32>
        %swap3A_155 = arith.index_cast %add3A_137 : i32 to index
        %swap3A_156 = arith.constant 16 : index
        %swap3A_157 = tpu.vector_load %arg11[%swap3A_155, %swap3A_156] {strides = array<i32>} : memref<128x128xf32, #tpu.memory_space<vmem>>, vector<1x16xf32>,
        %swap3A_158 = vector.shape_cast %swap3A_157 : vector<1x16xf32> to vector<16xf32>
        %swap3A_159 = vector.shape_cast %mul3A_154 : vector<16xf32> to vector<1x16xf32>
        tpu.vector_store %arg11[%swap3A_155, %swap3A_156], %swap3A_159 {strides = array<i32>} : memref<128x128xf32, #tpu.memory_space<vmem>>, vector<1x16xf32>,
        %get3A_160 = arith.index_cast %add3A_137 : i32 to index
        %get3A_161 = arith.constant 32 : index
        %get3A_162 = tpu.vector_load %arg11[%get3A_160, %get3A_161] {strides = array<i32>} : memref<128x128xf32, #tpu.memory_space<vmem>>, vector<1x16xf32>,
        %get3A_163 = vector.shape_cast %get3A_162 : vector<1x16xf32> to vector<16xf32>
        %mul3A_164 = vector.broadcast %squeeze3A_135 : f32 to vector<16xf32>
        %mul3A_165 = arith.mulf %get3A_163, %mul3A_164 : vector<16xf32>
        %swap3A_166 = arith.index_cast %add3A_137 : i32 to index
        %swap3A_167 = arith.constant 32 : index
        %swap3A_168 = tpu.vector_load %arg11[%swap3A_166, %swap3A_167] {strides = array<i32>} : memref<128x128xf32, #tpu.memory_space<vmem>>, vector<1x16xf32>,
        %swap3A_169 = vector.shape_cast %swap3A_168 : vector<1x16xf32> to vector<16xf32>
        %swap3A_170 = vector.shape_cast %mul3A_165 : vector<16xf32> to vector<1x16xf32>
        tpu.vector_store %arg11[%swap3A_166, %swap3A_167], %swap3A_170 {strides = array<i32>} : memref<128x128xf32, #tpu.memory_space<vmem>>, vector<1x16xf32>,
        %get3A_171 = arith.index_cast %add3A_137 : i32 to index
        %get3A_172 = arith.constant 48 : index
        %get3A_173 = tpu.vector_load %arg11[%get3A_171, %get3A_172] {strides = array<i32>} : memref<128x128xf32, #tpu.memory_space<vmem>>, vector<1x16xf32>,
        %get3A_174 = vector.shape_cast %get3A_173 : vector<1x16xf32> to vector<16xf32>
        %mul3A_175 = vector.broadcast %squeeze3A_135 : f32 to vector<16xf32>
        %mul3A_176 = arith.mulf %get3A_174, %mul3A_175 : vector<16xf32>
        %swap3A_177 = arith.index_cast %add3A_137 : i32 to index
        %swap3A_178 = arith.constant 48 : index
        %swap3A_179 = tpu.vector_load %arg11[%swap3A_177, %swap3A_178] {strides = array<i32>} : memref<128x128xf32, #tpu.memory_space<vmem>>, vector<1x16xf32>,
        %swap3A_180 = vector.shape_cast %swap3A_179 : vector<1x16xf32> to vector<16xf32>
        %swap3A_181 = vector.shape_cast %mul3A_176 : vector<16xf32> to vector<1x16xf32>
        tpu.vector_store %arg11[%swap3A_177, %swap3A_178], %swap3A_181 {strides = array<i32>} : memref<128x128xf32, #tpu.memory_space<vmem>>, vector<1x16xf32>,
        %get3A_182 = arith.index_cast %add3A_137 : i32 to index
        %get3A_183 = arith.constant 64 : index
        %get3A_184 = tpu.vector_load %arg11[%get3A_182, %get3A_183] {strides = array<i32>} : memref<128x128xf32, #tpu.memory_space<vmem>>, vector<1x16xf32>,
        %get3A_185 = vector.shape_cast %get3A_184 : vector<1x16xf32> to vector<16xf32>
        %mul3A_186 = vector.broadcast %squeeze3A_135 : f32 to vector<16xf32>
        %mul3A_187 = arith.mulf %get3A_185, %mul3A_186 : vector<16xf32>
        %swap3A_188 = arith.index_cast %add3A_137 : i32 to index
        %swap3A_189 = arith.constant 64 : index
        %swap3A_190 = tpu.vector_load %arg11[%swap3A_188, %swap3A_189] {strides = array<i32>} : memref<128x128xf32, #tpu.memory_space<vmem>>, vector<1x16xf32>,
        %swap3A_191 = vector.shape_cast %swap3A_190 : vector<1x16xf32> to vector<16xf32>
        %swap3A_192 = vector.shape_cast %mul3A_187 : vector<16xf32> to vector<1x16xf32>
        tpu.vector_store %arg11[%swap3A_188, %swap3A_189], %swap3A_192 {strides = array<i32>} : memref<128x128xf32, #tpu.memory_space<vmem>>, vector<1x16xf32>,
        %get3A_193 = arith.index_cast %add3A_137 : i32 to index
        %get3A_194 = arith.constant 80 : index
        %get3A_195 = tpu.vector_load %arg11[%get3A_193, %get3A_194] {strides = array<i32>} : memref<128x128xf32, #tpu.memory_space<vmem>>, vector<1x16xf32>,
        %get3A_196 = vector.shape_cast %get3A_195 : vector<1x16xf32> to vector<16xf32>
        %mul3A_197 = vector.broadcast %squeeze3A_135 : f32 to vector<16xf32>
        %mul3A_198 = arith.mulf %get3A_196, %mul3A_197 : vector<16xf32>
        %swap3A_199 = arith.index_cast %add3A_137 : i32 to index
        %swap3A_200 = arith.constant 80 : index
        %swap3A_201 = tpu.vector_load %arg11[%swap3A_199, %swap3A_200] {strides = array<i32>} : memref<128x128xf32, #tpu.memory_space<vmem>>, vector<1x16xf32>,
        %swap3A_202 = vector.shape_cast %swap3A_201 : vector<1x16xf32> to vector<16xf32>
        %swap3A_203 = vector.shape_cast %mul3A_198 : vector<16xf32> to vector<1x16xf32>
        tpu.vector_store %arg11[%swap3A_199, %swap3A_200], %swap3A_203 {strides = array<i32>} : memref<128x128xf32, #tpu.memory_space<vmem>>, vector<1x16xf32>,
        %get3A_204 = arith.index_cast %add3A_137 : i32 to index
        %get3A_205 = arith.constant 96 : index
        %get3A_206 = tpu.vector_load %arg11[%get3A_204, %get3A_205] {strides = array<i32>} : memref<128x128xf32, #tpu.memory_space<vmem>>, vector<1x16xf32>,
        %get3A_207 = vector.shape_cast %get3A_206 : vector<1x16xf32> to vector<16xf32>
        %mul3A_208 = vector.broadcast %squeeze3A_135 : f32 to vector<16xf32>
        %mul3A_209 = arith.mulf %get3A_207, %mul3A_208 : vector<16xf32>
        %swap3A_210 = arith.index_cast %add3A_137 : i32 to index
        %swap3A_211 = arith.constant 96 : index
        %swap3A_212 = tpu.vector_load %arg11[%swap3A_210, %swap3A_211] {strides = array<i32>} : memref<128x128xf32, #tpu.memory_space<vmem>>, vector<1x16xf32>,
        %swap3A_213 = vector.shape_cast %swap3A_212 : vector<1x16xf32> to vector<16xf32>
        %swap3A_214 = vector.shape_cast %mul3A_209 : vector<16xf32> to vector<1x16xf32>
        tpu.vector_store %arg11[%swap3A_210, %swap3A_211], %swap3A_214 {strides = array<i32>} : memref<128x128xf32, #tpu.memory_space<vmem>>, vector<1x16xf32>,
        %get3A_215 = arith.index_cast %add3A_137 : i32 to index
        %get3A_216 = arith.constant 112 : index
        %get3A_217 = tpu.vector_load %arg11[%get3A_215, %get3A_216] {strides = array<i32>} : memref<128x128xf32, #tpu.memory_space<vmem>>, vector<1x16xf32>,
        %get3A_218 = vector.shape_cast %get3A_217 : vector<1x16xf32> to vector<16xf32>
        %mul3A_219 = vector.broadcast %squeeze3A_135 : f32 to vector<16xf32>
        %mul3A_220 = arith.mulf %get3A_218, %mul3A_219 : vector<16xf32>
        %swap3A_221 = arith.index_cast %add3A_137 : i32 to index
        %swap3A_222 = arith.constant 112 : index
        %swap3A_223 = tpu.vector_load %arg11[%swap3A_221, %swap3A_222] {strides = array<i32>} : memref<128x128xf32, #tpu.memory_space<vmem>>, vector<1x16xf32>,
        %swap3A_224 = vector.shape_cast %swap3A_223 : vector<1x16xf32> to vector<16xf32>
        %swap3A_225 = vector.shape_cast %mul3A_220 : vector<16xf32> to vector<1x16xf32>
        tpu.vector_store %arg11[%swap3A_221, %swap3A_222], %swap3A_225 {strides = array<i32>} : memref<128x128xf32, #tpu.memory_space<vmem>>, vector<1x16xf32>,
        %slice3A_226 = vector.extract_strided_slice %get3A_44 {offsets = [2], sizes = [1], strides = [1]} : vector<16xf32> to vector<1xf32>
        %squeeze3A_227 = vector.extract %slice3A_226[0] : f32 from vector<1xf32>
        %add3A_228 = arith.constant 2 : i32
        %add3A_229 = arith.addi %mul3A_41, %add3A_228 : i32
        %get3A_230 = arith.index_cast %add3A_229 : i32 to index
        %get3A_231 = arith.constant 0 : index
        %get3A_232 = tpu.vector_load %arg11[%get3A_230, %get3A_231] {strides = array<i32>} : memref<128x128xf32, #tpu.memory_space<vmem>>, vector<1x16xf32>,
        %get3A_233 = vector.shape_cast %get3A_232 : vector<1x16xf32> to vector<16xf32>
        %mul3A_234 = vector.broadcast %squeeze3A_227 : f32 to vector<16xf32>
        %mul3A_235 = arith.mulf %get3A_233, %mul3A_234 : vector<16xf32>
        %swap3A_236 = arith.index_cast %add3A_229 : i32 to index
        %swap3A_237 = arith.constant 0 : index
        %swap3A_238 = tpu.vector_load %arg11[%swap3A_236, %swap3A_237] {strides = array<i32>} : memref<128x128xf32, #tpu.memory_space<vmem>>, vector<1x16xf32>,
        %swap3A_239 = vector.shape_cast %swap3A_238 : vector<1x16xf32> to vector<16xf32>
        %swap3A_240 = vector.shape_cast %mul3A_235 : vector<16xf32> to vector<1x16xf32>
        tpu.vector_store %arg11[%swap3A_236, %swap3A_237], %swap3A_240 {strides = array<i32>} : memref<128x128xf32, #tpu.memory_space<vmem>>, vector<1x16xf32>,
        %get3A_241 = arith.index_cast %add3A_229 : i32 to index
        %get3A_242 = arith.constant 16 : index
        %get3A_243 = tpu.vector_load %arg11[%get3A_241, %get3A_242] {strides = array<i32>} : memref<128x128xf32, #tpu.memory_space<vmem>>, vector<1x16xf32>,
        %get3A_244 = vector.shape_cast %get3A_243 : vector<1x16xf32> to vector<16xf32>
        %mul3A_245 = vector.broadcast %squeeze3A_227 : f32 to vector<16xf32>
        %mul3A_246 = arith.mulf %get3A_244, %mul3A_245 : vector<16xf32>
        %swap3A_247 = arith.index_cast %add3A_229 : i32 to index
        %swap3A_248 = arith.constant 16 : index
        %swap3A_249 = tpu.vector_load %arg11[%swap3A_247, %swap3A_248] {strides = array<i32>} : memref<128x128xf32, #tpu.memory_space<vmem>>, vector<1x16xf32>,
        %swap3A_250 = vector.shape_cast %swap3A_249 : vector<1x16xf32> to vector<16xf32>
        %swap3A_251 = vector.shape_cast %mul3A_246 : vector<16xf32> to vector<1x16xf32>
        tpu.vector_store %arg11[%swap3A_247, %swap3A_248], %swap3A_251 {strides = array<i32>} : memref<128x128xf32, #tpu.memory_space<vmem>>, vector<1x16xf32>,
        %get3A_252 = arith.index_cast %add3A_229 : i32 to index
        %get3A_253 = arith.constant 32 : index
        %get3A_254 = tpu.vector_load %arg11[%get3A_252, %get3A_253] {strides = array<i32>} : memref<128x128xf32, #tpu.memory_space<vmem>>, vector<1x16xf32>,
        %get3A_255 = vector.shape_cast %get3A_254 : vector<1x16xf32> to vector<16xf32>
        %mul3A_256 = vector.broadcast %squeeze3A_227 : f32 to vector<16xf32>
        %mul3A_257 = arith.mulf %get3A_255, %mul3A_256 : vector<16xf32>
        %swap3A_258 = arith.index_cast %add3A_229 : i32 to index
        %swap3A_259 = arith.constant 32 : index
        %swap3A_260 = tpu.vector_load %arg11[%swap3A_258, %swap3A_259] {strides = array<i32>} : memref<128x128xf32, #tpu.memory_space<vmem>>, vector<1x16xf32>,
        %swap3A_261 = vector.shape_cast %swap3A_260 : vector<1x16xf32> to vector<16xf32>
        %swap3A_262 = vector.shape_cast %mul3A_257 : vector<16xf32> to vector<1x16xf32>
        tpu.vector_store %arg11[%swap3A_258, %swap3A_259], %swap3A_262 {strides = array<i32>} : memref<128x128xf32, #tpu.memory_space<vmem>>, vector<1x16xf32>,
        %get3A_263 = arith.index_cast %add3A_229 : i32 to index
        %get3A_264 = arith.constant 48 : index
        %get3A_265 = tpu.vector_load %arg11[%get3A_263, %get3A_264] {strides = array<i32>} : memref<128x128xf32, #tpu.memory_space<vmem>>, vector<1x16xf32>,
        %get3A_266 = vector.shape_cast %get3A_265 : vector<1x16xf32> to vector<16xf32>
        %mul3A_267 = vector.broadcast %squeeze3A_227 : f32 to vector<16xf32>
        %mul3A_268 = arith.mulf %get3A_266, %mul3A_267 : vector<16xf32>
        %swap3A_269 = arith.index_cast %add3A_229 : i32 to index
        %swap3A_270 = arith.constant 48 : index
        %swap3A_271 = tpu.vector_load %arg11[%swap3A_269, %swap3A_270] {strides = array<i32>} : memref<128x128xf32, #tpu.memory_space<vmem>>, vector<1x16xf32>,
        %swap3A_272 = vector.shape_cast %swap3A_271 : vector<1x16xf32> to vector<16xf32>
        %swap3A_273 = vector.shape_cast %mul3A_268 : vector<16xf32> to vector<1x16xf32>
        tpu.vector_store %arg11[%swap3A_269, %swap3A_270], %swap3A_273 {strides = array<i32>} : memref<128x128xf32, #tpu.memory_space<vmem>>, vector<1x16xf32>,
        %get3A_274 = arith.index_cast %add3A_229 : i32 to index
        %get3A_275 = arith.constant 64 : index
        %get3A_276 = tpu.vector_load %arg11[%get3A_274, %get3A_275] {strides = array<i32>} : memref<128x128xf32, #tpu.memory_space<vmem>>, vector<1x16xf32>,
        %get3A_277 = vector.shape_cast %get3A_276 : vector<1x16xf32> to vector<16xf32>
        %mul3A_278 = vector.broadcast %squeeze3A_227 : f32 to vector<16xf32>
        %mul3A_279 = arith.mulf %get3A_277, %mul3A_278 : vector<16xf32>
        %swap3A_280 = arith.index_cast %add3A_229 : i32 to index
        %swap3A_281 = arith.constant 64 : index
        %swap3A_282 = tpu.vector_load %arg11[%swap3A_280, %swap3A_281] {strides = array<i32>} : memref<128x128xf32, #tpu.memory_space<vmem>>, vector<1x16xf32>,
        %swap3A_283 = vector.shape_cast %swap3A_282 : vector<1x16xf32> to vector<16xf32>
        %swap3A_284 = vector.shape_cast %mul3A_279 : vector<16xf32> to vector<1x16xf32>
        tpu.vector_store %arg11[%swap3A_280, %swap3A_281], %swap3A_284 {strides = array<i32>} : memref<128x128xf32, #tpu.memory_space<vmem>>, vector<1x16xf32>,
        %get3A_285 = arith.index_cast %add3A_229 : i32 to index
        %get3A_286 = arith.constant 80 : index
        %get3A_287 = tpu.vector_load %arg11[%get3A_285, %get3A_286] {strides = array<i32>} : memref<128x128xf32, #tpu.memory_space<vmem>>, vector<1x16xf32>,
        %get3A_288 = vector.shape_cast %get3A_287 : vector<1x16xf32> to vector<16xf32>
        %mul3A_289 = vector.broadcast %squeeze3A_227 : f32 to vector<16xf32>
        %mul3A_290 = arith.mulf %get3A_288, %mul3A_289 : vector<16xf32>
        %swap3A_291 = arith.index_cast %add3A_229 : i32 to index
        %swap3A_292 = arith.constant 80 : index
        %swap3A_293 = tpu.vector_load %arg11[%swap3A_291, %swap3A_292] {strides = array<i32>} : memref<128x128xf32, #tpu.memory_space<vmem>>, vector<1x16xf32>,
        %swap3A_294 = vector.shape_cast %swap3A_293 : vector<1x16xf32> to vector<16xf32>
        %swap3A_295 = vector.shape_cast %mul3A_290 : vector<16xf32> to vector<1x16xf32>
        tpu.vector_store %arg11[%swap3A_291, %swap3A_292], %swap3A_295 {strides = array<i32>} : memref<128x128xf32, #tpu.memory_space<vmem>>, vector<1x16xf32>,
        %get3A_296 = arith.index_cast %add3A_229 : i32 to index
        %get3A_297 = arith.constant 96 : index
        %get3A_298 = tpu.vector_load %arg11[%get3A_296, %get3A_297] {strides = array<i32>} : memref<128x128xf32, #tpu.memory_space<vmem>>, vector<1x16xf32>,
        %get3A_299 = vector.shape_cast %get3A_298 : vector<1x16xf32> to vector<16xf32>
        %mul3A_300 = vector.broadcast %squeeze3A_227 : f32 to vector<16xf32>
        %mul3A_301 = arith.mulf %get3A_299, %mul3A_300 : vector<16xf32>
        %swap3A_302 = arith.index_cast %add3A_229 : i32 to index
        %swap3A_303 = arith.constant 96 : index
        %swap3A_304 = tpu.vector_load %arg11[%swap3A_302, %swap3A_303] {strides = array<i32>} : memref<128x128xf32, #tpu.memory_space<vmem>>, vector<1x16xf32>,
        %swap3A_305 = vector.shape_cast %swap3A_304 : vector<1x16xf32> to vector<16xf32>
        %swap3A_306 = vector.shape_cast %mul3A_301 : vector<16xf32> to vector<1x16xf32>
        tpu.vector_store %arg11[%swap3A_302, %swap3A_303], %swap3A_306 {strides = array<i32>} : memref<128x128xf32, #tpu.memory_space<vmem>>, vector<1x16xf32>,
        %get3A_307 = arith.index_cast %add3A_229 : i32 to index
        %get3A_308 = arith.constant 112 : index
        %get3A_309 = tpu.vector_load %arg11[%get3A_307, %get3A_308] {strides = array<i32>} : memref<128x128xf32, #tpu.memory_space<vmem>>, vector<1x16xf32>,
        %get3A_310 = vector.shape_cast %get3A_309 : vector<1x16xf32> to vector<16xf32>
        %mul3A_311 = vector.broadcast %squeeze3A_227 : f32 to vector<16xf32>
        %mul3A_312 = arith.mulf %get3A_310, %mul3A_311 : vector<16xf32>
        %swap3A_313 = arith.index_cast %add3A_229 : i32 to index
        %swap3A_314 = arith.constant 112 : index
        %swap3A_315 = tpu.vector_load %arg11[%swap3A_313, %swap3A_314] {strides = array<i32>} : memref<128x128xf32, #tpu.memory_space<vmem>>, vector<1x16xf32>,
        %swap3A_316 = vector.shape_cast %swap3A_315 : vector<1x16xf32> to vector<16xf32>
        %swap3A_317 = vector.shape_cast %mul3A_312 : vector<16xf32> to vector<1x16xf32>
        tpu.vector_store %arg11[%swap3A_313, %swap3A_314], %swap3A_317 {strides = array<i32>} : memref<128x128xf32, #tpu.memory_space<vmem>>, vector<1x16xf32>,
        %slice3A_318 = vector.extract_strided_slice %get3A_44 {offsets = [3], sizes = [1], strides = [1]} : vector<16xf32> to vector<1xf32>
        %squeeze3A_319 = vector.extract %slice3A_318[0] : f32 from vector<1xf32>
        %add3A_320 = arith.constant 3 : i32
        %add3A_321 = arith.addi %mul3A_41, %add3A_320 : i32
        %get3A_322 = arith.index_cast %add3A_321 : i32 to index
        %get3A_323 = arith.constant 0 : index
        %get3A_324 = tpu.vector_load %arg11[%get3A_322, %get3A_323] {strides = array<i32>} : memref<128x128xf32, #tpu.memory_space<vmem>>, vector<1x16xf32>,
        %get3A_325 = vector.shape_cast %get3A_324 : vector<1x16xf32> to vector<16xf32>
        %mul3A_326 = vector.broadcast %squeeze3A_319 : f32 to vector<16xf32>
        %mul3A_327 = arith.mulf %get3A_325, %mul3A_326 : vector<16xf32>
        %swap3A_328 = arith.index_cast %add3A_321 : i32 to index
        %swap3A_329 = arith.constant 0 : index
        %swap3A_330 = tpu.vector_load %arg11[%swap3A_328, %swap3A_329] {strides = array<i32>} : memref<128x128xf32, #tpu.memory_space<vmem>>, vector<1x16xf32>,
        %swap3A_331 = vector.shape_cast %swap3A_330 : vector<1x16xf32> to vector<16xf32>
        %swap3A_332 = vector.shape_cast %mul3A_327 : vector<16xf32> to vector<1x16xf32>
        tpu.vector_store %arg11[%swap3A_328, %swap3A_329], %swap3A_332 {strides = array<i32>} : memref<128x128xf32, #tpu.memory_space<vmem>>, vector<1x16xf32>,
        %get3A_333 = arith.index_cast %add3A_321 : i32 to index
        %get3A_334 = arith.constant 16 : index
        %get3A_335 = tpu.vector_load %arg11[%get3A_333, %get3A_334] {strides = array<i32>} : memref<128x128xf32, #tpu.memory_space<vmem>>, vector<1x16xf32>,
        %get3A_336 = vector.shape_cast %get3A_335 : vector<1x16xf32> to vector<16xf32>
        %mul3A_337 = vector.broadcast %squeeze3A_319 : f32 to vector<16xf32>
        %mul3A_338 = arith.mulf %get3A_336, %mul3A_337 : vector<16xf32>
        %swap3A_339 = arith.index_cast %add3A_321 : i32 to index
        %swap3A_340 = arith.constant 16 : index
        %swap3A_341 = tpu.vector_load %arg11[%swap3A_339, %swap3A_340] {strides = array<i32>} : memref<128x128xf32, #tpu.memory_space<vmem>>, vector<1x16xf32>,
        %swap3A_342 = vector.shape_cast %swap3A_341 : vector<1x16xf32> to vector<16xf32>
        %swap3A_343 = vector.shape_cast %mul3A_338 : vector<16xf32> to vector<1x16xf32>
        tpu.vector_store %arg11[%swap3A_339, %swap3A_340], %swap3A_343 {strides = array<i32>} : memref<128x128xf32, #tpu.memory_space<vmem>>, vector<1x16xf32>,
        %get3A_344 = arith.index_cast %add3A_321 : i32 to index
        %get3A_345 = arith.constant 32 : index
        %get3A_346 = tpu.vector_load %arg11[%get3A_344, %get3A_345] {strides = array<i32>} : memref<128x128xf32, #tpu.memory_space<vmem>>, vector<1x16xf32>,
        %get3A_347 = vector.shape_cast %get3A_346 : vector<1x16xf32> to vector<16xf32>
        %mul3A_348 = vector.broadcast %squeeze3A_319 : f32 to vector<16xf32>
        %mul3A_349 = arith.mulf %get3A_347, %mul3A_348 : vector<16xf32>
        %swap3A_350 = arith.index_cast %add3A_321 : i32 to index
        %swap3A_351 = arith.constant 32 : index
        %swap3A_352 = tpu.vector_load %arg11[%swap3A_350, %swap3A_351] {strides = array<i32>} : memref<128x128xf32, #tpu.memory_space<vmem>>, vector<1x16xf32>,
        %swap3A_353 = vector.shape_cast %swap3A_352 : vector<1x16xf32> to vector<16xf32>
        %swap3A_354 = vector.shape_cast %mul3A_349 : vector<16xf32> to vector<1x16xf32>
        tpu.vector_store %arg11[%swap3A_350, %swap3A_351], %swap3A_354 {strides = array<i32>} : memref<128x128xf32, #tpu.memory_space<vmem>>, vector<1x16xf32>,
        %get3A_355 = arith.index_cast %add3A_321 : i32 to index
        %get3A_356 = arith.constant 48 : index
        %get3A_357 = tpu.vector_load %arg11[%get3A_355, %get3A_356] {strides = array<i32>} : memref<128x128xf32, #tpu.memory_space<vmem>>, vector<1x16xf32>,
        %get3A_358 = vector.shape_cast %get3A_357 : vector<1x16xf32> to vector<16xf32>
        %mul3A_359 = vector.broadcast %squeeze3A_319 : f32 to vector<16xf32>
        %mul3A_360 = arith.mulf %get3A_358, %mul3A_359 : vector<16xf32>
        %swap3A_361 = arith.index_cast %add3A_321 : i32 to index
        %swap3A_362 = arith.constant 48 : index
        %swap3A_363 = tpu.vector_load %arg11[%swap3A_361, %swap3A_362] {strides = array<i32>} : memref<128x128xf32, #tpu.memory_space<vmem>>, vector<1x16xf32>,
        %swap3A_364 = vector.shape_cast %swap3A_363 : vector<1x16xf32> to vector<16xf32>
        %swap3A_365 = vector.shape_cast %mul3A_360 : vector<16xf32> to vector<1x16xf32>
        tpu.vector_store %arg11[%swap3A_361, %swap3A_362], %swap3A_365 {strides = array<i32>} : memref<128x128xf32, #tpu.memory_space<vmem>>, vector<1x16xf32>,
        %get3A_366 = arith.index_cast %add3A_321 : i32 to index
        %get3A_367 = arith.constant 64 : index
        %get3A_368 = tpu.vector_load %arg11[%get3A_366, %get3A_367] {strides = array<i32>} : memref<128x128xf32, #tpu.memory_space<vmem>>, vector<1x16xf32>,
        %get3A_369 = vector.shape_cast %get3A_368 : vector<1x16xf32> to vector<16xf32>
        %mul3A_370 = vector.broadcast %squeeze3A_319 : f32 to vector<16xf32>
        %mul3A_371 = arith.mulf %get3A_369, %mul3A_370 : vector<16xf32>
        %swap3A_372 = arith.index_cast %add3A_321 : i32 to index
        %swap3A_373 = arith.constant 64 : index
        %swap3A_374 = tpu.vector_load %arg11[%swap3A_372, %swap3A_373] {strides = array<i32>} : memref<128x128xf32, #tpu.memory_space<vmem>>, vector<1x16xf32>,
        %swap3A_375 = vector.shape_cast %swap3A_374 : vector<1x16xf32> to vector<16xf32>
        %swap3A_376 = vector.shape_cast %mul3A_371 : vector<16xf32> to vector<1x16xf32>
        tpu.vector_store %arg11[%swap3A_372, %swap3A_373], %swap3A_376 {strides = array<i32>} : memref<128x128xf32, #tpu.memory_space<vmem>>, vector<1x16xf32>,
        %get3A_377 = arith.index_cast %add3A_321 : i32 to index
        %get3A_378 = arith.constant 80 : index
        %get3A_379 = tpu.vector_load %arg11[%get3A_377, %get3A_378] {strides = array<i32>} : memref<128x128xf32, #tpu.memory_space<vmem>>, vector<1x16xf32>,
        %get3A_380 = vector.shape_cast %get3A_379 : vector<1x16xf32> to vector<16xf32>
        %mul3A_381 = vector.broadcast %squeeze3A_319 : f32 to vector<16xf32>
        %mul3A_382 = arith.mulf %get3A_380, %mul3A_381 : vector<16xf32>
        %swap3A_383 = arith.index_cast %add3A_321 : i32 to index
        %swap3A_384 = arith.constant 80 : index
        %swap3A_385 = tpu.vector_load %arg11[%swap3A_383, %swap3A_384] {strides = array<i32>} : memref<128x128xf32, #tpu.memory_space<vmem>>, vector<1x16xf32>,
        %swap3A_386 = vector.shape_cast %swap3A_385 : vector<1x16xf32> to vector<16xf32>
        %swap3A_387 = vector.shape_cast %mul3A_382 : vector<16xf32> to vector<1x16xf32>
        tpu.vector_store %arg11[%swap3A_383, %swap3A_384], %swap3A_387 {strides = array<i32>} : memref<128x128xf32, #tpu.memory_space<vmem>>, vector<1x16xf32>,
        %get3A_388 = arith.index_cast %add3A_321 : i32 to index
        %get3A_389 = arith.constant 96 : index
        %get3A_390 = tpu.vector_load %arg11[%get3A_388, %get3A_389] {strides = array<i32>} : memref<128x128xf32, #tpu.memory_space<vmem>>, vector<1x16xf32>,
        %get3A_391 = vector.shape_cast %get3A_390 : vector<1x16xf32> to vector<16xf32>
        %mul3A_392 = vector.broadcast %squeeze3A_319 : f32 to vector<16xf32>
        %mul3A_393 = arith.mulf %get3A_391, %mul3A_392 : vector<16xf32>
        %swap3A_394 = arith.index_cast %add3A_321 : i32 to index
        %swap3A_395 = arith.constant 96 : index
        %swap3A_396 = tpu.vector_load %arg11[%swap3A_394, %swap3A_395] {strides = array<i32>} : memref<128x128xf32, #tpu.memory_space<vmem>>, vector<1x16xf32>,
        %swap3A_397 = vector.shape_cast %swap3A_396 : vector<1x16xf32> to vector<16xf32>
        %swap3A_398 = vector.shape_cast %mul3A_393 : vector<16xf32> to vector<1x16xf32>
        tpu.vector_store %arg11[%swap3A_394, %swap3A_395], %swap3A_398 {strides = array<i32>} : memref<128x128xf32, #tpu.memory_space<vmem>>, vector<1x16xf32>,
        %get3A_399 = arith.index_cast %add3A_321 : i32 to index
        %get3A_400 = arith.constant 112 : index
        %get3A_401 = tpu.vector_load %arg11[%get3A_399, %get3A_400] {strides = array<i32>} : memref<128x128xf32, #tpu.memory_space<vmem>>, vector<1x16xf32>,
        %get3A_402 = vector.shape_cast %get3A_401 : vector<1x16xf32> to vector<16xf32>
        %mul3A_403 = vector.broadcast %squeeze3A_319 : f32 to vector<16xf32>
        %mul3A_404 = arith.mulf %get3A_402, %mul3A_403 : vector<16xf32>
        %swap3A_405 = arith.index_cast %add3A_321 : i32 to index
        %swap3A_406 = arith.constant 112 : index
        %swap3A_407 = tpu.vector_load %arg11[%swap3A_405, %swap3A_406] {strides = array<i32>} : memref<128x128xf32, #tpu.memory_space<vmem>>, vector<1x16xf32>,
        %swap3A_408 = vector.shape_cast %swap3A_407 : vector<1x16xf32> to vector<16xf32>
        %swap3A_409 = vector.shape_cast %mul3A_404 : vector<16xf32> to vector<1x16xf32>
        tpu.vector_store %arg11[%swap3A_405, %swap3A_406], %swap3A_409 {strides = array<i32>} : memref<128x128xf32, #tpu.memory_space<vmem>>, vector<1x16xf32>,
        %slice3A_410 = vector.extract_strided_slice %get3A_44 {offsets = [4], sizes = [1], strides = [1]} : vector<16xf32> to vector<1xf32>
        %squeeze3A_411 = vector.extract %slice3A_410[0] : f32 from vector<1xf32>
        %add3A_412 = arith.constant 4 : i32
        %add3A_413 = arith.addi %mul3A_41, %add3A_412 : i32
        %get3A_414 = arith.index_cast %add3A_413 : i32 to index
        %get3A_415 = arith.constant 0 : index
        %get3A_416 = tpu.vector_load %arg11[%get3A_414, %get3A_415] {strides = array<i32>} : memref<128x128xf32, #tpu.memory_space<vmem>>, vector<1x16xf32>,
        %get3A_417 = vector.shape_cast %get3A_416 : vector<1x16xf32> to vector<16xf32>
        %mul3A_418 = vector.broadcast %squeeze3A_411 : f32 to vector<16xf32>
        %mul3A_419 = arith.mulf %get3A_417, %mul3A_418 : vector<16xf32>
        %swap3A_420 = arith.index_cast %add3A_413 : i32 to index
        %swap3A_421 = arith.constant 0 : index
        %swap3A_422 = tpu.vector_load %arg11[%swap3A_420, %swap3A_421] {strides = array<i32>} : memref<128x128xf32, #tpu.memory_space<vmem>>, vector<1x16xf32>,
        %swap3A_423 = vector.shape_cast %swap3A_422 : vector<1x16xf32> to vector<16xf32>
        %swap3A_424 = vector.shape_cast %mul3A_419 : vector<16xf32> to vector<1x16xf32>
        tpu.vector_store %arg11[%swap3A_420, %swap3A_421], %swap3A_424 {strides = array<i32>} : memref<128x128xf32, #tpu.memory_space<vmem>>, vector<1x16xf32>,
        %get3A_425 = arith.index_cast %add3A_413 : i32 to index
        %get3A_426 = arith.constant 16 : index
        %get3A_427 = tpu.vector_load %arg11[%get3A_425, %get3A_426] {strides = array<i32>} : memref<128x128xf32, #tpu.memory_space<vmem>>, vector<1x16xf32>,
        %get3A_428 = vector.shape_cast %get3A_427 : vector<1x16xf32> to vector<16xf32>
        %mul3A_429 = vector.broadcast %squeeze3A_411 : f32 to vector<16xf32>
        %mul3A_430 = arith.mulf %get3A_428, %mul3A_429 : vector<16xf32>
        %swap3A_431 = arith.index_cast %add3A_413 : i32 to index
        %swap3A_432 = arith.constant 16 : index
        %swap3A_433 = tpu.vector_load %arg11[%swap3A_431, %swap3A_432] {strides = array<i32>} : memref<128x128xf32, #tpu.memory_space<vmem>>, vector<1x16xf32>,
        %swap3A_434 = vector.shape_cast %swap3A_433 : vector<1x16xf32> to vector<16xf32>
        %swap3A_435 = vector.shape_cast %mul3A_430 : vector<16xf32> to vector<1x16xf32>
        tpu.vector_store %arg11[%swap3A_431, %swap3A_432], %swap3A_435 {strides = array<i32>} : memref<128x128xf32, #tpu.memory_space<vmem>>, vector<1x16xf32>,
        %get3A_436 = arith.index_cast %add3A_413 : i32 to index
        %get3A_437 = arith.constant 32 : index
        %get3A_438 = tpu.vector_load %arg11[%get3A_436, %get3A_437] {strides = array<i32>} : memref<128x128xf32, #tpu.memory_space<vmem>>, vector<1x16xf32>,
        %get3A_439 = vector.shape_cast %get3A_438 : vector<1x16xf32> to vector<16xf32>
        %mul3A_440 = vector.broadcast %squeeze3A_411 : f32 to vector<16xf32>
        %mul3A_441 = arith.mulf %get3A_439, %mul3A_440 : vector<16xf32>
        %swap3A_442 = arith.index_cast %add3A_413 : i32 to index
        %swap3A_443 = arith.constant 32 : index
        %swap3A_444 = tpu.vector_load %arg11[%swap3A_442, %swap3A_443] {strides = array<i32>} : memref<128x128xf32, #tpu.memory_space<vmem>>, vector<1x16xf32>,
        %swap3A_445 = vector.shape_cast %swap3A_444 : vector<1x16xf32> to vector<16xf32>
        %swap3A_446 = vector.shape_cast %mul3A_441 : vector<16xf32> to vector<1x16xf32>
        tpu.vector_store %arg11[%swap3A_442, %swap3A_443], %swap3A_446 {strides = array<i32>} : memref<128x128xf32, #tpu.memory_space<vmem>>, vector<1x16xf32>,
        %get3A_447 = arith.index_cast %add3A_413 : i32 to index
        %get3A_448 = arith.constant 48 : index
        %get3A_449 = tpu.vector_load %arg11[%get3A_447, %get3A_448] {strides = array<i32>} : memref<128x128xf32, #tpu.memory_space<vmem>>, vector<1x16xf32>,
        %get3A_450 = vector.shape_cast %get3A_449 : vector<1x16xf32> to vector<16xf32>
        %mul3A_451 = vector.broadcast %squeeze3A_411 : f32 to vector<16xf32>
        %mul3A_452 = arith.mulf %get3A_450, %mul3A_451 : vector<16xf32>
        %swap3A_453 = arith.index_cast %add3A_413 : i32 to index
        %swap3A_454 = arith.constant 48 : index
        %swap3A_455 = tpu.vector_load %arg11[%swap3A_453, %swap3A_454] {strides = array<i32>} : memref<128x128xf32, #tpu.memory_space<vmem>>, vector<1x16xf32>,
        %swap3A_456 = vector.shape_cast %swap3A_455 : vector<1x16xf32> to vector<16xf32>
        %swap3A_457 = vector.shape_cast %mul3A_452 : vector<16xf32> to vector<1x16xf32>
        tpu.vector_store %arg11[%swap3A_453, %swap3A_454], %swap3A_457 {strides = array<i32>} : memref<128x128xf32, #tpu.memory_space<vmem>>, vector<1x16xf32>,
        %get3A_458 = arith.index_cast %add3A_413 : i32 to index
        %get3A_459 = arith.constant 64 : index
        %get3A_460 = tpu.vector_load %arg11[%get3A_458, %get3A_459] {strides = array<i32>} : memref<128x128xf32, #tpu.memory_space<vmem>>, vector<1x16xf32>,
        %get3A_461 = vector.shape_cast %get3A_460 : vector<1x16xf32> to vector<16xf32>
        %mul3A_462 = vector.broadcast %squeeze3A_411 : f32 to vector<16xf32>
        %mul3A_463 = arith.mulf %get3A_461, %mul3A_462 : vector<16xf32>
        %swap3A_464 = arith.index_cast %add3A_413 : i32 to index
        %swap3A_465 = arith.constant 64 : index
        %swap3A_466 = tpu.vector_load %arg11[%swap3A_464, %swap3A_465] {strides = array<i32>} : memref<128x128xf32, #tpu.memory_space<vmem>>, vector<1x16xf32>,
        %swap3A_467 = vector.shape_cast %swap3A_466 : vector<1x16xf32> to vector<16xf32>
        %swap3A_468 = vector.shape_cast %mul3A_463 : vector<16xf32> to vector<1x16xf32>
        tpu.vector_store %arg11[%swap3A_464, %swap3A_465], %swap3A_468 {strides = array<i32>} : memref<128x128xf32, #tpu.memory_space<vmem>>, vector<1x16xf32>,
        %get3A_469 = arith.index_cast %add3A_413 : i32 to index
        %get3A_470 = arith.constant 80 : index
        %get3A_471 = tpu.vector_load %arg11[%get3A_469, %get3A_470] {strides = array<i32>} : memref<128x128xf32, #tpu.memory_space<vmem>>, vector<1x16xf32>,
        %get3A_472 = vector.shape_cast %get3A_471 : vector<1x16xf32> to vector<16xf32>
        %mul3A_473 = vector.broadcast %squeeze3A_411 : f32 to vector<16xf32>
        %mul3A_474 = arith.mulf %get3A_472, %mul3A_473 : vector<16xf32>
        %swap3A_475 = arith.index_cast %add3A_413 : i32 to index
        %swap3A_476 = arith.constant 80 : index
        %swap3A_477 = tpu.vector_load %arg11[%swap3A_475, %swap3A_476] {strides = array<i32>} : memref<128x128xf32, #tpu.memory_space<vmem>>, vector<1x16xf32>,
        %swap3A_478 = vector.shape_cast %swap3A_477 : vector<1x16xf32> to vector<16xf32>
        %swap3A_479 = vector.shape_cast %mul3A_474 : vector<16xf32> to vector<1x16xf32>
        tpu.vector_store %arg11[%swap3A_475, %swap3A_476], %swap3A_479 {strides = array<i32>} : memref<128x128xf32, #tpu.memory_space<vmem>>, vector<1x16xf32>,
        %get3A_480 = arith.index_cast %add3A_413 : i32 to index
        %get3A_481 = arith.constant 96 : index
        %get3A_482 = tpu.vector_load %arg11[%get3A_480, %get3A_481] {strides = array<i32>} : memref<128x128xf32, #tpu.memory_space<vmem>>, vector<1x16xf32>,
        %get3A_483 = vector.shape_cast %get3A_482 : vector<1x16xf32> to vector<16xf32>
        %mul3A_484 = vector.broadcast %squeeze3A_411 : f32 to vector<16xf32>
        %mul3A_485 = arith.mulf %get3A_483, %mul3A_484 : vector<16xf32>
        %swap3A_486 = arith.index_cast %add3A_413 : i32 to index
        %swap3A_487 = arith.constant 96 : index
        %swap3A_488 = tpu.vector_load %arg11[%swap3A_486, %swap3A_487] {strides = array<i32>} : memref<128x128xf32, #tpu.memory_space<vmem>>, vector<1x16xf32>,
        %swap3A_489 = vector.shape_cast %swap3A_488 : vector<1x16xf32> to vector<16xf32>
        %swap3A_490 = vector.shape_cast %mul3A_485 : vector<16xf32> to vector<1x16xf32>
        tpu.vector_store %arg11[%swap3A_486, %swap3A_487], %swap3A_490 {strides = array<i32>} : memref<128x128xf32, #tpu.memory_space<vmem>>, vector<1x16xf32>,
        %get3A_491 = arith.index_cast %add3A_413 : i32 to index
        %get3A_492 = arith.constant 112 : index
        %get3A_493 = tpu.vector_load %arg11[%get3A_491, %get3A_492] {strides = array<i32>} : memref<128x128xf32, #tpu.memory_space<vmem>>, vector<1x16xf32>,
        %get3A_494 = vector.shape_cast %get3A_493 : vector<1x16xf32> to vector<16xf32>
        %mul3A_495 = vector.broadcast %squeeze3A_411 : f32 to vector<16xf32>
        %mul3A_496 = arith.mulf %get3A_494, %mul3A_495 : vector<16xf32>
        %swap3A_497 = arith.index_cast %add3A_413 : i32 to index
        %swap3A_498 = arith.constant 112 : index
        %swap3A_499 = tpu.vector_load %arg11[%swap3A_497, %swap3A_498] {strides = array<i32>} : memref<128x128xf32, #tpu.memory_space<vmem>>, vector<1x16xf32>,
        %swap3A_500 = vector.shape_cast %swap3A_499 : vector<1x16xf32> to vector<16xf32>
        %swap3A_501 = vector.shape_cast %mul3A_496 : vector<16xf32> to vector<1x16xf32>
        tpu.vector_store %arg11[%swap3A_497, %swap3A_498], %swap3A_501 {strides = array<i32>} : memref<128x128xf32, #tpu.memory_space<vmem>>, vector<1x16xf32>,
        %slice3A_502 = vector.extract_strided_slice %get3A_44 {offsets = [5], sizes = [1], strides = [1]} : vector<16xf32> to vector<1xf32>
        %squeeze3A_503 = vector.extract %slice3A_502[0] : f32 from vector<1xf32>
        %add3A_504 = arith.constant 5 : i32
        %add3A_505 = arith.addi %mul3A_41, %add3A_504 : i32
        %get3A_506 = arith.index_cast %add3A_505 : i32 to index
        %get3A_507 = arith.constant 0 : index
        %get3A_508 = tpu.vector_load %arg11[%get3A_506, %get3A_507] {strides = array<i32>} : memref<128x128xf32, #tpu.memory_space<vmem>>, vector<1x16xf32>,
        %get3A_509 = vector.shape_cast %get3A_508 : vector<1x16xf32> to vector<16xf32>
        %mul3A_510 = vector.broadcast %squeeze3A_503 : f32 to vector<16xf32>
        %mul3A_511 = arith.mulf %get3A_509, %mul3A_510 : vector<16xf32>
        %swap3A_512 = arith.index_cast %add3A_505 : i32 to index
        %swap3A_513 = arith.constant 0 : index
        %swap3A_514 = tpu.vector_load %arg11[%swap3A_512, %swap3A_513] {strides = array<i32>} : memref<128x128xf32, #tpu.memory_space<vmem>>, vector<1x16xf32>,
        %swap3A_515 = vector.shape_cast %swap3A_514 : vector<1x16xf32> to vector<16xf32>
        %swap3A_516 = vector.shape_cast %mul3A_511 : vector<16xf32> to vector<1x16xf32>
        tpu.vector_store %arg11[%swap3A_512, %swap3A_513], %swap3A_516 {strides = array<i32>} : memref<128x128xf32, #tpu.memory_space<vmem>>, vector<1x16xf32>,
        %get3A_517 = arith.index_cast %add3A_505 : i32 to index
        %get3A_518 = arith.constant 16 : index
        %get3A_519 = tpu.vector_load %arg11[%get3A_517, %get3A_518] {strides = array<i32>} : memref<128x128xf32, #tpu.memory_space<vmem>>, vector<1x16xf32>,
        %get3A_520 = vector.shape_cast %get3A_519 : vector<1x16xf32> to vector<16xf32>
        %mul3A_521 = vector.broadcast %squeeze3A_503 : f32 to vector<16xf32>
        %mul3A_522 = arith.mulf %get3A_520, %mul3A_521 : vector<16xf32>
        %swap3A_523 = arith.index_cast %add3A_505 : i32 to index
        %swap3A_524 = arith.constant 16 : index
        %swap3A_525 = tpu.vector_load %arg11[%swap3A_523, %swap3A_524] {strides = array<i32>} : memref<128x128xf32, #tpu.memory_space<vmem>>, vector<1x16xf32>,
        %swap3A_526 = vector.shape_cast %swap3A_525 : vector<1x16xf32> to vector<16xf32>
        %swap3A_527 = vector.shape_cast %mul3A_522 : vector<16xf32> to vector<1x16xf32>
        tpu.vector_store %arg11[%swap3A_523, %swap3A_524], %swap3A_527 {strides = array<i32>} : memref<128x128xf32, #tpu.memory_space<vmem>>, vector<1x16xf32>,
        %get3A_528 = arith.index_cast %add3A_505 : i32 to index
        %get3A_529 = arith.constant 32 : index
        %get3A_530 = tpu.vector_load %arg11[%get3A_528, %get3A_529] {strides = array<i32>} : memref<128x128xf32, #tpu.memory_space<vmem>>, vector<1x16xf32>,
        %get3A_531 = vector.shape_cast %get3A_530 : vector<1x16xf32> to vector<16xf32>
        %mul3A_532 = vector.broadcast %squeeze3A_503 : f32 to vector<16xf32>
        %mul3A_533 = arith.mulf %get3A_531, %mul3A_532 : vector<16xf32>
        %swap3A_534 = arith.index_cast %add3A_505 : i32 to index
        %swap3A_535 = arith.constant 32 : index
        %swap3A_536 = tpu.vector_load %arg11[%swap3A_534, %swap3A_535] {strides = array<i32>} : memref<128x128xf32, #tpu.memory_space<vmem>>, vector<1x16xf32>,
        %swap3A_537 = vector.shape_cast %swap3A_536 : vector<1x16xf32> to vector<16xf32>
        %swap3A_538 = vector.shape_cast %mul3A_533 : vector<16xf32> to vector<1x16xf32>
        tpu.vector_store %arg11[%swap3A_534, %swap3A_535], %swap3A_538 {strides = array<i32>} : memref<128x128xf32, #tpu.memory_space<vmem>>, vector<1x16xf32>,
        %get3A_539 = arith.index_cast %add3A_505 : i32 to index
        %get3A_540 = arith.constant 48 : index
        %get3A_541 = tpu.vector_load %arg11[%get3A_539, %get3A_540] {strides = array<i32>} : memref<128x128xf32, #tpu.memory_space<vmem>>, vector<1x16xf32>,
        %get3A_542 = vector.shape_cast %get3A_541 : vector<1x16xf32> to vector<16xf32>
        %mul3A_543 = vector.broadcast %squeeze3A_503 : f32 to vector<16xf32>
        %mul3A_544 = arith.mulf %get3A_542, %mul3A_543 : vector<16xf32>
        %swap3A_545 = arith.index_cast %add3A_505 : i32 to index
        %swap3A_546 = arith.constant 48 : index
        %swap3A_547 = tpu.vector_load %arg11[%swap3A_545, %swap3A_546] {strides = array<i32>} : memref<128x128xf32, #tpu.memory_space<vmem>>, vector<1x16xf32>,
        %swap3A_548 = vector.shape_cast %swap3A_547 : vector<1x16xf32> to vector<16xf32>
        %swap3A_549 = vector.shape_cast %mul3A_544 : vector<16xf32> to vector<1x16xf32>
        tpu.vector_store %arg11[%swap3A_545, %swap3A_546], %swap3A_549 {strides = array<i32>} : memref<128x128xf32, #tpu.memory_space<vmem>>, vector<1x16xf32>,
        %get3A_550 = arith.index_cast %add3A_505 : i32 to index
        %get3A_551 = arith.constant 64 : index
        %get3A_552 = tpu.vector_load %arg11[%get3A_550, %get3A_551] {strides = array<i32>} : memref<128x128xf32, #tpu.memory_space<vmem>>, vector<1x16xf32>,
        %get3A_553 = vector.shape_cast %get3A_552 : vector<1x16xf32> to vector<16xf32>
        %mul3A_554 = vector.broadcast %squeeze3A_503 : f32 to vector<16xf32>
        %mul3A_555 = arith.mulf %get3A_553, %mul3A_554 : vector<16xf32>
        %swap3A_556 = arith.index_cast %add3A_505 : i32 to index
        %swap3A_557 = arith.constant 64 : index
        %swap3A_558 = tpu.vector_load %arg11[%swap3A_556, %swap3A_557] {strides = array<i32>} : memref<128x128xf32, #tpu.memory_space<vmem>>, vector<1x16xf32>,
        %swap3A_559 = vector.shape_cast %swap3A_558 : vector<1x16xf32> to vector<16xf32>
        %swap3A_560 = vector.shape_cast %mul3A_555 : vector<16xf32> to vector<1x16xf32>
        tpu.vector_store %arg11[%swap3A_556, %swap3A_557], %swap3A_560 {strides = array<i32>} : memref<128x128xf32, #tpu.memory_space<vmem>>, vector<1x16xf32>,
        %get3A_561 = arith.index_cast %add3A_505 : i32 to index
        %get3A_562 = arith.constant 80 : index
        %get3A_563 = tpu.vector_load %arg11[%get3A_561, %get3A_562] {strides = array<i32>} : memref<128x128xf32, #tpu.memory_space<vmem>>, vector<1x16xf32>,
        %get3A_564 = vector.shape_cast %get3A_563 : vector<1x16xf32> to vector<16xf32>
        %mul3A_565 = vector.broadcast %squeeze3A_503 : f32 to vector<16xf32>
        %mul3A_566 = arith.mulf %get3A_564, %mul3A_565 : vector<16xf32>
        %swap3A_567 = arith.index_cast %add3A_505 : i32 to index
        %swap3A_568 = arith.constant 80 : index
        %swap3A_569 = tpu.vector_load %arg11[%swap3A_567, %swap3A_568] {strides = array<i32>} : memref<128x128xf32, #tpu.memory_space<vmem>>, vector<1x16xf32>,
        %swap3A_570 = vector.shape_cast %swap3A_569 : vector<1x16xf32> to vector<16xf32>
        %swap3A_571 = vector.shape_cast %mul3A_566 : vector<16xf32> to vector<1x16xf32>
        tpu.vector_store %arg11[%swap3A_567, %swap3A_568], %swap3A_571 {strides = array<i32>} : memref<128x128xf32, #tpu.memory_space<vmem>>, vector<1x16xf32>,
        %get3A_572 = arith.index_cast %add3A_505 : i32 to index
        %get3A_573 = arith.constant 96 : index
        %get3A_574 = tpu.vector_load %arg11[%get3A_572, %get3A_573] {strides = array<i32>} : memref<128x128xf32, #tpu.memory_space<vmem>>, vector<1x16xf32>,
        %get3A_575 = vector.shape_cast %get3A_574 : vector<1x16xf32> to vector<16xf32>
        %mul3A_576 = vector.broadcast %squeeze3A_503 : f32 to vector<16xf32>
        %mul3A_577 = arith.mulf %get3A_575, %mul3A_576 : vector<16xf32>
        %swap3A_578 = arith.index_cast %add3A_505 : i32 to index
        %swap3A_579 = arith.constant 96 : index
        %swap3A_580 = tpu.vector_load %arg11[%swap3A_578, %swap3A_579] {strides = array<i32>} : memref<128x128xf32, #tpu.memory_space<vmem>>, vector<1x16xf32>,
        %swap3A_581 = vector.shape_cast %swap3A_580 : vector<1x16xf32> to vector<16xf32>
        %swap3A_582 = vector.shape_cast %mul3A_577 : vector<16xf32> to vector<1x16xf32>
        tpu.vector_store %arg11[%swap3A_578, %swap3A_579], %swap3A_582 {strides = array<i32>} : memref<128x128xf32, #tpu.memory_space<vmem>>, vector<1x16xf32>,
        %get3A_583 = arith.index_cast %add3A_505 : i32 to index
        %get3A_584 = arith.constant 112 : index
        %get3A_585 = tpu.vector_load %arg11[%get3A_583, %get3A_584] {strides = array<i32>} : memref<128x128xf32, #tpu.memory_space<vmem>>, vector<1x16xf32>,
        %get3A_586 = vector.shape_cast %get3A_585 : vector<1x16xf32> to vector<16xf32>
        %mul3A_587 = vector.broadcast %squeeze3A_503 : f32 to vector<16xf32>
        %mul3A_588 = arith.mulf %get3A_586, %mul3A_587 : vector<16xf32>
        %swap3A_589 = arith.index_cast %add3A_505 : i32 to index
        %swap3A_590 = arith.constant 112 : index
        %swap3A_591 = tpu.vector_load %arg11[%swap3A_589, %swap3A_590] {strides = array<i32>} : memref<128x128xf32, #tpu.memory_space<vmem>>, vector<1x16xf32>,
        %swap3A_592 = vector.shape_cast %swap3A_591 : vector<1x16xf32> to vector<16xf32>
        %swap3A_593 = vector.shape_cast %mul3A_588 : vector<16xf32> to vector<1x16xf32>
        tpu.vector_store %arg11[%swap3A_589, %swap3A_590], %swap3A_593 {strides = array<i32>} : memref<128x128xf32, #tpu.memory_space<vmem>>, vector<1x16xf32>,
        %slice3A_594 = vector.extract_strided_slice %get3A_44 {offsets = [6], sizes = [1], strides = [1]} : vector<16xf32> to vector<1xf32>
        %squeeze3A_595 = vector.extract %slice3A_594[0] : f32 from vector<1xf32>
        %add3A_596 = arith.constant 6 : i32
        %add3A_597 = arith.addi %mul3A_41, %add3A_596 : i32
        %get3A_598 = arith.index_cast %add3A_597 : i32 to index
        %get3A_599 = arith.constant 0 : index
        %get3A_600 = tpu.vector_load %arg11[%get3A_598, %get3A_599] {strides = array<i32>} : memref<128x128xf32, #tpu.memory_space<vmem>>, vector<1x16xf32>,
        %get3A_601 = vector.shape_cast %get3A_600 : vector<1x16xf32> to vector<16xf32>
        %mul3A_602 = vector.broadcast %squeeze3A_595 : f32 to vector<16xf32>
        %mul3A_603 = arith.mulf %get3A_601, %mul3A_602 : vector<16xf32>
        %swap3A_604 = arith.index_cast %add3A_597 : i32 to index
        %swap3A_605 = arith.constant 0 : index
        %swap3A_606 = tpu.vector_load %arg11[%swap3A_604, %swap3A_605] {strides = array<i32>} : memref<128x128xf32, #tpu.memory_space<vmem>>, vector<1x16xf32>,
        %swap3A_607 = vector.shape_cast %swap3A_606 : vector<1x16xf32> to vector<16xf32>
        %swap3A_608 = vector.shape_cast %mul3A_603 : vector<16xf32> to vector<1x16xf32>
        tpu.vector_store %arg11[%swap3A_604, %swap3A_605], %swap3A_608 {strides = array<i32>} : memref<128x128xf32, #tpu.memory_space<vmem>>, vector<1x16xf32>,
        %get3A_609 = arith.index_cast %add3A_597 : i32 to index
        %get3A_610 = arith.constant 16 : index
        %get3A_611 = tpu.vector_load %arg11[%get3A_609, %get3A_610] {strides = array<i32>} : memref<128x128xf32, #tpu.memory_space<vmem>>, vector<1x16xf32>,
        %get3A_612 = vector.shape_cast %get3A_611 : vector<1x16xf32> to vector<16xf32>
        %mul3A_613 = vector.broadcast %squeeze3A_595 : f32 to vector<16xf32>
        %mul3A_614 = arith.mulf %get3A_612, %mul3A_613 : vector<16xf32>
        %swap3A_615 = arith.index_cast %add3A_597 : i32 to index
        %swap3A_616 = arith.constant 16 : index
        %swap3A_617 = tpu.vector_load %arg11[%swap3A_615, %swap3A_616] {strides = array<i32>} : memref<128x128xf32, #tpu.memory_space<vmem>>, vector<1x16xf32>,
        %swap3A_618 = vector.shape_cast %swap3A_617 : vector<1x16xf32> to vector<16xf32>
        %swap3A_619 = vector.shape_cast %mul3A_614 : vector<16xf32> to vector<1x16xf32>
        tpu.vector_store %arg11[%swap3A_615, %swap3A_616], %swap3A_619 {strides = array<i32>} : memref<128x128xf32, #tpu.memory_space<vmem>>, vector<1x16xf32>,
        %get3A_620 = arith.index_cast %add3A_597 : i32 to index
        %get3A_621 = arith.constant 32 : index
        %get3A_622 = tpu.vector_load %arg11[%get3A_620, %get3A_621] {strides = array<i32>} : memref<128x128xf32, #tpu.memory_space<vmem>>, vector<1x16xf32>,
        %get3A_623 = vector.shape_cast %get3A_622 : vector<1x16xf32> to vector<16xf32>
        %mul3A_624 = vector.broadcast %squeeze3A_595 : f32 to vector<16xf32>
        %mul3A_625 = arith.mulf %get3A_623, %mul3A_624 : vector<16xf32>
        %swap3A_626 = arith.index_cast %add3A_597 : i32 to index
        %swap3A_627 = arith.constant 32 : index
        %swap3A_628 = tpu.vector_load %arg11[%swap3A_626, %swap3A_627] {strides = array<i32>} : memref<128x128xf32, #tpu.memory_space<vmem>>, vector<1x16xf32>,
        %swap3A_629 = vector.shape_cast %swap3A_628 : vector<1x16xf32> to vector<16xf32>
        %swap3A_630 = vector.shape_cast %mul3A_625 : vector<16xf32> to vector<1x16xf32>
        tpu.vector_store %arg11[%swap3A_626, %swap3A_627], %swap3A_630 {strides = array<i32>} : memref<128x128xf32, #tpu.memory_space<vmem>>, vector<1x16xf32>,
        %get3A_631 = arith.index_cast %add3A_597 : i32 to index
        %get3A_632 = arith.constant 48 : index
        %get3A_633 = tpu.vector_load %arg11[%get3A_631, %get3A_632] {strides = array<i32>} : memref<128x128xf32, #tpu.memory_space<vmem>>, vector<1x16xf32>,
        %get3A_634 = vector.shape_cast %get3A_633 : vector<1x16xf32> to vector<16xf32>
        %mul3A_635 = vector.broadcast %squeeze3A_595 : f32 to vector<16xf32>
        %mul3A_636 = arith.mulf %get3A_634, %mul3A_635 : vector<16xf32>
        %swap3A_637 = arith.index_cast %add3A_597 : i32 to index
        %swap3A_638 = arith.constant 48 : index
        %swap3A_639 = tpu.vector_load %arg11[%swap3A_637, %swap3A_638] {strides = array<i32>} : memref<128x128xf32, #tpu.memory_space<vmem>>, vector<1x16xf32>,
        %swap3A_640 = vector.shape_cast %swap3A_639 : vector<1x16xf32> to vector<16xf32>
        %swap3A_641 = vector.shape_cast %mul3A_636 : vector<16xf32> to vector<1x16xf32>
        tpu.vector_store %arg11[%swap3A_637, %swap3A_638], %swap3A_641 {strides = array<i32>} : memref<128x128xf32, #tpu.memory_space<vmem>>, vector<1x16xf32>,
        %get3A_642 = arith.index_cast %add3A_597 : i32 to index
        %get3A_643 = arith.constant 64 : index
        %get3A_644 = tpu.vector_load %arg11[%get3A_642, %get3A_643] {strides = array<i32>} : memref<128x128xf32, #tpu.memory_space<vmem>>, vector<1x16xf32>,
        %get3A_645 = vector.shape_cast %get3A_644 : vector<1x16xf32> to vector<16xf32>
        %mul3A_646 = vector.broadcast %squeeze3A_595 : f32 to vector<16xf32>
        %mul3A_647 = arith.mulf %get3A_645, %mul3A_646 : vector<16xf32>
        %swap3A_648 = arith.index_cast %add3A_597 : i32 to index
        %swap3A_649 = arith.constant 64 : index
        %swap3A_650 = tpu.vector_load %arg11[%swap3A_648, %swap3A_649] {strides = array<i32>} : memref<128x128xf32, #tpu.memory_space<vmem>>, vector<1x16xf32>,
        %swap3A_651 = vector.shape_cast %swap3A_650 : vector<1x16xf32> to vector<16xf32>
        %swap3A_652 = vector.shape_cast %mul3A_647 : vector<16xf32> to vector<1x16xf32>
        tpu.vector_store %arg11[%swap3A_648, %swap3A_649], %swap3A_652 {strides = array<i32>} : memref<128x128xf32, #tpu.memory_space<vmem>>, vector<1x16xf32>,
        %get3A_653 = arith.index_cast %add3A_597 : i32 to index
        %get3A_654 = arith.constant 80 : index
        %get3A_655 = tpu.vector_load %arg11[%get3A_653, %get3A_654] {strides = array<i32>} : memref<128x128xf32, #tpu.memory_space<vmem>>, vector<1x16xf32>,
        %get3A_656 = vector.shape_cast %get3A_655 : vector<1x16xf32> to vector<16xf32>
        %mul3A_657 = vector.broadcast %squeeze3A_595 : f32 to vector<16xf32>
        %mul3A_658 = arith.mulf %get3A_656, %mul3A_657 : vector<16xf32>
        %swap3A_659 = arith.index_cast %add3A_597 : i32 to index
        %swap3A_660 = arith.constant 80 : index
        %swap3A_661 = tpu.vector_load %arg11[%swap3A_659, %swap3A_660] {strides = array<i32>} : memref<128x128xf32, #tpu.memory_space<vmem>>, vector<1x16xf32>,
        %swap3A_662 = vector.shape_cast %swap3A_661 : vector<1x16xf32> to vector<16xf32>
        %swap3A_663 = vector.shape_cast %mul3A_658 : vector<16xf32> to vector<1x16xf32>
        tpu.vector_store %arg11[%swap3A_659, %swap3A_660], %swap3A_663 {strides = array<i32>} : memref<128x128xf32, #tpu.memory_space<vmem>>, vector<1x16xf32>,
        %get3A_664 = arith.index_cast %add3A_597 : i32 to index
        %get3A_665 = arith.constant 96 : index
        %get3A_666 = tpu.vector_load %arg11[%get3A_664, %get3A_665] {strides = array<i32>} : memref<128x128xf32, #tpu.memory_space<vmem>>, vector<1x16xf32>,
        %get3A_667 = vector.shape_cast %get3A_666 : vector<1x16xf32> to vector<16xf32>
        %mul3A_668 = vector.broadcast %squeeze3A_595 : f32 to vector<16xf32>
        %mul3A_669 = arith.mulf %get3A_667, %mul3A_668 : vector<16xf32>
        %swap3A_670 = arith.index_cast %add3A_597 : i32 to index
        %swap3A_671 = arith.constant 96 : index
        %swap3A_672 = tpu.vector_load %arg11[%swap3A_670, %swap3A_671] {strides = array<i32>} : memref<128x128xf32, #tpu.memory_space<vmem>>, vector<1x16xf32>,
        %swap3A_673 = vector.shape_cast %swap3A_672 : vector<1x16xf32> to vector<16xf32>
        %swap3A_674 = vector.shape_cast %mul3A_669 : vector<16xf32> to vector<1x16xf32>
        tpu.vector_store %arg11[%swap3A_670, %swap3A_671], %swap3A_674 {strides = array<i32>} : memref<128x128xf32, #tpu.memory_space<vmem>>, vector<1x16xf32>,
        %get3A_675 = arith.index_cast %add3A_597 : i32 to index
        %get3A_676 = arith.constant 112 : index
        %get3A_677 = tpu.vector_load %arg11[%get3A_675, %get3A_676] {strides = array<i32>} : memref<128x128xf32, #tpu.memory_space<vmem>>, vector<1x16xf32>,
        %get3A_678 = vector.shape_cast %get3A_677 : vector<1x16xf32> to vector<16xf32>
        %mul3A_679 = vector.broadcast %squeeze3A_595 : f32 to vector<16xf32>
        %mul3A_680 = arith.mulf %get3A_678, %mul3A_679 : vector<16xf32>
        %swap3A_681 = arith.index_cast %add3A_597 : i32 to index
        %swap3A_682 = arith.constant 112 : index
        %swap3A_683 = tpu.vector_load %arg11[%swap3A_681, %swap3A_682] {strides = array<i32>} : memref<128x128xf32, #tpu.memory_space<vmem>>, vector<1x16xf32>,
        %swap3A_684 = vector.shape_cast %swap3A_683 : vector<1x16xf32> to vector<16xf32>
        %swap3A_685 = vector.shape_cast %mul3A_680 : vector<16xf32> to vector<1x16xf32>
        tpu.vector_store %arg11[%swap3A_681, %swap3A_682], %swap3A_685 {strides = array<i32>} : memref<128x128xf32, #tpu.memory_space<vmem>>, vector<1x16xf32>,
        %slice3A_686 = vector.extract_strided_slice %get3A_44 {offsets = [7], sizes = [1], strides = [1]} : vector<16xf32> to vector<1xf32>
        %squeeze3A_687 = vector.extract %slice3A_686[0] : f32 from vector<1xf32>
        %add3A_688 = arith.constant 7 : i32
        %add3A_689 = arith.addi %mul3A_41, %add3A_688 : i32
        %get3A_690 = arith.index_cast %add3A_689 : i32 to index
        %get3A_691 = arith.constant 0 : index
        %get3A_692 = tpu.vector_load %arg11[%get3A_690, %get3A_691] {strides = array<i32>} : memref<128x128xf32, #tpu.memory_space<vmem>>, vector<1x16xf32>,
        %get3A_693 = vector.shape_cast %get3A_692 : vector<1x16xf32> to vector<16xf32>
        %mul3A_694 = vector.broadcast %squeeze3A_687 : f32 to vector<16xf32>
        %mul3A_695 = arith.mulf %get3A_693, %mul3A_694 : vector<16xf32>
        %swap3A_696 = arith.index_cast %add3A_689 : i32 to index
        %swap3A_697 = arith.constant 0 : index
        %swap3A_698 = tpu.vector_load %arg11[%swap3A_696, %swap3A_697] {strides = array<i32>} : memref<128x128xf32, #tpu.memory_space<vmem>>, vector<1x16xf32>,
        %swap3A_699 = vector.shape_cast %swap3A_698 : vector<1x16xf32> to vector<16xf32>
        %swap3A_700 = vector.shape_cast %mul3A_695 : vector<16xf32> to vector<1x16xf32>
        tpu.vector_store %arg11[%swap3A_696, %swap3A_697], %swap3A_700 {strides = array<i32>} : memref<128x128xf32, #tpu.memory_space<vmem>>, vector<1x16xf32>,
        %get3A_701 = arith.index_cast %add3A_689 : i32 to index
        %get3A_702 = arith.constant 16 : index
        %get3A_703 = tpu.vector_load %arg11[%get3A_701, %get3A_702] {strides = array<i32>} : memref<128x128xf32, #tpu.memory_space<vmem>>, vector<1x16xf32>,
        %get3A_704 = vector.shape_cast %get3A_703 : vector<1x16xf32> to vector<16xf32>
        %mul3A_705 = vector.broadcast %squeeze3A_687 : f32 to vector<16xf32>
        %mul3A_706 = arith.mulf %get3A_704, %mul3A_705 : vector<16xf32>
        %swap3A_707 = arith.index_cast %add3A_689 : i32 to index
        %swap3A_708 = arith.constant 16 : index
        %swap3A_709 = tpu.vector_load %arg11[%swap3A_707, %swap3A_708] {strides = array<i32>} : memref<128x128xf32, #tpu.memory_space<vmem>>, vector<1x16xf32>,
        %swap3A_710 = vector.shape_cast %swap3A_709 : vector<1x16xf32> to vector<16xf32>
        %swap3A_711 = vector.shape_cast %mul3A_706 : vector<16xf32> to vector<1x16xf32>
        tpu.vector_store %arg11[%swap3A_707, %swap3A_708], %swap3A_711 {strides = array<i32>} : memref<128x128xf32, #tpu.memory_space<vmem>>, vector<1x16xf32>,
        %get3A_712 = arith.index_cast %add3A_689 : i32 to index
        %get3A_713 = arith.constant 32 : index
        %get3A_714 = tpu.vector_load %arg11[%get3A_712, %get3A_713] {strides = array<i32>} : memref<128x128xf32, #tpu.memory_space<vmem>>, vector<1x16xf32>,
        %get3A_715 = vector.shape_cast %get3A_714 : vector<1x16xf32> to vector<16xf32>
        %mul3A_716 = vector.broadcast %squeeze3A_687 : f32 to vector<16xf32>
        %mul3A_717 = arith.mulf %get3A_715, %mul3A_716 : vector<16xf32>
        %swap3A_718 = arith.index_cast %add3A_689 : i32 to index
        %swap3A_719 = arith.constant 32 : index
        %swap3A_720 = tpu.vector_load %arg11[%swap3A_718, %swap3A_719] {strides = array<i32>} : memref<128x128xf32, #tpu.memory_space<vmem>>, vector<1x16xf32>,
        %swap3A_721 = vector.shape_cast %swap3A_720 : vector<1x16xf32> to vector<16xf32>
        %swap3A_722 = vector.shape_cast %mul3A_717 : vector<16xf32> to vector<1x16xf32>
        tpu.vector_store %arg11[%swap3A_718, %swap3A_719], %swap3A_722 {strides = array<i32>} : memref<128x128xf32, #tpu.memory_space<vmem>>, vector<1x16xf32>,
        %get3A_723 = arith.index_cast %add3A_689 : i32 to index
        %get3A_724 = arith.constant 48 : index
        %get3A_725 = tpu.vector_load %arg11[%get3A_723, %get3A_724] {strides = array<i32>} : memref<128x128xf32, #tpu.memory_space<vmem>>, vector<1x16xf32>,
        %get3A_726 = vector.shape_cast %get3A_725 : vector<1x16xf32> to vector<16xf32>
        %mul3A_727 = vector.broadcast %squeeze3A_687 : f32 to vector<16xf32>
        %mul3A_728 = arith.mulf %get3A_726, %mul3A_727 : vector<16xf32>
        %swap3A_729 = arith.index_cast %add3A_689 : i32 to index
        %swap3A_730 = arith.constant 48 : index
        %swap3A_731 = tpu.vector_load %arg11[%swap3A_729, %swap3A_730] {strides = array<i32>} : memref<128x128xf32, #tpu.memory_space<vmem>>, vector<1x16xf32>,
        %swap3A_732 = vector.shape_cast %swap3A_731 : vector<1x16xf32> to vector<16xf32>
        %swap3A_733 = vector.shape_cast %mul3A_728 : vector<16xf32> to vector<1x16xf32>
        tpu.vector_store %arg11[%swap3A_729, %swap3A_730], %swap3A_733 {strides = array<i32>} : memref<128x128xf32, #tpu.memory_space<vmem>>, vector<1x16xf32>,
        %get3A_734 = arith.index_cast %add3A_689 : i32 to index
        %get3A_735 = arith.constant 64 : index
        %get3A_736 = tpu.vector_load %arg11[%get3A_734, %get3A_735] {strides = array<i32>} : memref<128x128xf32, #tpu.memory_space<vmem>>, vector<1x16xf32>,
        %get3A_737 = vector.shape_cast %get3A_736 : vector<1x16xf32> to vector<16xf32>
        %mul3A_738 = vector.broadcast %squeeze3A_687 : f32 to vector<16xf32>
        %mul3A_739 = arith.mulf %get3A_737, %mul3A_738 : vector<16xf32>
        %swap3A_740 = arith.index_cast %add3A_689 : i32 to index
        %swap3A_741 = arith.constant 64 : index
        %swap3A_742 = tpu.vector_load %arg11[%swap3A_740, %swap3A_741] {strides = array<i32>} : memref<128x128xf32, #tpu.memory_space<vmem>>, vector<1x16xf32>,
        %swap3A_743 = vector.shape_cast %swap3A_742 : vector<1x16xf32> to vector<16xf32>
        %swap3A_744 = vector.shape_cast %mul3A_739 : vector<16xf32> to vector<1x16xf32>
        tpu.vector_store %arg11[%swap3A_740, %swap3A_741], %swap3A_744 {strides = array<i32>} : memref<128x128xf32, #tpu.memory_space<vmem>>, vector<1x16xf32>,
        %get3A_745 = arith.index_cast %add3A_689 : i32 to index
        %get3A_746 = arith.constant 80 : index
        %get3A_747 = tpu.vector_load %arg11[%get3A_745, %get3A_746] {strides = array<i32>} : memref<128x128xf32, #tpu.memory_space<vmem>>, vector<1x16xf32>,
        %get3A_748 = vector.shape_cast %get3A_747 : vector<1x16xf32> to vector<16xf32>
        %mul3A_749 = vector.broadcast %squeeze3A_687 : f32 to vector<16xf32>
        %mul3A_750 = arith.mulf %get3A_748, %mul3A_749 : vector<16xf32>
        %swap3A_751 = arith.index_cast %add3A_689 : i32 to index
        %swap3A_752 = arith.constant 80 : index
        %swap3A_753 = tpu.vector_load %arg11[%swap3A_751, %swap3A_752] {strides = array<i32>} : memref<128x128xf32, #tpu.memory_space<vmem>>, vector<1x16xf32>,
        %swap3A_754 = vector.shape_cast %swap3A_753 : vector<1x16xf32> to vector<16xf32>
        %swap3A_755 = vector.shape_cast %mul3A_750 : vector<16xf32> to vector<1x16xf32>
        tpu.vector_store %arg11[%swap3A_751, %swap3A_752], %swap3A_755 {strides = array<i32>} : memref<128x128xf32, #tpu.memory_space<vmem>>, vector<1x16xf32>,
        %get3A_756 = arith.index_cast %add3A_689 : i32 to index
        %get3A_757 = arith.constant 96 : index
        %get3A_758 = tpu.vector_load %arg11[%get3A_756, %get3A_757] {strides = array<i32>} : memref<128x128xf32, #tpu.memory_space<vmem>>, vector<1x16xf32>,
        %get3A_759 = vector.shape_cast %get3A_758 : vector<1x16xf32> to vector<16xf32>
        %mul3A_760 = vector.broadcast %squeeze3A_687 : f32 to vector<16xf32>
        %mul3A_761 = arith.mulf %get3A_759, %mul3A_760 : vector<16xf32>
        %swap3A_762 = arith.index_cast %add3A_689 : i32 to index
        %swap3A_763 = arith.constant 96 : index
        %swap3A_764 = tpu.vector_load %arg11[%swap3A_762, %swap3A_763] {strides = array<i32>} : memref<128x128xf32, #tpu.memory_space<vmem>>, vector<1x16xf32>,
        %swap3A_765 = vector.shape_cast %swap3A_764 : vector<1x16xf32> to vector<16xf32>
        %swap3A_766 = vector.shape_cast %mul3A_761 : vector<16xf32> to vector<1x16xf32>
        tpu.vector_store %arg11[%swap3A_762, %swap3A_763], %swap3A_766 {strides = array<i32>} : memref<128x128xf32, #tpu.memory_space<vmem>>, vector<1x16xf32>,
        %get3A_767 = arith.index_cast %add3A_689 : i32 to index
        %get3A_768 = arith.constant 112 : index
        %get3A_769 = tpu.vector_load %arg11[%get3A_767, %get3A_768] {strides = array<i32>} : memref<128x128xf32, #tpu.memory_space<vmem>>, vector<1x16xf32>,
        %get3A_770 = vector.shape_cast %get3A_769 : vector<1x16xf32> to vector<16xf32>
        %mul3A_771 = vector.broadcast %squeeze3A_687 : f32 to vector<16xf32>
        %mul3A_772 = arith.mulf %get3A_770, %mul3A_771 : vector<16xf32>
        %swap3A_773 = arith.index_cast %add3A_689 : i32 to index
        %swap3A_774 = arith.constant 112 : index
        %swap3A_775 = tpu.vector_load %arg11[%swap3A_773, %swap3A_774] {strides = array<i32>} : memref<128x128xf32, #tpu.memory_space<vmem>>, vector<1x16xf32>,
        %swap3A_776 = vector.shape_cast %swap3A_775 : vector<1x16xf32> to vector<16xf32>
        %swap3A_777 = vector.shape_cast %mul3A_772 : vector<16xf32> to vector<1x16xf32>
        tpu.vector_store %arg11[%swap3A_773, %swap3A_774], %swap3A_777 {strides = array<i32>} : memref<128x128xf32, #tpu.memory_space<vmem>>, vector<1x16xf32>,
        %slice3A_778 = vector.extract_strided_slice %get3A_44 {offsets = [8], sizes = [1], strides = [1]} : vector<16xf32> to vector<1xf32>
        %squeeze3A_779 = vector.extract %slice3A_778[0] : f32 from vector<1xf32>
        %add3A_780 = arith.constant 8 : i32
        %add3A_781 = arith.addi %mul3A_41, %add3A_780 : i32
        %get3A_782 = arith.index_cast %add3A_781 : i32 to index
        %get3A_783 = arith.constant 0 : index
        %get3A_784 = tpu.vector_load %arg11[%get3A_782, %get3A_783] {strides = array<i32>} : memref<128x128xf32, #tpu.memory_space<vmem>>, vector<1x16xf32>,
        %get3A_785 = vector.shape_cast %get3A_784 : vector<1x16xf32> to vector<16xf32>
        %mul3A_786 = vector.broadcast %squeeze3A_779 : f32 to vector<16xf32>
        %mul3A_787 = arith.mulf %get3A_785, %mul3A_786 : vector<16xf32>
        %swap3A_788 = arith.index_cast %add3A_781 : i32 to index
        %swap3A_789 = arith.constant 0 : index
        %swap3A_790 = tpu.vector_load %arg11[%swap3A_788, %swap3A_789] {strides = array<i32>} : memref<128x128xf32, #tpu.memory_space<vmem>>, vector<1x16xf32>,
        %swap3A_791 = vector.shape_cast %swap3A_790 : vector<1x16xf32> to vector<16xf32>
        %swap3A_792 = vector.shape_cast %mul3A_787 : vector<16xf32> to vector<1x16xf32>
        tpu.vector_store %arg11[%swap3A_788, %swap3A_789], %swap3A_792 {strides = array<i32>} : memref<128x128xf32, #tpu.memory_space<vmem>>, vector<1x16xf32>,
        %get3A_793 = arith.index_cast %add3A_781 : i32 to index
        %get3A_794 = arith.constant 16 : index
        %get3A_795 = tpu.vector_load %arg11[%get3A_793, %get3A_794] {strides = array<i32>} : memref<128x128xf32, #tpu.memory_space<vmem>>, vector<1x16xf32>,
        %get3A_796 = vector.shape_cast %get3A_795 : vector<1x16xf32> to vector<16xf32>
        %mul3A_797 = vector.broadcast %squeeze3A_779 : f32 to vector<16xf32>
        %mul3A_798 = arith.mulf %get3A_796, %mul3A_797 : vector<16xf32>
        %swap3A_799 = arith.index_cast %add3A_781 : i32 to index
        %swap3A_800 = arith.constant 16 : index
        %swap3A_801 = tpu.vector_load %arg11[%swap3A_799, %swap3A_800] {strides = array<i32>} : memref<128x128xf32, #tpu.memory_space<vmem>>, vector<1x16xf32>,
        %swap3A_802 = vector.shape_cast %swap3A_801 : vector<1x16xf32> to vector<16xf32>
        %swap3A_803 = vector.shape_cast %mul3A_798 : vector<16xf32> to vector<1x16xf32>
        tpu.vector_store %arg11[%swap3A_799, %swap3A_800], %swap3A_803 {strides = array<i32>} : memref<128x128xf32, #tpu.memory_space<vmem>>, vector<1x16xf32>,
        %get3A_804 = arith.index_cast %add3A_781 : i32 to index
        %get3A_805 = arith.constant 32 : index
        %get3A_806 = tpu.vector_load %arg11[%get3A_804, %get3A_805] {strides = array<i32>} : memref<128x128xf32, #tpu.memory_space<vmem>>, vector<1x16xf32>,
        %get3A_807 = vector.shape_cast %get3A_806 : vector<1x16xf32> to vector<16xf32>
        %mul3A_808 = vector.broadcast %squeeze3A_779 : f32 to vector<16xf32>
        %mul3A_809 = arith.mulf %get3A_807, %mul3A_808 : vector<16xf32>
        %swap3A_810 = arith.index_cast %add3A_781 : i32 to index
        %swap3A_811 = arith.constant 32 : index
        %swap3A_812 = tpu.vector_load %arg11[%swap3A_810, %swap3A_811] {strides = array<i32>} : memref<128x128xf32, #tpu.memory_space<vmem>>, vector<1x16xf32>,
        %swap3A_813 = vector.shape_cast %swap3A_812 : vector<1x16xf32> to vector<16xf32>
        %swap3A_814 = vector.shape_cast %mul3A_809 : vector<16xf32> to vector<1x16xf32>
        tpu.vector_store %arg11[%swap3A_810, %swap3A_811], %swap3A_814 {strides = array<i32>} : memref<128x128xf32, #tpu.memory_space<vmem>>, vector<1x16xf32>,
        %get3A_815 = arith.index_cast %add3A_781 : i32 to index
        %get3A_816 = arith.constant 48 : index
        %get3A_817 = tpu.vector_load %arg11[%get3A_815, %get3A_816] {strides = array<i32>} : memref<128x128xf32, #tpu.memory_space<vmem>>, vector<1x16xf32>,
        %get3A_818 = vector.shape_cast %get3A_817 : vector<1x16xf32> to vector<16xf32>
        %mul3A_819 = vector.broadcast %squeeze3A_779 : f32 to vector<16xf32>
        %mul3A_820 = arith.mulf %get3A_818, %mul3A_819 : vector<16xf32>
        %swap3A_821 = arith.index_cast %add3A_781 : i32 to index
        %swap3A_822 = arith.constant 48 : index
        %swap3A_823 = tpu.vector_load %arg11[%swap3A_821, %swap3A_822] {strides = array<i32>} : memref<128x128xf32, #tpu.memory_space<vmem>>, vector<1x16xf32>,
        %swap3A_824 = vector.shape_cast %swap3A_823 : vector<1x16xf32> to vector<16xf32>
        %swap3A_825 = vector.shape_cast %mul3A_820 : vector<16xf32> to vector<1x16xf32>
        tpu.vector_store %arg11[%swap3A_821, %swap3A_822], %swap3A_825 {strides = array<i32>} : memref<128x128xf32, #tpu.memory_space<vmem>>, vector<1x16xf32>,
        %get3A_826 = arith.index_cast %add3A_781 : i32 to index
        %get3A_827 = arith.constant 64 : index
        %get3A_828 = tpu.vector_load %arg11[%get3A_826, %get3A_827] {strides = array<i32>} : memref<128x128xf32, #tpu.memory_space<vmem>>, vector<1x16xf32>,
        %get3A_829 = vector.shape_cast %get3A_828 : vector<1x16xf32> to vector<16xf32>
        %mul3A_830 = vector.broadcast %squeeze3A_779 : f32 to vector<16xf32>
        %mul3A_831 = arith.mulf %get3A_829, %mul3A_830 : vector<16xf32>
        %swap3A_832 = arith.index_cast %add3A_781 : i32 to index
        %swap3A_833 = arith.constant 64 : index
        %swap3A_834 = tpu.vector_load %arg11[%swap3A_832, %swap3A_833] {strides = array<i32>} : memref<128x128xf32, #tpu.memory_space<vmem>>, vector<1x16xf32>,
        %swap3A_835 = vector.shape_cast %swap3A_834 : vector<1x16xf32> to vector<16xf32>
        %swap3A_836 = vector.shape_cast %mul3A_831 : vector<16xf32> to vector<1x16xf32>
        tpu.vector_store %arg11[%swap3A_832, %swap3A_833], %swap3A_836 {strides = array<i32>} : memref<128x128xf32, #tpu.memory_space<vmem>>, vector<1x16xf32>,
        %get3A_837 = arith.index_cast %add3A_781 : i32 to index
        %get3A_838 = arith.constant 80 : index
        %get3A_839 = tpu.vector_load %arg11[%get3A_837, %get3A_838] {strides = array<i32>} : memref<128x128xf32, #tpu.memory_space<vmem>>, vector<1x16xf32>,
        %get3A_840 = vector.shape_cast %get3A_839 : vector<1x16xf32> to vector<16xf32>
        %mul3A_841 = vector.broadcast %squeeze3A_779 : f32 to vector<16xf32>
        %mul3A_842 = arith.mulf %get3A_840, %mul3A_841 : vector<16xf32>
        %swap3A_843 = arith.index_cast %add3A_781 : i32 to index
        %swap3A_844 = arith.constant 80 : index
        %swap3A_845 = tpu.vector_load %arg11[%swap3A_843, %swap3A_844] {strides = array<i32>} : memref<128x128xf32, #tpu.memory_space<vmem>>, vector<1x16xf32>,
        %swap3A_846 = vector.shape_cast %swap3A_845 : vector<1x16xf32> to vector<16xf32>
        %swap3A_847 = vector.shape_cast %mul3A_842 : vector<16xf32> to vector<1x16xf32>
        tpu.vector_store %arg11[%swap3A_843, %swap3A_844], %swap3A_847 {strides = array<i32>} : memref<128x128xf32, #tpu.memory_space<vmem>>, vector<1x16xf32>,
        %get3A_848 = arith.index_cast %add3A_781 : i32 to index
        %get3A_849 = arith.constant 96 : index
        %get3A_850 = tpu.vector_load %arg11[%get3A_848, %get3A_849] {strides = array<i32>} : memref<128x128xf32, #tpu.memory_space<vmem>>, vector<1x16xf32>,
        %get3A_851 = vector.shape_cast %get3A_850 : vector<1x16xf32> to vector<16xf32>
        %mul3A_852 = vector.broadcast %squeeze3A_779 : f32 to vector<16xf32>
        %mul3A_853 = arith.mulf %get3A_851, %mul3A_852 : vector<16xf32>
        %swap3A_854 = arith.index_cast %add3A_781 : i32 to index
        %swap3A_855 = arith.constant 96 : index
        %swap3A_856 = tpu.vector_load %arg11[%swap3A_854, %swap3A_855] {strides = array<i32>} : memref<128x128xf32, #tpu.memory_space<vmem>>, vector<1x16xf32>,
        %swap3A_857 = vector.shape_cast %swap3A_856 : vector<1x16xf32> to vector<16xf32>
        %swap3A_858 = vector.shape_cast %mul3A_853 : vector<16xf32> to vector<1x16xf32>
        tpu.vector_store %arg11[%swap3A_854, %swap3A_855], %swap3A_858 {strides = array<i32>} : memref<128x128xf32, #tpu.memory_space<vmem>>, vector<1x16xf32>,
        %get3A_859 = arith.index_cast %add3A_781 : i32 to index
        %get3A_860 = arith.constant 112 : index
        %get3A_861 = tpu.vector_load %arg11[%get3A_859, %get3A_860] {strides = array<i32>} : memref<128x128xf32, #tpu.memory_space<vmem>>, vector<1x16xf32>,
        %get3A_862 = vector.shape_cast %get3A_861 : vector<1x16xf32> to vector<16xf32>
        %mul3A_863 = vector.broadcast %squeeze3A_779 : f32 to vector<16xf32>
        %mul3A_864 = arith.mulf %get3A_862, %mul3A_863 : vector<16xf32>
        %swap3A_865 = arith.index_cast %add3A_781 : i32 to index
        %swap3A_866 = arith.constant 112 : index
        %swap3A_867 = tpu.vector_load %arg11[%swap3A_865, %swap3A_866] {strides = array<i32>} : memref<128x128xf32, #tpu.memory_space<vmem>>, vector<1x16xf32>,
        %swap3A_868 = vector.shape_cast %swap3A_867 : vector<1x16xf32> to vector<16xf32>
        %swap3A_869 = vector.shape_cast %mul3A_864 : vector<16xf32> to vector<1x16xf32>
        tpu.vector_store %arg11[%swap3A_865, %swap3A_866], %swap3A_869 {strides = array<i32>} : memref<128x128xf32, #tpu.memory_space<vmem>>, vector<1x16xf32>,
        %slice3A_870 = vector.extract_strided_slice %get3A_44 {offsets = [9], sizes = [1], strides = [1]} : vector<16xf32> to vector<1xf32>
        %squeeze3A_871 = vector.extract %slice3A_870[0] : f32 from vector<1xf32>
        %add3A_872 = arith.constant 9 : i32
        %add3A_873 = arith.addi %mul3A_41, %add3A_872 : i32
        %get3A_874 = arith.index_cast %add3A_873 : i32 to index
        %get3A_875 = arith.constant 0 : index
        %get3A_876 = tpu.vector_load %arg11[%get3A_874, %get3A_875] {strides = array<i32>} : memref<128x128xf32, #tpu.memory_space<vmem>>, vector<1x16xf32>,
        %get3A_877 = vector.shape_cast %get3A_876 : vector<1x16xf32> to vector<16xf32>
        %mul3A_878 = vector.broadcast %squeeze3A_871 : f32 to vector<16xf32>
        %mul3A_879 = arith.mulf %get3A_877, %mul3A_878 : vector<16xf32>
        %swap3A_880 = arith.index_cast %add3A_873 : i32 to index
        %swap3A_881 = arith.constant 0 : index
        %swap3A_882 = tpu.vector_load %arg11[%swap3A_880, %swap3A_881] {strides = array<i32>} : memref<128x128xf32, #tpu.memory_space<vmem>>, vector<1x16xf32>,
        %swap3A_883 = vector.shape_cast %swap3A_882 : vector<1x16xf32> to vector<16xf32>
        %swap3A_884 = vector.shape_cast %mul3A_879 : vector<16xf32> to vector<1x16xf32>
        tpu.vector_store %arg11[%swap3A_880, %swap3A_881], %swap3A_884 {strides = array<i32>} : memref<128x128xf32, #tpu.memory_space<vmem>>, vector<1x16xf32>,
        %get3A_885 = arith.index_cast %add3A_873 : i32 to index
        %get3A_886 = arith.constant 16 : index
        %get3A_887 = tpu.vector_load %arg11[%get3A_885, %get3A_886] {strides = array<i32>} : memref<128x128xf32, #tpu.memory_space<vmem>>, vector<1x16xf32>,
        %get3A_888 = vector.shape_cast %get3A_887 : vector<1x16xf32> to vector<16xf32>
        %mul3A_889 = vector.broadcast %squeeze3A_871 : f32 to vector<16xf32>
        %mul3A_890 = arith.mulf %get3A_888, %mul3A_889 : vector<16xf32>
        %swap3A_891 = arith.index_cast %add3A_873 : i32 to index
        %swap3A_892 = arith.constant 16 : index
        %swap3A_893 = tpu.vector_load %arg11[%swap3A_891, %swap3A_892] {strides = array<i32>} : memref<128x128xf32, #tpu.memory_space<vmem>>, vector<1x16xf32>,
        %swap3A_894 = vector.shape_cast %swap3A_893 : vector<1x16xf32> to vector<16xf32>
        %swap3A_895 = vector.shape_cast %mul3A_890 : vector<16xf32> to vector<1x16xf32>
        tpu.vector_store %arg11[%swap3A_891, %swap3A_892], %swap3A_895 {strides = array<i32>} : memref<128x128xf32, #tpu.memory_space<vmem>>, vector<1x16xf32>,
        %get3A_896 = arith.index_cast %add3A_873 : i32 to index
        %get3A_897 = arith.constant 32 : index
        %get3A_898 = tpu.vector_load %arg11[%get3A_896, %get3A_897] {strides = array<i32>} : memref<128x128xf32, #tpu.memory_space<vmem>>, vector<1x16xf32>,
        %get3A_899 = vector.shape_cast %get3A_898 : vector<1x16xf32> to vector<16xf32>
        %mul3A_900 = vector.broadcast %squeeze3A_871 : f32 to vector<16xf32>
        %mul3A_901 = arith.mulf %get3A_899, %mul3A_900 : vector<16xf32>
        %swap3A_902 = arith.index_cast %add3A_873 : i32 to index
        %swap3A_903 = arith.constant 32 : index
        %swap3A_904 = tpu.vector_load %arg11[%swap3A_902, %swap3A_903] {strides = array<i32>} : memref<128x128xf32, #tpu.memory_space<vmem>>, vector<1x16xf32>,
        %swap3A_905 = vector.shape_cast %swap3A_904 : vector<1x16xf32> to vector<16xf32>
        %swap3A_906 = vector.shape_cast %mul3A_901 : vector<16xf32> to vector<1x16xf32>
        tpu.vector_store %arg11[%swap3A_902, %swap3A_903], %swap3A_906 {strides = array<i32>} : memref<128x128xf32, #tpu.memory_space<vmem>>, vector<1x16xf32>,
        %get3A_907 = arith.index_cast %add3A_873 : i32 to index
        %get3A_908 = arith.constant 48 : index
        %get3A_909 = tpu.vector_load %arg11[%get3A_907, %get3A_908] {strides = array<i32>} : memref<128x128xf32, #tpu.memory_space<vmem>>, vector<1x16xf32>,
        %get3A_910 = vector.shape_cast %get3A_909 : vector<1x16xf32> to vector<16xf32>
        %mul3A_911 = vector.broadcast %squeeze3A_871 : f32 to vector<16xf32>
        %mul3A_912 = arith.mulf %get3A_910, %mul3A_911 : vector<16xf32>
        %swap3A_913 = arith.index_cast %add3A_873 : i32 to index
        %swap3A_914 = arith.constant 48 : index
        %swap3A_915 = tpu.vector_load %arg11[%swap3A_913, %swap3A_914] {strides = array<i32>} : memref<128x128xf32, #tpu.memory_space<vmem>>, vector<1x16xf32>,
        %swap3A_916 = vector.shape_cast %swap3A_915 : vector<1x16xf32> to vector<16xf32>
        %swap3A_917 = vector.shape_cast %mul3A_912 : vector<16xf32> to vector<1x16xf32>
        tpu.vector_store %arg11[%swap3A_913, %swap3A_914], %swap3A_917 {strides = array<i32>} : memref<128x128xf32, #tpu.memory_space<vmem>>, vector<1x16xf32>,
        %get3A_918 = arith.index_cast %add3A_873 : i32 to index
        %get3A_919 = arith.constant 64 : index
        %get3A_920 = tpu.vector_load %arg11[%get3A_918, %get3A_919] {strides = array<i32>} : memref<128x128xf32, #tpu.memory_space<vmem>>, vector<1x16xf32>,
        %get3A_921 = vector.shape_cast %get3A_920 : vector<1x16xf32> to vector<16xf32>
        %mul3A_922 = vector.broadcast %squeeze3A_871 : f32 to vector<16xf32>
        %mul3A_923 = arith.mulf %get3A_921, %mul3A_922 : vector<16xf32>
        %swap3A_924 = arith.index_cast %add3A_873 : i32 to index
        %swap3A_925 = arith.constant 64 : index
        %swap3A_926 = tpu.vector_load %arg11[%swap3A_924, %swap3A_925] {strides = array<i32>} : memref<128x128xf32, #tpu.memory_space<vmem>>, vector<1x16xf32>,
        %swap3A_927 = vector.shape_cast %swap3A_926 : vector<1x16xf32> to vector<16xf32>
        %swap3A_928 = vector.shape_cast %mul3A_923 : vector<16xf32> to vector<1x16xf32>
        tpu.vector_store %arg11[%swap3A_924, %swap3A_925], %swap3A_928 {strides = array<i32>} : memref<128x128xf32, #tpu.memory_space<vmem>>, vector<1x16xf32>,
        %get3A_929 = arith.index_cast %add3A_873 : i32 to index
        %get3A_930 = arith.constant 80 : index
        %get3A_931 = tpu.vector_load %arg11[%get3A_929, %get3A_930] {strides = array<i32>} : memref<128x128xf32, #tpu.memory_space<vmem>>, vector<1x16xf32>,
        %get3A_932 = vector.shape_cast %get3A_931 : vector<1x16xf32> to vector<16xf32>
        %mul3A_933 = vector.broadcast %squeeze3A_871 : f32 to vector<16xf32>
        %mul3A_934 = arith.mulf %get3A_932, %mul3A_933 : vector<16xf32>
        %swap3A_935 = arith.index_cast %add3A_873 : i32 to index
        %swap3A_936 = arith.constant 80 : index
        %swap3A_937 = tpu.vector_load %arg11[%swap3A_935, %swap3A_936] {strides = array<i32>} : memref<128x128xf32, #tpu.memory_space<vmem>>, vector<1x16xf32>,
        %swap3A_938 = vector.shape_cast %swap3A_937 : vector<1x16xf32> to vector<16xf32>
        %swap3A_939 = vector.shape_cast %mul3A_934 : vector<16xf32> to vector<1x16xf32>
        tpu.vector_store %arg11[%swap3A_935, %swap3A_936], %swap3A_939 {strides = array<i32>} : memref<128x128xf32, #tpu.memory_space<vmem>>, vector<1x16xf32>,
        %get3A_940 = arith.index_cast %add3A_873 : i32 to index
        %get3A_941 = arith.constant 96 : index
        %get3A_942 = tpu.vector_load %arg11[%get3A_940, %get3A_941] {strides = array<i32>} : memref<128x128xf32, #tpu.memory_space<vmem>>, vector<1x16xf32>,
        %get3A_943 = vector.shape_cast %get3A_942 : vector<1x16xf32> to vector<16xf32>
        %mul3A_944 = vector.broadcast %squeeze3A_871 : f32 to vector<16xf32>
        %mul3A_945 = arith.mulf %get3A_943, %mul3A_944 : vector<16xf32>
        %swap3A_946 = arith.index_cast %add3A_873 : i32 to index
        %swap3A_947 = arith.constant 96 : index
        %swap3A_948 = tpu.vector_load %arg11[%swap3A_946, %swap3A_947] {strides = array<i32>} : memref<128x128xf32, #tpu.memory_space<vmem>>, vector<1x16xf32>,
        %swap3A_949 = vector.shape_cast %swap3A_948 : vector<1x16xf32> to vector<16xf32>
        %swap3A_950 = vector.shape_cast %mul3A_945 : vector<16xf32> to vector<1x16xf32>
        tpu.vector_store %arg11[%swap3A_946, %swap3A_947], %swap3A_950 {strides = array<i32>} : memref<128x128xf32, #tpu.memory_space<vmem>>, vector<1x16xf32>,
        %get3A_951 = arith.index_cast %add3A_873 : i32 to index
        %get3A_952 = arith.constant 112 : index
        %get3A_953 = tpu.vector_load %arg11[%get3A_951, %get3A_952] {strides = array<i32>} : memref<128x128xf32, #tpu.memory_space<vmem>>, vector<1x16xf32>,
        %get3A_954 = vector.shape_cast %get3A_953 : vector<1x16xf32> to vector<16xf32>
        %mul3A_955 = vector.broadcast %squeeze3A_871 : f32 to vector<16xf32>
        %mul3A_956 = arith.mulf %get3A_954, %mul3A_955 : vector<16xf32>
        %swap3A_957 = arith.index_cast %add3A_873 : i32 to index
        %swap3A_958 = arith.constant 112 : index
        %swap3A_959 = tpu.vector_load %arg11[%swap3A_957, %swap3A_958] {strides = array<i32>} : memref<128x128xf32, #tpu.memory_space<vmem>>, vector<1x16xf32>,
        %swap3A_960 = vector.shape_cast %swap3A_959 : vector<1x16xf32> to vector<16xf32>
        %swap3A_961 = vector.shape_cast %mul3A_956 : vector<16xf32> to vector<1x16xf32>
        tpu.vector_store %arg11[%swap3A_957, %swap3A_958], %swap3A_961 {strides = array<i32>} : memref<128x128xf32, #tpu.memory_space<vmem>>, vector<1x16xf32>,
        %slice3A_962 = vector.extract_strided_slice %get3A_44 {offsets = [10], sizes = [1], strides = [1]} : vector<16xf32> to vector<1xf32>
        %squeeze3A_963 = vector.extract %slice3A_962[0] : f32 from vector<1xf32>
        %add3A_964 = arith.constant 10 : i32
        %add3A_965 = arith.addi %mul3A_41, %add3A_964 : i32
        %get3A_966 = arith.index_cast %add3A_965 : i32 to index
        %get3A_967 = arith.constant 0 : index
        %get3A_968 = tpu.vector_load %arg11[%get3A_966, %get3A_967] {strides = array<i32>} : memref<128x128xf32, #tpu.memory_space<vmem>>, vector<1x16xf32>,
        %get3A_969 = vector.shape_cast %get3A_968 : vector<1x16xf32> to vector<16xf32>
        %mul3A_970 = vector.broadcast %squeeze3A_963 : f32 to vector<16xf32>
        %mul3A_971 = arith.mulf %get3A_969, %mul3A_970 : vector<16xf32>
        %swap3A_972 = arith.index_cast %add3A_965 : i32 to index
        %swap3A_973 = arith.constant 0 : index
        %swap3A_974 = tpu.vector_load %arg11[%swap3A_972, %swap3A_973] {strides = array<i32>} : memref<128x128xf32, #tpu.memory_space<vmem>>, vector<1x16xf32>,
        %swap3A_975 = vector.shape_cast %swap3A_974 : vector<1x16xf32> to vector<16xf32>
        %swap3A_976 = vector.shape_cast %mul3A_971 : vector<16xf32> to vector<1x16xf32>
        tpu.vector_store %arg11[%swap3A_972, %swap3A_973], %swap3A_976 {strides = array<i32>} : memref<128x128xf32, #tpu.memory_space<vmem>>, vector<1x16xf32>,
        %get3A_977 = arith.index_cast %add3A_965 : i32 to index
        %get3A_978 = arith.constant 16 : index
        %get3A_979 = tpu.vector_load %arg11[%get3A_977, %get3A_978] {strides = array<i32>} : memref<128x128xf32, #tpu.memory_space<vmem>>, vector<1x16xf32>,
        %get3A_980 = vector.shape_cast %get3A_979 : vector<1x16xf32> to vector<16xf32>
        %mul3A_981 = vector.broadcast %squeeze3A_963 : f32 to vector<16xf32>
        %mul3A_982 = arith.mulf %get3A_980, %mul3A_981 : vector<16xf32>
        %swap3A_983 = arith.index_cast %add3A_965 : i32 to index
        %swap3A_984 = arith.constant 16 : index
        %swap3A_985 = tpu.vector_load %arg11[%swap3A_983, %swap3A_984] {strides = array<i32>} : memref<128x128xf32, #tpu.memory_space<vmem>>, vector<1x16xf32>,
        %swap3A_986 = vector.shape_cast %swap3A_985 : vector<1x16xf32> to vector<16xf32>
        %swap3A_987 = vector.shape_cast %mul3A_982 : vector<16xf32> to vector<1x16xf32>
        tpu.vector_store %arg11[%swap3A_983, %swap3A_984], %swap3A_987 {strides = array<i32>} : memref<128x128xf32, #tpu.memory_space<vmem>>, vector<1x16xf32>,
        %get3A_988 = arith.index_cast %add3A_965 : i32 to index
        %get3A_989 = arith.constant 32 : index
        %get3A_990 = tpu.vector_load %arg11[%get3A_988, %get3A_989] {strides = array<i32>} : memref<128x128xf32, #tpu.memory_space<vmem>>, vector<1x16xf32>,
        %get3A_991 = vector.shape_cast %get3A_990 : vector<1x16xf32> to vector<16xf32>
        %mul3A_992 = vector.broadcast %squeeze3A_963 : f32 to vector<16xf32>
        %mul3A_993 = arith.mulf %get3A_991, %mul3A_992 : vector<16xf32>
        %swap3A_994 = arith.index_cast %add3A_965 : i32 to index
        %swap3A_995 = arith.constant 32 : index
        %swap3A_996 = tpu.vector_load %arg11[%swap3A_994, %swap3A_995] {strides = array<i32>} : memref<128x128xf32, #tpu.memory_space<vmem>>, vector<1x16xf32>,
        %swap3A_997 = vector.shape_cast %swap3A_996 : vector<1x16xf32> to vector<16xf32>
        %swap3A_998 = vector.shape_cast %mul3A_993 : vector<16xf32> to vector<1x16xf32>
        tpu.vector_store %arg11[%swap3A_994, %swap3A_995], %swap3A_998 {strides = array<i32>} : memref<128x128xf32, #tpu.memory_space<vmem>>, vector<1x16xf32>,
        %get3A_999 = arith.index_cast %add3A_965 : i32 to index
        %get3A_1000 = arith.constant 48 : index
        %get3A_1001 = tpu.vector_load %arg11[%get3A_999, %get3A_1000] {strides = array<i32>} : memref<128x128xf32, #tpu.memory_space<vmem>>, vector<1x16xf32>,
        %get3A_1002 = vector.shape_cast %get3A_1001 : vector<1x16xf32> to vector<16xf32>
        %mul3A_1003 = vector.broadcast %squeeze3A_963 : f32 to vector<16xf32>
        %mul3A_1004 = arith.mulf %get3A_1002, %mul3A_1003 : vector<16xf32>
        %swap3A_1005 = arith.index_cast %add3A_965 : i32 to index
        %swap3A_1006 = arith.constant 48 : index
        %swap3A_1007 = tpu.vector_load %arg11[%swap3A_1005, %swap3A_1006] {strides = array<i32>} : memref<128x128xf32, #tpu.memory_space<vmem>>, vector<1x16xf32>,
        %swap3A_1008 = vector.shape_cast %swap3A_1007 : vector<1x16xf32> to vector<16xf32>
        %swap3A_1009 = vector.shape_cast %mul3A_1004 : vector<16xf32> to vector<1x16xf32>
        tpu.vector_store %arg11[%swap3A_1005, %swap3A_1006], %swap3A_1009 {strides = array<i32>} : memref<128x128xf32, #tpu.memory_space<vmem>>, vector<1x16xf32>,
        %get3A_1010 = arith.index_cast %add3A_965 : i32 to index
        %get3A_1011 = arith.constant 64 : index
        %get3A_1012 = tpu.vector_load %arg11[%get3A_1010, %get3A_1011] {strides = array<i32>} : memref<128x128xf32, #tpu.memory_space<vmem>>, vector<1x16xf32>,
        %get3A_1013 = vector.shape_cast %get3A_1012 : vector<1x16xf32> to vector<16xf32>
        %mul3A_1014 = vector.broadcast %squeeze3A_963 : f32 to vector<16xf32>
        %mul3A_1015 = arith.mulf %get3A_1013, %mul3A_1014 : vector<16xf32>
        %swap3A_1016 = arith.index_cast %add3A_965 : i32 to index
        %swap3A_1017 = arith.constant 64 : index
        %swap3A_1018 = tpu.vector_load %arg11[%swap3A_1016, %swap3A_1017] {strides = array<i32>} : memref<128x128xf32, #tpu.memory_space<vmem>>, vector<1x16xf32>,
        %swap3A_1019 = vector.shape_cast %swap3A_1018 : vector<1x16xf32> to vector<16xf32>
        %swap3A_1020 = vector.shape_cast %mul3A_1015 : vector<16xf32> to vector<1x16xf32>
        tpu.vector_store %arg11[%swap3A_1016, %swap3A_1017], %swap3A_1020 {strides = array<i32>} : memref<128x128xf32, #tpu.memory_space<vmem>>, vector<1x16xf32>,
        %get3A_1021 = arith.index_cast %add3A_965 : i32 to index
        %get3A_1022 = arith.constant 80 : index
        %get3A_1023 = tpu.vector_load %arg11[%get3A_1021, %get3A_1022] {strides = array<i32>} : memref<128x128xf32, #tpu.memory_space<vmem>>, vector<1x16xf32>,
        %get3A_1024 = vector.shape_cast %get3A_1023 : vector<1x16xf32> to vector<16xf32>
        %mul3A_1025 = vector.broadcast %squeeze3A_963 : f32 to vector<16xf32>
        %mul3A_1026 = arith.mulf %get3A_1024, %mul3A_1025 : vector<16xf32>
        %swap3A_1027 = arith.index_cast %add3A_965 : i32 to index
        %swap3A_1028 = arith.constant 80 : index
        %swap3A_1029 = tpu.vector_load %arg11[%swap3A_1027, %swap3A_1028] {strides = array<i32>} : memref<128x128xf32, #tpu.memory_space<vmem>>, vector<1x16xf32>,
        %swap3A_1030 = vector.shape_cast %swap3A_1029 : vector<1x16xf32> to vector<16xf32>
        %swap3A_1031 = vector.shape_cast %mul3A_1026 : vector<16xf32> to vector<1x16xf32>
        tpu.vector_store %arg11[%swap3A_1027, %swap3A_1028], %swap3A_1031 {strides = array<i32>} : memref<128x128xf32, #tpu.memory_space<vmem>>, vector<1x16xf32>,
        %get3A_1032 = arith.index_cast %add3A_965 : i32 to index
        %get3A_1033 = arith.constant 96 : index
        %get3A_1034 = tpu.vector_load %arg11[%get3A_1032, %get3A_1033] {strides = array<i32>} : memref<128x128xf32, #tpu.memory_space<vmem>>, vector<1x16xf32>,
        %get3A_1035 = vector.shape_cast %get3A_1034 : vector<1x16xf32> to vector<16xf32>
        %mul3A_1036 = vector.broadcast %squeeze3A_963 : f32 to vector<16xf32>
        %mul3A_1037 = arith.mulf %get3A_1035, %mul3A_1036 : vector<16xf32>
        %swap3A_1038 = arith.index_cast %add3A_965 : i32 to index
        %swap3A_1039 = arith.constant 96 : index
        %swap3A_1040 = tpu.vector_load %arg11[%swap3A_1038, %swap3A_1039] {strides = array<i32>} : memref<128x128xf32, #tpu.memory_space<vmem>>, vector<1x16xf32>,
        %swap3A_1041 = vector.shape_cast %swap3A_1040 : vector<1x16xf32> to vector<16xf32>
        %swap3A_1042 = vector.shape_cast %mul3A_1037 : vector<16xf32> to vector<1x16xf32>
        tpu.vector_store %arg11[%swap3A_1038, %swap3A_1039], %swap3A_1042 {strides = array<i32>} : memref<128x128xf32, #tpu.memory_space<vmem>>, vector<1x16xf32>,
        %get3A_1043 = arith.index_cast %add3A_965 : i32 to index
        %get3A_1044 = arith.constant 112 : index
        %get3A_1045 = tpu.vector_load %arg11[%get3A_1043, %get3A_1044] {strides = array<i32>} : memref<128x128xf32, #tpu.memory_space<vmem>>, vector<1x16xf32>,
        %get3A_1046 = vector.shape_cast %get3A_1045 : vector<1x16xf32> to vector<16xf32>
        %mul3A_1047 = vector.broadcast %squeeze3A_963 : f32 to vector<16xf32>
        %mul3A_1048 = arith.mulf %get3A_1046, %mul3A_1047 : vector<16xf32>
        %swap3A_1049 = arith.index_cast %add3A_965 : i32 to index
        %swap3A_1050 = arith.constant 112 : index
        %swap3A_1051 = tpu.vector_load %arg11[%swap3A_1049, %swap3A_1050] {strides = array<i32>} : memref<128x128xf32, #tpu.memory_space<vmem>>, vector<1x16xf32>,
        %swap3A_1052 = vector.shape_cast %swap3A_1051 : vector<1x16xf32> to vector<16xf32>
        %swap3A_1053 = vector.shape_cast %mul3A_1048 : vector<16xf32> to vector<1x16xf32>
        tpu.vector_store %arg11[%swap3A_1049, %swap3A_1050], %swap3A_1053 {strides = array<i32>} : memref<128x128xf32, #tpu.memory_space<vmem>>, vector<1x16xf32>,
        %slice3A_1054 = vector.extract_strided_slice %get3A_44 {offsets = [11], sizes = [1], strides = [1]} : vector<16xf32> to vector<1xf32>
        %squeeze3A_1055 = vector.extract %slice3A_1054[0] : f32 from vector<1xf32>
        %add3A_1056 = arith.constant 11 : i32
        %add3A_1057 = arith.addi %mul3A_41, %add3A_1056 : i32
        %get3A_1058 = arith.index_cast %add3A_1057 : i32 to index
        %get3A_1059 = arith.constant 0 : index
        %get3A_1060 = tpu.vector_load %arg11[%get3A_1058, %get3A_1059] {strides = array<i32>} : memref<128x128xf32, #tpu.memory_space<vmem>>, vector<1x16xf32>,
        %get3A_1061 = vector.shape_cast %get3A_1060 : vector<1x16xf32> to vector<16xf32>
        %mul3A_1062 = vector.broadcast %squeeze3A_1055 : f32 to vector<16xf32>
        %mul3A_1063 = arith.mulf %get3A_1061, %mul3A_1062 : vector<16xf32>
        %swap3A_1064 = arith.index_cast %add3A_1057 : i32 to index
        %swap3A_1065 = arith.constant 0 : index
        %swap3A_1066 = tpu.vector_load %arg11[%swap3A_1064, %swap3A_1065] {strides = array<i32>} : memref<128x128xf32, #tpu.memory_space<vmem>>, vector<1x16xf32>,
        %swap3A_1067 = vector.shape_cast %swap3A_1066 : vector<1x16xf32> to vector<16xf32>
        %swap3A_1068 = vector.shape_cast %mul3A_1063 : vector<16xf32> to vector<1x16xf32>
        tpu.vector_store %arg11[%swap3A_1064, %swap3A_1065], %swap3A_1068 {strides = array<i32>} : memref<128x128xf32, #tpu.memory_space<vmem>>, vector<1x16xf32>,
        %get3A_1069 = arith.index_cast %add3A_1057 : i32 to index
        %get3A_1070 = arith.constant 16 : index
        %get3A_1071 = tpu.vector_load %arg11[%get3A_1069, %get3A_1070] {strides = array<i32>} : memref<128x128xf32, #tpu.memory_space<vmem>>, vector<1x16xf32>,
        %get3A_1072 = vector.shape_cast %get3A_1071 : vector<1x16xf32> to vector<16xf32>
        %mul3A_1073 = vector.broadcast %squeeze3A_1055 : f32 to vector<16xf32>
        %mul3A_1074 = arith.mulf %get3A_1072, %mul3A_1073 : vector<16xf32>
        %swap3A_1075 = arith.index_cast %add3A_1057 : i32 to index
        %swap3A_1076 = arith.constant 16 : index
        %swap3A_1077 = tpu.vector_load %arg11[%swap3A_1075, %swap3A_1076] {strides = array<i32>} : memref<128x128xf32, #tpu.memory_space<vmem>>, vector<1x16xf32>,
        %swap3A_1078 = vector.shape_cast %swap3A_1077 : vector<1x16xf32> to vector<16xf32>
        %swap3A_1079 = vector.shape_cast %mul3A_1074 : vector<16xf32> to vector<1x16xf32>
        tpu.vector_store %arg11[%swap3A_1075, %swap3A_1076], %swap3A_1079 {strides = array<i32>} : memref<128x128xf32, #tpu.memory_space<vmem>>, vector<1x16xf32>,
        %get3A_1080 = arith.index_cast %add3A_1057 : i32 to index
        %get3A_1081 = arith.constant 32 : index
        %get3A_1082 = tpu.vector_load %arg11[%get3A_1080, %get3A_1081] {strides = array<i32>} : memref<128x128xf32, #tpu.memory_space<vmem>>, vector<1x16xf32>,
        %get3A_1083 = vector.shape_cast %get3A_1082 : vector<1x16xf32> to vector<16xf32>
        %mul3A_1084 = vector.broadcast %squeeze3A_1055 : f32 to vector<16xf32>
        %mul3A_1085 = arith.mulf %get3A_1083, %mul3A_1084 : vector<16xf32>
        %swap3A_1086 = arith.index_cast %add3A_1057 : i32 to index
        %swap3A_1087 = arith.constant 32 : index
        %swap3A_1088 = tpu.vector_load %arg11[%swap3A_1086, %swap3A_1087] {strides = array<i32>} : memref<128x128xf32, #tpu.memory_space<vmem>>, vector<1x16xf32>,
        %swap3A_1089 = vector.shape_cast %swap3A_1088 : vector<1x16xf32> to vector<16xf32>
        %swap3A_1090 = vector.shape_cast %mul3A_1085 : vector<16xf32> to vector<1x16xf32>
        tpu.vector_store %arg11[%swap3A_1086, %swap3A_1087], %swap3A_1090 {strides = array<i32>} : memref<128x128xf32, #tpu.memory_space<vmem>>, vector<1x16xf32>,
        %get3A_1091 = arith.index_cast %add3A_1057 : i32 to index
        %get3A_1092 = arith.constant 48 : index
        %get3A_1093 = tpu.vector_load %arg11[%get3A_1091, %get3A_1092] {strides = array<i32>} : memref<128x128xf32, #tpu.memory_space<vmem>>, vector<1x16xf32>,
        %get3A_1094 = vector.shape_cast %get3A_1093 : vector<1x16xf32> to vector<16xf32>
        %mul3A_1095 = vector.broadcast %squeeze3A_1055 : f32 to vector<16xf32>
        %mul3A_1096 = arith.mulf %get3A_1094, %mul3A_1095 : vector<16xf32>
        %swap3A_1097 = arith.index_cast %add3A_1057 : i32 to index
        %swap3A_1098 = arith.constant 48 : index
        %swap3A_1099 = tpu.vector_load %arg11[%swap3A_1097, %swap3A_1098] {strides = array<i32>} : memref<128x128xf32, #tpu.memory_space<vmem>>, vector<1x16xf32>,
        %swap3A_1100 = vector.shape_cast %swap3A_1099 : vector<1x16xf32> to vector<16xf32>
        %swap3A_1101 = vector.shape_cast %mul3A_1096 : vector<16xf32> to vector<1x16xf32>
        tpu.vector_store %arg11[%swap3A_1097, %swap3A_1098], %swap3A_1101 {strides = array<i32>} : memref<128x128xf32, #tpu.memory_space<vmem>>, vector<1x16xf32>,
        %get3A_1102 = arith.index_cast %add3A_1057 : i32 to index
        %get3A_1103 = arith.constant 64 : index
        %get3A_1104 = tpu.vector_load %arg11[%get3A_1102, %get3A_1103] {strides = array<i32>} : memref<128x128xf32, #tpu.memory_space<vmem>>, vector<1x16xf32>,
        %get3A_1105 = vector.shape_cast %get3A_1104 : vector<1x16xf32> to vector<16xf32>
        %mul3A_1106 = vector.broadcast %squeeze3A_1055 : f32 to vector<16xf32>
        %mul3A_1107 = arith.mulf %get3A_1105, %mul3A_1106 : vector<16xf32>
        %swap3A_1108 = arith.index_cast %add3A_1057 : i32 to index
        %swap3A_1109 = arith.constant 64 : index
        %swap3A_1110 = tpu.vector_load %arg11[%swap3A_1108, %swap3A_1109] {strides = array<i32>} : memref<128x128xf32, #tpu.memory_space<vmem>>, vector<1x16xf32>,
        %swap3A_1111 = vector.shape_cast %swap3A_1110 : vector<1x16xf32> to vector<16xf32>
        %swap3A_1112 = vector.shape_cast %mul3A_1107 : vector<16xf32> to vector<1x16xf32>
        tpu.vector_store %arg11[%swap3A_1108, %swap3A_1109], %swap3A_1112 {strides = array<i32>} : memref<128x128xf32, #tpu.memory_space<vmem>>, vector<1x16xf32>,
        %get3A_1113 = arith.index_cast %add3A_1057 : i32 to index
        %get3A_1114 = arith.constant 80 : index
        %get3A_1115 = tpu.vector_load %arg11[%get3A_1113, %get3A_1114] {strides = array<i32>} : memref<128x128xf32, #tpu.memory_space<vmem>>, vector<1x16xf32>,
        %get3A_1116 = vector.shape_cast %get3A_1115 : vector<1x16xf32> to vector<16xf32>
        %mul3A_1117 = vector.broadcast %squeeze3A_1055 : f32 to vector<16xf32>
        %mul3A_1118 = arith.mulf %get3A_1116, %mul3A_1117 : vector<16xf32>
        %swap3A_1119 = arith.index_cast %add3A_1057 : i32 to index
        %swap3A_1120 = arith.constant 80 : index
        %swap3A_1121 = tpu.vector_load %arg11[%swap3A_1119, %swap3A_1120] {strides = array<i32>} : memref<128x128xf32, #tpu.memory_space<vmem>>, vector<1x16xf32>,
        %swap3A_1122 = vector.shape_cast %swap3A_1121 : vector<1x16xf32> to vector<16xf32>
        %swap3A_1123 = vector.shape_cast %mul3A_1118 : vector<16xf32> to vector<1x16xf32>
        tpu.vector_store %arg11[%swap3A_1119, %swap3A_1120], %swap3A_1123 {strides = array<i32>} : memref<128x128xf32, #tpu.memory_space<vmem>>, vector<1x16xf32>,
        %get3A_1124 = arith.index_cast %add3A_1057 : i32 to index
        %get3A_1125 = arith.constant 96 : index
        %get3A_1126 = tpu.vector_load %arg11[%get3A_1124, %get3A_1125] {strides = array<i32>} : memref<128x128xf32, #tpu.memory_space<vmem>>, vector<1x16xf32>,
        %get3A_1127 = vector.shape_cast %get3A_1126 : vector<1x16xf32> to vector<16xf32>
        %mul3A_1128 = vector.broadcast %squeeze3A_1055 : f32 to vector<16xf32>
        %mul3A_1129 = arith.mulf %get3A_1127, %mul3A_1128 : vector<16xf32>
        %swap3A_1130 = arith.index_cast %add3A_1057 : i32 to index
        %swap3A_1131 = arith.constant 96 : index
        %swap3A_1132 = tpu.vector_load %arg11[%swap3A_1130, %swap3A_1131] {strides = array<i32>} : memref<128x128xf32, #tpu.memory_space<vmem>>, vector<1x16xf32>,
        %swap3A_1133 = vector.shape_cast %swap3A_1132 : vector<1x16xf32> to vector<16xf32>
        %swap3A_1134 = vector.shape_cast %mul3A_1129 : vector<16xf32> to vector<1x16xf32>
        tpu.vector_store %arg11[%swap3A_1130, %swap3A_1131], %swap3A_1134 {strides = array<i32>} : memref<128x128xf32, #tpu.memory_space<vmem>>, vector<1x16xf32>,
        %get3A_1135 = arith.index_cast %add3A_1057 : i32 to index
        %get3A_1136 = arith.constant 112 : index
        %get3A_1137 = tpu.vector_load %arg11[%get3A_1135, %get3A_1136] {strides = array<i32>} : memref<128x128xf32, #tpu.memory_space<vmem>>, vector<1x16xf32>,
        %get3A_1138 = vector.shape_cast %get3A_1137 : vector<1x16xf32> to vector<16xf32>
        %mul3A_1139 = vector.broadcast %squeeze3A_1055 : f32 to vector<16xf32>
        %mul3A_1140 = arith.mulf %get3A_1138, %mul3A_1139 : vector<16xf32>
        %swap3A_1141 = arith.index_cast %add3A_1057 : i32 to index
        %swap3A_1142 = arith.constant 112 : index
        %swap3A_1143 = tpu.vector_load %arg11[%swap3A_1141, %swap3A_1142] {strides = array<i32>} : memref<128x128xf32, #tpu.memory_space<vmem>>, vector<1x16xf32>,
        %swap3A_1144 = vector.shape_cast %swap3A_1143 : vector<1x16xf32> to vector<16xf32>
        %swap3A_1145 = vector.shape_cast %mul3A_1140 : vector<16xf32> to vector<1x16xf32>
        tpu.vector_store %arg11[%swap3A_1141, %swap3A_1142], %swap3A_1145 {strides = array<i32>} : memref<128x128xf32, #tpu.memory_space<vmem>>, vector<1x16xf32>,
        %slice3A_1146 = vector.extract_strided_slice %get3A_44 {offsets = [12], sizes = [1], strides = [1]} : vector<16xf32> to vector<1xf32>
        %squeeze3A_1147 = vector.extract %slice3A_1146[0] : f32 from vector<1xf32>
        %add3A_1148 = arith.constant 12 : i32
        %add3A_1149 = arith.addi %mul3A_41, %add3A_1148 : i32
        %get3A_1150 = arith.index_cast %add3A_1149 : i32 to index
        %get3A_1151 = arith.constant 0 : index
        %get3A_1152 = tpu.vector_load %arg11[%get3A_1150, %get3A_1151] {strides = array<i32>} : memref<128x128xf32, #tpu.memory_space<vmem>>, vector<1x16xf32>,
        %get3A_1153 = vector.shape_cast %get3A_1152 : vector<1x16xf32> to vector<16xf32>
        %mul3A_1154 = vector.broadcast %squeeze3A_1147 : f32 to vector<16xf32>
        %mul3A_1155 = arith.mulf %get3A_1153, %mul3A_1154 : vector<16xf32>
        %swap3A_1156 = arith.index_cast %add3A_1149 : i32 to index
        %swap3A_1157 = arith.constant 0 : index
        %swap3A_1158 = tpu.vector_load %arg11[%swap3A_1156, %swap3A_1157] {strides = array<i32>} : memref<128x128xf32, #tpu.memory_space<vmem>>, vector<1x16xf32>,
        %swap3A_1159 = vector.shape_cast %swap3A_1158 : vector<1x16xf32> to vector<16xf32>
        %swap3A_1160 = vector.shape_cast %mul3A_1155 : vector<16xf32> to vector<1x16xf32>
        tpu.vector_store %arg11[%swap3A_1156, %swap3A_1157], %swap3A_1160 {strides = array<i32>} : memref<128x128xf32, #tpu.memory_space<vmem>>, vector<1x16xf32>,
        %get3A_1161 = arith.index_cast %add3A_1149 : i32 to index
        %get3A_1162 = arith.constant 16 : index
        %get3A_1163 = tpu.vector_load %arg11[%get3A_1161, %get3A_1162] {strides = array<i32>} : memref<128x128xf32, #tpu.memory_space<vmem>>, vector<1x16xf32>,
        %get3A_1164 = vector.shape_cast %get3A_1163 : vector<1x16xf32> to vector<16xf32>
        %mul3A_1165 = vector.broadcast %squeeze3A_1147 : f32 to vector<16xf32>
        %mul3A_1166 = arith.mulf %get3A_1164, %mul3A_1165 : vector<16xf32>
        %swap3A_1167 = arith.index_cast %add3A_1149 : i32 to index
        %swap3A_1168 = arith.constant 16 : index
        %swap3A_1169 = tpu.vector_load %arg11[%swap3A_1167, %swap3A_1168] {strides = array<i32>} : memref<128x128xf32, #tpu.memory_space<vmem>>, vector<1x16xf32>,
        %swap3A_1170 = vector.shape_cast %swap3A_1169 : vector<1x16xf32> to vector<16xf32>
        %swap3A_1171 = vector.shape_cast %mul3A_1166 : vector<16xf32> to vector<1x16xf32>
        tpu.vector_store %arg11[%swap3A_1167, %swap3A_1168], %swap3A_1171 {strides = array<i32>} : memref<128x128xf32, #tpu.memory_space<vmem>>, vector<1x16xf32>,
        %get3A_1172 = arith.index_cast %add3A_1149 : i32 to index
        %get3A_1173 = arith.constant 32 : index
        %get3A_1174 = tpu.vector_load %arg11[%get3A_1172, %get3A_1173] {strides = array<i32>} : memref<128x128xf32, #tpu.memory_space<vmem>>, vector<1x16xf32>,
        %get3A_1175 = vector.shape_cast %get3A_1174 : vector<1x16xf32> to vector<16xf32>
        %mul3A_1176 = vector.broadcast %squeeze3A_1147 : f32 to vector<16xf32>
        %mul3A_1177 = arith.mulf %get3A_1175, %mul3A_1176 : vector<16xf32>
        %swap3A_1178 = arith.index_cast %add3A_1149 : i32 to index
        %swap3A_1179 = arith.constant 32 : index
        %swap3A_1180 = tpu.vector_load %arg11[%swap3A_1178, %swap3A_1179] {strides = array<i32>} : memref<128x128xf32, #tpu.memory_space<vmem>>, vector<1x16xf32>,
        %swap3A_1181 = vector.shape_cast %swap3A_1180 : vector<1x16xf32> to vector<16xf32>
        %swap3A_1182 = vector.shape_cast %mul3A_1177 : vector<16xf32> to vector<1x16xf32>
        tpu.vector_store %arg11[%swap3A_1178, %swap3A_1179], %swap3A_1182 {strides = array<i32>} : memref<128x128xf32, #tpu.memory_space<vmem>>, vector<1x16xf32>,
        %get3A_1183 = arith.index_cast %add3A_1149 : i32 to index
        %get3A_1184 = arith.constant 48 : index
        %get3A_1185 = tpu.vector_load %arg11[%get3A_1183, %get3A_1184] {strides = array<i32>} : memref<128x128xf32, #tpu.memory_space<vmem>>, vector<1x16xf32>,
        %get3A_1186 = vector.shape_cast %get3A_1185 : vector<1x16xf32> to vector<16xf32>
        %mul3A_1187 = vector.broadcast %squeeze3A_1147 : f32 to vector<16xf32>
        %mul3A_1188 = arith.mulf %get3A_1186, %mul3A_1187 : vector<16xf32>
        %swap3A_1189 = arith.index_cast %add3A_1149 : i32 to index
        %swap3A_1190 = arith.constant 48 : index
        %swap3A_1191 = tpu.vector_load %arg11[%swap3A_1189, %swap3A_1190] {strides = array<i32>} : memref<128x128xf32, #tpu.memory_space<vmem>>, vector<1x16xf32>,
        %swap3A_1192 = vector.shape_cast %swap3A_1191 : vector<1x16xf32> to vector<16xf32>
        %swap3A_1193 = vector.shape_cast %mul3A_1188 : vector<16xf32> to vector<1x16xf32>
        tpu.vector_store %arg11[%swap3A_1189, %swap3A_1190], %swap3A_1193 {strides = array<i32>} : memref<128x128xf32, #tpu.memory_space<vmem>>, vector<1x16xf32>,
        %get3A_1194 = arith.index_cast %add3A_1149 : i32 to index
        %get3A_1195 = arith.constant 64 : index
        %get3A_1196 = tpu.vector_load %arg11[%get3A_1194, %get3A_1195] {strides = array<i32>} : memref<128x128xf32, #tpu.memory_space<vmem>>, vector<1x16xf32>,
        %get3A_1197 = vector.shape_cast %get3A_1196 : vector<1x16xf32> to vector<16xf32>
        %mul3A_1198 = vector.broadcast %squeeze3A_1147 : f32 to vector<16xf32>
        %mul3A_1199 = arith.mulf %get3A_1197, %mul3A_1198 : vector<16xf32>
        %swap3A_1200 = arith.index_cast %add3A_1149 : i32 to index
        %swap3A_1201 = arith.constant 64 : index
        %swap3A_1202 = tpu.vector_load %arg11[%swap3A_1200, %swap3A_1201] {strides = array<i32>} : memref<128x128xf32, #tpu.memory_space<vmem>>, vector<1x16xf32>,
        %swap3A_1203 = vector.shape_cast %swap3A_1202 : vector<1x16xf32> to vector<16xf32>
        %swap3A_1204 = vector.shape_cast %mul3A_1199 : vector<16xf32> to vector<1x16xf32>
        tpu.vector_store %arg11[%swap3A_1200, %swap3A_1201], %swap3A_1204 {strides = array<i32>} : memref<128x128xf32, #tpu.memory_space<vmem>>, vector<1x16xf32>,
        %get3A_1205 = arith.index_cast %add3A_1149 : i32 to index
        %get3A_1206 = arith.constant 80 : index
        %get3A_1207 = tpu.vector_load %arg11[%get3A_1205, %get3A_1206] {strides = array<i32>} : memref<128x128xf32, #tpu.memory_space<vmem>>, vector<1x16xf32>,
        %get3A_1208 = vector.shape_cast %get3A_1207 : vector<1x16xf32> to vector<16xf32>
        %mul3A_1209 = vector.broadcast %squeeze3A_1147 : f32 to vector<16xf32>
        %mul3A_1210 = arith.mulf %get3A_1208, %mul3A_1209 : vector<16xf32>
        %swap3A_1211 = arith.index_cast %add3A_1149 : i32 to index
        %swap3A_1212 = arith.constant 80 : index
        %swap3A_1213 = tpu.vector_load %arg11[%swap3A_1211, %swap3A_1212] {strides = array<i32>} : memref<128x128xf32, #tpu.memory_space<vmem>>, vector<1x16xf32>,
        %swap3A_1214 = vector.shape_cast %swap3A_1213 : vector<1x16xf32> to vector<16xf32>
        %swap3A_1215 = vector.shape_cast %mul3A_1210 : vector<16xf32> to vector<1x16xf32>
        tpu.vector_store %arg11[%swap3A_1211, %swap3A_1212], %swap3A_1215 {strides = array<i32>} : memref<128x128xf32, #tpu.memory_space<vmem>>, vector<1x16xf32>,
        %get3A_1216 = arith.index_cast %add3A_1149 : i32 to index
        %get3A_1217 = arith.constant 96 : index
        %get3A_1218 = tpu.vector_load %arg11[%get3A_1216, %get3A_1217] {strides = array<i32>} : memref<128x128xf32, #tpu.memory_space<vmem>>, vector<1x16xf32>,
        %get3A_1219 = vector.shape_cast %get3A_1218 : vector<1x16xf32> to vector<16xf32>
        %mul3A_1220 = vector.broadcast %squeeze3A_1147 : f32 to vector<16xf32>
        %mul3A_1221 = arith.mulf %get3A_1219, %mul3A_1220 : vector<16xf32>
        %swap3A_1222 = arith.index_cast %add3A_1149 : i32 to index
        %swap3A_1223 = arith.constant 96 : index
        %swap3A_1224 = tpu.vector_load %arg11[%swap3A_1222, %swap3A_1223] {strides = array<i32>} : memref<128x128xf32, #tpu.memory_space<vmem>>, vector<1x16xf32>,
        %swap3A_1225 = vector.shape_cast %swap3A_1224 : vector<1x16xf32> to vector<16xf32>
        %swap3A_1226 = vector.shape_cast %mul3A_1221 : vector<16xf32> to vector<1x16xf32>
        tpu.vector_store %arg11[%swap3A_1222, %swap3A_1223], %swap3A_1226 {strides = array<i32>} : memref<128x128xf32, #tpu.memory_space<vmem>>, vector<1x16xf32>,
        %get3A_1227 = arith.index_cast %add3A_1149 : i32 to index
        %get3A_1228 = arith.constant 112 : index
        %get3A_1229 = tpu.vector_load %arg11[%get3A_1227, %get3A_1228] {strides = array<i32>} : memref<128x128xf32, #tpu.memory_space<vmem>>, vector<1x16xf32>,
        %get3A_1230 = vector.shape_cast %get3A_1229 : vector<1x16xf32> to vector<16xf32>
        %mul3A_1231 = vector.broadcast %squeeze3A_1147 : f32 to vector<16xf32>
        %mul3A_1232 = arith.mulf %get3A_1230, %mul3A_1231 : vector<16xf32>
        %swap3A_1233 = arith.index_cast %add3A_1149 : i32 to index
        %swap3A_1234 = arith.constant 112 : index
        %swap3A_1235 = tpu.vector_load %arg11[%swap3A_1233, %swap3A_1234] {strides = array<i32>} : memref<128x128xf32, #tpu.memory_space<vmem>>, vector<1x16xf32>,
        %swap3A_1236 = vector.shape_cast %swap3A_1235 : vector<1x16xf32> to vector<16xf32>
        %swap3A_1237 = vector.shape_cast %mul3A_1232 : vector<16xf32> to vector<1x16xf32>
        tpu.vector_store %arg11[%swap3A_1233, %swap3A_1234], %swap3A_1237 {strides = array<i32>} : memref<128x128xf32, #tpu.memory_space<vmem>>, vector<1x16xf32>,
        %slice3A_1238 = vector.extract_strided_slice %get3A_44 {offsets = [13], sizes = [1], strides = [1]} : vector<16xf32> to vector<1xf32>
        %squeeze3A_1239 = vector.extract %slice3A_1238[0] : f32 from vector<1xf32>
        %add3A_1240 = arith.constant 13 : i32
        %add3A_1241 = arith.addi %mul3A_41, %add3A_1240 : i32
        %get3A_1242 = arith.index_cast %add3A_1241 : i32 to index
        %get3A_1243 = arith.constant 0 : index
        %get3A_1244 = tpu.vector_load %arg11[%get3A_1242, %get3A_1243] {strides = array<i32>} : memref<128x128xf32, #tpu.memory_space<vmem>>, vector<1x16xf32>,
        %get3A_1245 = vector.shape_cast %get3A_1244 : vector<1x16xf32> to vector<16xf32>
        %mul3A_1246 = vector.broadcast %squeeze3A_1239 : f32 to vector<16xf32>
        %mul3A_1247 = arith.mulf %get3A_1245, %mul3A_1246 : vector<16xf32>
        %swap3A_1248 = arith.index_cast %add3A_1241 : i32 to index
        %swap3A_1249 = arith.constant 0 : index
        %swap3A_1250 = tpu.vector_load %arg11[%swap3A_1248, %swap3A_1249] {strides = array<i32>} : memref<128x128xf32, #tpu.memory_space<vmem>>, vector<1x16xf32>,
        %swap3A_1251 = vector.shape_cast %swap3A_1250 : vector<1x16xf32> to vector<16xf32>
        %swap3A_1252 = vector.shape_cast %mul3A_1247 : vector<16xf32> to vector<1x16xf32>
        tpu.vector_store %arg11[%swap3A_1248, %swap3A_1249], %swap3A_1252 {strides = array<i32>} : memref<128x128xf32, #tpu.memory_space<vmem>>, vector<1x16xf32>,
        %get3A_1253 = arith.index_cast %add3A_1241 : i32 to index
        %get3A_1254 = arith.constant 16 : index
        %get3A_1255 = tpu.vector_load %arg11[%get3A_1253, %get3A_1254] {strides = array<i32>} : memref<128x128xf32, #tpu.memory_space<vmem>>, vector<1x16xf32>,
        %get3A_1256 = vector.shape_cast %get3A_1255 : vector<1x16xf32> to vector<16xf32>
        %mul3A_1257 = vector.broadcast %squeeze3A_1239 : f32 to vector<16xf32>
        %mul3A_1258 = arith.mulf %get3A_1256, %mul3A_1257 : vector<16xf32>
        %swap3A_1259 = arith.index_cast %add3A_1241 : i32 to index
        %swap3A_1260 = arith.constant 16 : index
        %swap3A_1261 = tpu.vector_load %arg11[%swap3A_1259, %swap3A_1260] {strides = array<i32>} : memref<128x128xf32, #tpu.memory_space<vmem>>, vector<1x16xf32>,
        %swap3A_1262 = vector.shape_cast %swap3A_1261 : vector<1x16xf32> to vector<16xf32>
        %swap3A_1263 = vector.shape_cast %mul3A_1258 : vector<16xf32> to vector<1x16xf32>
        tpu.vector_store %arg11[%swap3A_1259, %swap3A_1260], %swap3A_1263 {strides = array<i32>} : memref<128x128xf32, #tpu.memory_space<vmem>>, vector<1x16xf32>,
        %get3A_1264 = arith.index_cast %add3A_1241 : i32 to index
        %get3A_1265 = arith.constant 32 : index
        %get3A_1266 = tpu.vector_load %arg11[%get3A_1264, %get3A_1265] {strides = array<i32>} : memref<128x128xf32, #tpu.memory_space<vmem>>, vector<1x16xf32>,
        %get3A_1267 = vector.shape_cast %get3A_1266 : vector<1x16xf32> to vector<16xf32>
        %mul3A_1268 = vector.broadcast %squeeze3A_1239 : f32 to vector<16xf32>
        %mul3A_1269 = arith.mulf %get3A_1267, %mul3A_1268 : vector<16xf32>
        %swap3A_1270 = arith.index_cast %add3A_1241 : i32 to index
        %swap3A_1271 = arith.constant 32 : index
        %swap3A_1272 = tpu.vector_load %arg11[%swap3A_1270, %swap3A_1271] {strides = array<i32>} : memref<128x128xf32, #tpu.memory_space<vmem>>, vector<1x16xf32>,
        %swap3A_1273 = vector.shape_cast %swap3A_1272 : vector<1x16xf32> to vector<16xf32>
        %swap3A_1274 = vector.shape_cast %mul3A_1269 : vector<16xf32> to vector<1x16xf32>
        tpu.vector_store %arg11[%swap3A_1270, %swap3A_1271], %swap3A_1274 {strides = array<i32>} : memref<128x128xf32, #tpu.memory_space<vmem>>, vector<1x16xf32>,
        %get3A_1275 = arith.index_cast %add3A_1241 : i32 to index
        %get3A_1276 = arith.constant 48 : index
        %get3A_1277 = tpu.vector_load %arg11[%get3A_1275, %get3A_1276] {strides = array<i32>} : memref<128x128xf32, #tpu.memory_space<vmem>>, vector<1x16xf32>,
        %get3A_1278 = vector.shape_cast %get3A_1277 : vector<1x16xf32> to vector<16xf32>
        %mul3A_1279 = vector.broadcast %squeeze3A_1239 : f32 to vector<16xf32>
        %mul3A_1280 = arith.mulf %get3A_1278, %mul3A_1279 : vector<16xf32>
        %swap3A_1281 = arith.index_cast %add3A_1241 : i32 to index
        %swap3A_1282 = arith.constant 48 : index
        %swap3A_1283 = tpu.vector_load %arg11[%swap3A_1281, %swap3A_1282] {strides = array<i32>} : memref<128x128xf32, #tpu.memory_space<vmem>>, vector<1x16xf32>,
        %swap3A_1284 = vector.shape_cast %swap3A_1283 : vector<1x16xf32> to vector<16xf32>
        %swap3A_1285 = vector.shape_cast %mul3A_1280 : vector<16xf32> to vector<1x16xf32>
        tpu.vector_store %arg11[%swap3A_1281, %swap3A_1282], %swap3A_1285 {strides = array<i32>} : memref<128x128xf32, #tpu.memory_space<vmem>>, vector<1x16xf32>,
        %get3A_1286 = arith.index_cast %add3A_1241 : i32 to index
        %get3A_1287 = arith.constant 64 : index
        %get3A_1288 = tpu.vector_load %arg11[%get3A_1286, %get3A_1287] {strides = array<i32>} : memref<128x128xf32, #tpu.memory_space<vmem>>, vector<1x16xf32>,
        %get3A_1289 = vector.shape_cast %get3A_1288 : vector<1x16xf32> to vector<16xf32>
        %mul3A_1290 = vector.broadcast %squeeze3A_1239 : f32 to vector<16xf32>
        %mul3A_1291 = arith.mulf %get3A_1289, %mul3A_1290 : vector<16xf32>
        %swap3A_1292 = arith.index_cast %add3A_1241 : i32 to index
        %swap3A_1293 = arith.constant 64 : index
        %swap3A_1294 = tpu.vector_load %arg11[%swap3A_1292, %swap3A_1293] {strides = array<i32>} : memref<128x128xf32, #tpu.memory_space<vmem>>, vector<1x16xf32>,
        %swap3A_1295 = vector.shape_cast %swap3A_1294 : vector<1x16xf32> to vector<16xf32>
        %swap3A_1296 = vector.shape_cast %mul3A_1291 : vector<16xf32> to vector<1x16xf32>
        tpu.vector_store %arg11[%swap3A_1292, %swap3A_1293], %swap3A_1296 {strides = array<i32>} : memref<128x128xf32, #tpu.memory_space<vmem>>, vector<1x16xf32>,
        %get3A_1297 = arith.index_cast %add3A_1241 : i32 to index
        %get3A_1298 = arith.constant 80 : index
        %get3A_1299 = tpu.vector_load %arg11[%get3A_1297, %get3A_1298] {strides = array<i32>} : memref<128x128xf32, #tpu.memory_space<vmem>>, vector<1x16xf32>,
        %get3A_1300 = vector.shape_cast %get3A_1299 : vector<1x16xf32> to vector<16xf32>
        %mul3A_1301 = vector.broadcast %squeeze3A_1239 : f32 to vector<16xf32>
        %mul3A_1302 = arith.mulf %get3A_1300, %mul3A_1301 : vector<16xf32>
        %swap3A_1303 = arith.index_cast %add3A_1241 : i32 to index
        %swap3A_1304 = arith.constant 80 : index
        %swap3A_1305 = tpu.vector_load %arg11[%swap3A_1303, %swap3A_1304] {strides = array<i32>} : memref<128x128xf32, #tpu.memory_space<vmem>>, vector<1x16xf32>,
        %swap3A_1306 = vector.shape_cast %swap3A_1305 : vector<1x16xf32> to vector<16xf32>
        %swap3A_1307 = vector.shape_cast %mul3A_1302 : vector<16xf32> to vector<1x16xf32>
        tpu.vector_store %arg11[%swap3A_1303, %swap3A_1304], %swap3A_1307 {strides = array<i32>} : memref<128x128xf32, #tpu.memory_space<vmem>>, vector<1x16xf32>,
        %get3A_1308 = arith.index_cast %add3A_1241 : i32 to index
        %get3A_1309 = arith.constant 96 : index
        %get3A_1310 = tpu.vector_load %arg11[%get3A_1308, %get3A_1309] {strides = array<i32>} : memref<128x128xf32, #tpu.memory_space<vmem>>, vector<1x16xf32>,
        %get3A_1311 = vector.shape_cast %get3A_1310 : vector<1x16xf32> to vector<16xf32>
        %mul3A_1312 = vector.broadcast %squeeze3A_1239 : f32 to vector<16xf32>
        %mul3A_1313 = arith.mulf %get3A_1311, %mul3A_1312 : vector<16xf32>
        %swap3A_1314 = arith.index_cast %add3A_1241 : i32 to index
        %swap3A_1315 = arith.constant 96 : index
        %swap3A_1316 = tpu.vector_load %arg11[%swap3A_1314, %swap3A_1315] {strides = array<i32>} : memref<128x128xf32, #tpu.memory_space<vmem>>, vector<1x16xf32>,
        %swap3A_1317 = vector.shape_cast %swap3A_1316 : vector<1x16xf32> to vector<16xf32>
        %swap3A_1318 = vector.shape_cast %mul3A_1313 : vector<16xf32> to vector<1x16xf32>
        tpu.vector_store %arg11[%swap3A_1314, %swap3A_1315], %swap3A_1318 {strides = array<i32>} : memref<128x128xf32, #tpu.memory_space<vmem>>, vector<1x16xf32>,
        %get3A_1319 = arith.index_cast %add3A_1241 : i32 to index
        %get3A_1320 = arith.constant 112 : index
        %get3A_1321 = tpu.vector_load %arg11[%get3A_1319, %get3A_1320] {strides = array<i32>} : memref<128x128xf32, #tpu.memory_space<vmem>>, vector<1x16xf32>,
        %get3A_1322 = vector.shape_cast %get3A_1321 : vector<1x16xf32> to vector<16xf32>
        %mul3A_1323 = vector.broadcast %squeeze3A_1239 : f32 to vector<16xf32>
        %mul3A_1324 = arith.mulf %get3A_1322, %mul3A_1323 : vector<16xf32>
        %swap3A_1325 = arith.index_cast %add3A_1241 : i32 to index
        %swap3A_1326 = arith.constant 112 : index
        %swap3A_1327 = tpu.vector_load %arg11[%swap3A_1325, %swap3A_1326] {strides = array<i32>} : memref<128x128xf32, #tpu.memory_space<vmem>>, vector<1x16xf32>,
        %swap3A_1328 = vector.shape_cast %swap3A_1327 : vector<1x16xf32> to vector<16xf32>
        %swap3A_1329 = vector.shape_cast %mul3A_1324 : vector<16xf32> to vector<1x16xf32>
        tpu.vector_store %arg11[%swap3A_1325, %swap3A_1326], %swap3A_1329 {strides = array<i32>} : memref<128x128xf32, #tpu.memory_space<vmem>>, vector<1x16xf32>,
        %slice3A_1330 = vector.extract_strided_slice %get3A_44 {offsets = [14], sizes = [1], strides = [1]} : vector<16xf32> to vector<1xf32>
        %squeeze3A_1331 = vector.extract %slice3A_1330[0] : f32 from vector<1xf32>
        %add3A_1332 = arith.constant 14 : i32
        %add3A_1333 = arith.addi %mul3A_41, %add3A_1332 : i32
        %get3A_1334 = arith.index_cast %add3A_1333 : i32 to index
        %get3A_1335 = arith.constant 0 : index
        %get3A_1336 = tpu.vector_load %arg11[%get3A_1334, %get3A_1335] {strides = array<i32>} : memref<128x128xf32, #tpu.memory_space<vmem>>, vector<1x16xf32>,
        %get3A_1337 = vector.shape_cast %get3A_1336 : vector<1x16xf32> to vector<16xf32>
        %mul3A_1338 = vector.broadcast %squeeze3A_1331 : f32 to vector<16xf32>
        %mul3A_1339 = arith.mulf %get3A_1337, %mul3A_1338 : vector<16xf32>
        %swap3A_1340 = arith.index_cast %add3A_1333 : i32 to index
        %swap3A_1341 = arith.constant 0 : index
        %swap3A_1342 = tpu.vector_load %arg11[%swap3A_1340, %swap3A_1341] {strides = array<i32>} : memref<128x128xf32, #tpu.memory_space<vmem>>, vector<1x16xf32>,
        %swap3A_1343 = vector.shape_cast %swap3A_1342 : vector<1x16xf32> to vector<16xf32>
        %swap3A_1344 = vector.shape_cast %mul3A_1339 : vector<16xf32> to vector<1x16xf32>
        tpu.vector_store %arg11[%swap3A_1340, %swap3A_1341], %swap3A_1344 {strides = array<i32>} : memref<128x128xf32, #tpu.memory_space<vmem>>, vector<1x16xf32>,
        %get3A_1345 = arith.index_cast %add3A_1333 : i32 to index
        %get3A_1346 = arith.constant 16 : index
        %get3A_1347 = tpu.vector_load %arg11[%get3A_1345, %get3A_1346] {strides = array<i32>} : memref<128x128xf32, #tpu.memory_space<vmem>>, vector<1x16xf32>,
        %get3A_1348 = vector.shape_cast %get3A_1347 : vector<1x16xf32> to vector<16xf32>
        %mul3A_1349 = vector.broadcast %squeeze3A_1331 : f32 to vector<16xf32>
        %mul3A_1350 = arith.mulf %get3A_1348, %mul3A_1349 : vector<16xf32>
        %swap3A_1351 = arith.index_cast %add3A_1333 : i32 to index
        %swap3A_1352 = arith.constant 16 : index
        %swap3A_1353 = tpu.vector_load %arg11[%swap3A_1351, %swap3A_1352] {strides = array<i32>} : memref<128x128xf32, #tpu.memory_space<vmem>>, vector<1x16xf32>,
        %swap3A_1354 = vector.shape_cast %swap3A_1353 : vector<1x16xf32> to vector<16xf32>
        %swap3A_1355 = vector.shape_cast %mul3A_1350 : vector<16xf32> to vector<1x16xf32>
        tpu.vector_store %arg11[%swap3A_1351, %swap3A_1352], %swap3A_1355 {strides = array<i32>} : memref<128x128xf32, #tpu.memory_space<vmem>>, vector<1x16xf32>,
        %get3A_1356 = arith.index_cast %add3A_1333 : i32 to index
        %get3A_1357 = arith.constant 32 : index
        %get3A_1358 = tpu.vector_load %arg11[%get3A_1356, %get3A_1357] {strides = array<i32>} : memref<128x128xf32, #tpu.memory_space<vmem>>, vector<1x16xf32>,
        %get3A_1359 = vector.shape_cast %get3A_1358 : vector<1x16xf32> to vector<16xf32>
        %mul3A_1360 = vector.broadcast %squeeze3A_1331 : f32 to vector<16xf32>
        %mul3A_1361 = arith.mulf %get3A_1359, %mul3A_1360 : vector<16xf32>
        %swap3A_1362 = arith.index_cast %add3A_1333 : i32 to index
        %swap3A_1363 = arith.constant 32 : index
        %swap3A_1364 = tpu.vector_load %arg11[%swap3A_1362, %swap3A_1363] {strides = array<i32>} : memref<128x128xf32, #tpu.memory_space<vmem>>, vector<1x16xf32>,
        %swap3A_1365 = vector.shape_cast %swap3A_1364 : vector<1x16xf32> to vector<16xf32>
        %swap3A_1366 = vector.shape_cast %mul3A_1361 : vector<16xf32> to vector<1x16xf32>
        tpu.vector_store %arg11[%swap3A_1362, %swap3A_1363], %swap3A_1366 {strides = array<i32>} : memref<128x128xf32, #tpu.memory_space<vmem>>, vector<1x16xf32>,
        %get3A_1367 = arith.index_cast %add3A_1333 : i32 to index
        %get3A_1368 = arith.constant 48 : index
        %get3A_1369 = tpu.vector_load %arg11[%get3A_1367, %get3A_1368] {strides = array<i32>} : memref<128x128xf32, #tpu.memory_space<vmem>>, vector<1x16xf32>,
        %get3A_1370 = vector.shape_cast %get3A_1369 : vector<1x16xf32> to vector<16xf32>
        %mul3A_1371 = vector.broadcast %squeeze3A_1331 : f32 to vector<16xf32>
        %mul3A_1372 = arith.mulf %get3A_1370, %mul3A_1371 : vector<16xf32>
        %swap3A_1373 = arith.index_cast %add3A_1333 : i32 to index
        %swap3A_1374 = arith.constant 48 : index
        %swap3A_1375 = tpu.vector_load %arg11[%swap3A_1373, %swap3A_1374] {strides = array<i32>} : memref<128x128xf32, #tpu.memory_space<vmem>>, vector<1x16xf32>,
        %swap3A_1376 = vector.shape_cast %swap3A_1375 : vector<1x16xf32> to vector<16xf32>
        %swap3A_1377 = vector.shape_cast %mul3A_1372 : vector<16xf32> to vector<1x16xf32>
        tpu.vector_store %arg11[%swap3A_1373, %swap3A_1374], %swap3A_1377 {strides = array<i32>} : memref<128x128xf32, #tpu.memory_space<vmem>>, vector<1x16xf32>,
        %get3A_1378 = arith.index_cast %add3A_1333 : i32 to index
        %get3A_1379 = arith.constant 64 : index
        %get3A_1380 = tpu.vector_load %arg11[%get3A_1378, %get3A_1379] {strides = array<i32>} : memref<128x128xf32, #tpu.memory_space<vmem>>, vector<1x16xf32>,
        %get3A_1381 = vector.shape_cast %get3A_1380 : vector<1x16xf32> to vector<16xf32>
        %mul3A_1382 = vector.broadcast %squeeze3A_1331 : f32 to vector<16xf32>
        %mul3A_1383 = arith.mulf %get3A_1381, %mul3A_1382 : vector<16xf32>
        %swap3A_1384 = arith.index_cast %add3A_1333 : i32 to index
        %swap3A_1385 = arith.constant 64 : index
        %swap3A_1386 = tpu.vector_load %arg11[%swap3A_1384, %swap3A_1385] {strides = array<i32>} : memref<128x128xf32, #tpu.memory_space<vmem>>, vector<1x16xf32>,
        %swap3A_1387 = vector.shape_cast %swap3A_1386 : vector<1x16xf32> to vector<16xf32>
        %swap3A_1388 = vector.shape_cast %mul3A_1383 : vector<16xf32> to vector<1x16xf32>
        tpu.vector_store %arg11[%swap3A_1384, %swap3A_1385], %swap3A_1388 {strides = array<i32>} : memref<128x128xf32, #tpu.memory_space<vmem>>, vector<1x16xf32>,
        %get3A_1389 = arith.index_cast %add3A_1333 : i32 to index
        %get3A_1390 = arith.constant 80 : index
        %get3A_1391 = tpu.vector_load %arg11[%get3A_1389, %get3A_1390] {strides = array<i32>} : memref<128x128xf32, #tpu.memory_space<vmem>>, vector<1x16xf32>,
        %get3A_1392 = vector.shape_cast %get3A_1391 : vector<1x16xf32> to vector<16xf32>
        %mul3A_1393 = vector.broadcast %squeeze3A_1331 : f32 to vector<16xf32>
        %mul3A_1394 = arith.mulf %get3A_1392, %mul3A_1393 : vector<16xf32>
        %swap3A_1395 = arith.index_cast %add3A_1333 : i32 to index
        %swap3A_1396 = arith.constant 80 : index
        %swap3A_1397 = tpu.vector_load %arg11[%swap3A_1395, %swap3A_1396] {strides = array<i32>} : memref<128x128xf32, #tpu.memory_space<vmem>>, vector<1x16xf32>,
        %swap3A_1398 = vector.shape_cast %swap3A_1397 : vector<1x16xf32> to vector<16xf32>
        %swap3A_1399 = vector.shape_cast %mul3A_1394 : vector<16xf32> to vector<1x16xf32>
        tpu.vector_store %arg11[%swap3A_1395, %swap3A_1396], %swap3A_1399 {strides = array<i32>} : memref<128x128xf32, #tpu.memory_space<vmem>>, vector<1x16xf32>,
        %get3A_1400 = arith.index_cast %add3A_1333 : i32 to index
        %get3A_1401 = arith.constant 96 : index
        %get3A_1402 = tpu.vector_load %arg11[%get3A_1400, %get3A_1401] {strides = array<i32>} : memref<128x128xf32, #tpu.memory_space<vmem>>, vector<1x16xf32>,
        %get3A_1403 = vector.shape_cast %get3A_1402 : vector<1x16xf32> to vector<16xf32>
        %mul3A_1404 = vector.broadcast %squeeze3A_1331 : f32 to vector<16xf32>
        %mul3A_1405 = arith.mulf %get3A_1403, %mul3A_1404 : vector<16xf32>
        %swap3A_1406 = arith.index_cast %add3A_1333 : i32 to index
        %swap3A_1407 = arith.constant 96 : index
        %swap3A_1408 = tpu.vector_load %arg11[%swap3A_1406, %swap3A_1407] {strides = array<i32>} : memref<128x128xf32, #tpu.memory_space<vmem>>, vector<1x16xf32>,
        %swap3A_1409 = vector.shape_cast %swap3A_1408 : vector<1x16xf32> to vector<16xf32>
        %swap3A_1410 = vector.shape_cast %mul3A_1405 : vector<16xf32> to vector<1x16xf32>
        tpu.vector_store %arg11[%swap3A_1406, %swap3A_1407], %swap3A_1410 {strides = array<i32>} : memref<128x128xf32, #tpu.memory_space<vmem>>, vector<1x16xf32>,
        %get3A_1411 = arith.index_cast %add3A_1333 : i32 to index
        %get3A_1412 = arith.constant 112 : index
        %get3A_1413 = tpu.vector_load %arg11[%get3A_1411, %get3A_1412] {strides = array<i32>} : memref<128x128xf32, #tpu.memory_space<vmem>>, vector<1x16xf32>,
        %get3A_1414 = vector.shape_cast %get3A_1413 : vector<1x16xf32> to vector<16xf32>
        %mul3A_1415 = vector.broadcast %squeeze3A_1331 : f32 to vector<16xf32>
        %mul3A_1416 = arith.mulf %get3A_1414, %mul3A_1415 : vector<16xf32>
        %swap3A_1417 = arith.index_cast %add3A_1333 : i32 to index
        %swap3A_1418 = arith.constant 112 : index
        %swap3A_1419 = tpu.vector_load %arg11[%swap3A_1417, %swap3A_1418] {strides = array<i32>} : memref<128x128xf32, #tpu.memory_space<vmem>>, vector<1x16xf32>,
        %swap3A_1420 = vector.shape_cast %swap3A_1419 : vector<1x16xf32> to vector<16xf32>
        %swap3A_1421 = vector.shape_cast %mul3A_1416 : vector<16xf32> to vector<1x16xf32>
        tpu.vector_store %arg11[%swap3A_1417, %swap3A_1418], %swap3A_1421 {strides = array<i32>} : memref<128x128xf32, #tpu.memory_space<vmem>>, vector<1x16xf32>,
        %slice3A_1422 = vector.extract_strided_slice %get3A_44 {offsets = [15], sizes = [1], strides = [1]} : vector<16xf32> to vector<1xf32>
        %squeeze3A_1423 = vector.extract %slice3A_1422[0] : f32 from vector<1xf32>
        %add3A_1424 = arith.constant 15 : i32
        %add3A_1425 = arith.addi %mul3A_41, %add3A_1424 : i32
        %get3A_1426 = arith.index_cast %add3A_1425 : i32 to index
        %get3A_1427 = arith.constant 0 : index
        %get3A_1428 = tpu.vector_load %arg11[%get3A_1426, %get3A_1427] {strides = array<i32>} : memref<128x128xf32, #tpu.memory_space<vmem>>, vector<1x16xf32>,
        %get3A_1429 = vector.shape_cast %get3A_1428 : vector<1x16xf32> to vector<16xf32>
        %mul3A_1430 = vector.broadcast %squeeze3A_1423 : f32 to vector<16xf32>
        %mul3A_1431 = arith.mulf %get3A_1429, %mul3A_1430 : vector<16xf32>
        %swap3A_1432 = arith.index_cast %add3A_1425 : i32 to index
        %swap3A_1433 = arith.constant 0 : index
        %swap3A_1434 = tpu.vector_load %arg11[%swap3A_1432, %swap3A_1433] {strides = array<i32>} : memref<128x128xf32, #tpu.memory_space<vmem>>, vector<1x16xf32>,
        %swap3A_1435 = vector.shape_cast %swap3A_1434 : vector<1x16xf32> to vector<16xf32>
        %swap3A_1436 = vector.shape_cast %mul3A_1431 : vector<16xf32> to vector<1x16xf32>
        tpu.vector_store %arg11[%swap3A_1432, %swap3A_1433], %swap3A_1436 {strides = array<i32>} : memref<128x128xf32, #tpu.memory_space<vmem>>, vector<1x16xf32>,
        %get3A_1437 = arith.index_cast %add3A_1425 : i32 to index
        %get3A_1438 = arith.constant 16 : index
        %get3A_1439 = tpu.vector_load %arg11[%get3A_1437, %get3A_1438] {strides = array<i32>} : memref<128x128xf32, #tpu.memory_space<vmem>>, vector<1x16xf32>,
        %get3A_1440 = vector.shape_cast %get3A_1439 : vector<1x16xf32> to vector<16xf32>
        %mul3A_1441 = vector.broadcast %squeeze3A_1423 : f32 to vector<16xf32>
        %mul3A_1442 = arith.mulf %get3A_1440, %mul3A_1441 : vector<16xf32>
        %swap3A_1443 = arith.index_cast %add3A_1425 : i32 to index
        %swap3A_1444 = arith.constant 16 : index
        %swap3A_1445 = tpu.vector_load %arg11[%swap3A_1443, %swap3A_1444] {strides = array<i32>} : memref<128x128xf32, #tpu.memory_space<vmem>>, vector<1x16xf32>,
        %swap3A_1446 = vector.shape_cast %swap3A_1445 : vector<1x16xf32> to vector<16xf32>
        %swap3A_1447 = vector.shape_cast %mul3A_1442 : vector<16xf32> to vector<1x16xf32>
        tpu.vector_store %arg11[%swap3A_1443, %swap3A_1444], %swap3A_1447 {strides = array<i32>} : memref<128x128xf32, #tpu.memory_space<vmem>>, vector<1x16xf32>,
        %get3A_1448 = arith.index_cast %add3A_1425 : i32 to index
        %get3A_1449 = arith.constant 32 : index
        %get3A_1450 = tpu.vector_load %arg11[%get3A_1448, %get3A_1449] {strides = array<i32>} : memref<128x128xf32, #tpu.memory_space<vmem>>, vector<1x16xf32>,
        %get3A_1451 = vector.shape_cast %get3A_1450 : vector<1x16xf32> to vector<16xf32>
        %mul3A_1452 = vector.broadcast %squeeze3A_1423 : f32 to vector<16xf32>
        %mul3A_1453 = arith.mulf %get3A_1451, %mul3A_1452 : vector<16xf32>
        %swap3A_1454 = arith.index_cast %add3A_1425 : i32 to index
        %swap3A_1455 = arith.constant 32 : index
        %swap3A_1456 = tpu.vector_load %arg11[%swap3A_1454, %swap3A_1455] {strides = array<i32>} : memref<128x128xf32, #tpu.memory_space<vmem>>, vector<1x16xf32>,
        %swap3A_1457 = vector.shape_cast %swap3A_1456 : vector<1x16xf32> to vector<16xf32>
        %swap3A_1458 = vector.shape_cast %mul3A_1453 : vector<16xf32> to vector<1x16xf32>
        tpu.vector_store %arg11[%swap3A_1454, %swap3A_1455], %swap3A_1458 {strides = array<i32>} : memref<128x128xf32, #tpu.memory_space<vmem>>, vector<1x16xf32>,
        %get3A_1459 = arith.index_cast %add3A_1425 : i32 to index
        %get3A_1460 = arith.constant 48 : index
        %get3A_1461 = tpu.vector_load %arg11[%get3A_1459, %get3A_1460] {strides = array<i32>} : memref<128x128xf32, #tpu.memory_space<vmem>>, vector<1x16xf32>,
        %get3A_1462 = vector.shape_cast %get3A_1461 : vector<1x16xf32> to vector<16xf32>
        %mul3A_1463 = vector.broadcast %squeeze3A_1423 : f32 to vector<16xf32>
        %mul3A_1464 = arith.mulf %get3A_1462, %mul3A_1463 : vector<16xf32>
        %swap3A_1465 = arith.index_cast %add3A_1425 : i32 to index
        %swap3A_1466 = arith.constant 48 : index
        %swap3A_1467 = tpu.vector_load %arg11[%swap3A_1465, %swap3A_1466] {strides = array<i32>} : memref<128x128xf32, #tpu.memory_space<vmem>>, vector<1x16xf32>,
        %swap3A_1468 = vector.shape_cast %swap3A_1467 : vector<1x16xf32> to vector<16xf32>
        %swap3A_1469 = vector.shape_cast %mul3A_1464 : vector<16xf32> to vector<1x16xf32>
        tpu.vector_store %arg11[%swap3A_1465, %swap3A_1466], %swap3A_1469 {strides = array<i32>} : memref<128x128xf32, #tpu.memory_space<vmem>>, vector<1x16xf32>,
        %get3A_1470 = arith.index_cast %add3A_1425 : i32 to index
        %get3A_1471 = arith.constant 64 : index
        %get3A_1472 = tpu.vector_load %arg11[%get3A_1470, %get3A_1471] {strides = array<i32>} : memref<128x128xf32, #tpu.memory_space<vmem>>, vector<1x16xf32>,
        %get3A_1473 = vector.shape_cast %get3A_1472 : vector<1x16xf32> to vector<16xf32>
        %mul3A_1474 = vector.broadcast %squeeze3A_1423 : f32 to vector<16xf32>
        %mul3A_1475 = arith.mulf %get3A_1473, %mul3A_1474 : vector<16xf32>
        %swap3A_1476 = arith.index_cast %add3A_1425 : i32 to index
        %swap3A_1477 = arith.constant 64 : index
        %swap3A_1478 = tpu.vector_load %arg11[%swap3A_1476, %swap3A_1477] {strides = array<i32>} : memref<128x128xf32, #tpu.memory_space<vmem>>, vector<1x16xf32>,
        %swap3A_1479 = vector.shape_cast %swap3A_1478 : vector<1x16xf32> to vector<16xf32>
        %swap3A_1480 = vector.shape_cast %mul3A_1475 : vector<16xf32> to vector<1x16xf32>
        tpu.vector_store %arg11[%swap3A_1476, %swap3A_1477], %swap3A_1480 {strides = array<i32>} : memref<128x128xf32, #tpu.memory_space<vmem>>, vector<1x16xf32>,
        %get3A_1481 = arith.index_cast %add3A_1425 : i32 to index
        %get3A_1482 = arith.constant 80 : index
        %get3A_1483 = tpu.vector_load %arg11[%get3A_1481, %get3A_1482] {strides = array<i32>} : memref<128x128xf32, #tpu.memory_space<vmem>>, vector<1x16xf32>,
        %get3A_1484 = vector.shape_cast %get3A_1483 : vector<1x16xf32> to vector<16xf32>
        %mul3A_1485 = vector.broadcast %squeeze3A_1423 : f32 to vector<16xf32>
        %mul3A_1486 = arith.mulf %get3A_1484, %mul3A_1485 : vector<16xf32>
        %swap3A_1487 = arith.index_cast %add3A_1425 : i32 to index
        %swap3A_1488 = arith.constant 80 : index
        %swap3A_1489 = tpu.vector_load %arg11[%swap3A_1487, %swap3A_1488] {strides = array<i32>} : memref<128x128xf32, #tpu.memory_space<vmem>>, vector<1x16xf32>,
        %swap3A_1490 = vector.shape_cast %swap3A_1489 : vector<1x16xf32> to vector<16xf32>
        %swap3A_1491 = vector.shape_cast %mul3A_1486 : vector<16xf32> to vector<1x16xf32>
        tpu.vector_store %arg11[%swap3A_1487, %swap3A_1488], %swap3A_1491 {strides = array<i32>} : memref<128x128xf32, #tpu.memory_space<vmem>>, vector<1x16xf32>,
        %get3A_1492 = arith.index_cast %add3A_1425 : i32 to index
        %get3A_1493 = arith.constant 96 : index
        %get3A_1494 = tpu.vector_load %arg11[%get3A_1492, %get3A_1493] {strides = array<i32>} : memref<128x128xf32, #tpu.memory_space<vmem>>, vector<1x16xf32>,
        %get3A_1495 = vector.shape_cast %get3A_1494 : vector<1x16xf32> to vector<16xf32>
        %mul3A_1496 = vector.broadcast %squeeze3A_1423 : f32 to vector<16xf32>
        %mul3A_1497 = arith.mulf %get3A_1495, %mul3A_1496 : vector<16xf32>
        %swap3A_1498 = arith.index_cast %add3A_1425 : i32 to index
        %swap3A_1499 = arith.constant 96 : index
        %swap3A_1500 = tpu.vector_load %arg11[%swap3A_1498, %swap3A_1499] {strides = array<i32>} : memref<128x128xf32, #tpu.memory_space<vmem>>, vector<1x16xf32>,
        %swap3A_1501 = vector.shape_cast %swap3A_1500 : vector<1x16xf32> to vector<16xf32>
        %swap3A_1502 = vector.shape_cast %mul3A_1497 : vector<16xf32> to vector<1x16xf32>
        tpu.vector_store %arg11[%swap3A_1498, %swap3A_1499], %swap3A_1502 {strides = array<i32>} : memref<128x128xf32, #tpu.memory_space<vmem>>, vector<1x16xf32>,
        %get3A_1503 = arith.index_cast %add3A_1425 : i32 to index
        %get3A_1504 = arith.constant 112 : index
        %get3A_1505 = tpu.vector_load %arg11[%get3A_1503, %get3A_1504] {strides = array<i32>} : memref<128x128xf32, #tpu.memory_space<vmem>>, vector<1x16xf32>,
        %get3A_1506 = vector.shape_cast %get3A_1505 : vector<1x16xf32> to vector<16xf32>
        %mul3A_1507 = vector.broadcast %squeeze3A_1423 : f32 to vector<16xf32>
        %mul3A_1508 = arith.mulf %get3A_1506, %mul3A_1507 : vector<16xf32>
        %swap3A_1509 = arith.index_cast %add3A_1425 : i32 to index
        %swap3A_1510 = arith.constant 112 : index
        %swap3A_1511 = tpu.vector_load %arg11[%swap3A_1509, %swap3A_1510] {strides = array<i32>} : memref<128x128xf32, #tpu.memory_space<vmem>>, vector<1x16xf32>,
        %swap3A_1512 = vector.shape_cast %swap3A_1511 : vector<1x16xf32> to vector<16xf32>
        %swap3A_1513 = vector.shape_cast %mul3A_1508 : vector<16xf32> to vector<1x16xf32>
        tpu.vector_store %arg11[%swap3A_1509, %swap3A_1510], %swap3A_1513 {strides = array<i32>} : memref<128x128xf32, #tpu.memory_space<vmem>>, vector<1x16xf32>,
      }
      %scan3A_38 = arith.constant 8 : i32
      "tpu.region"() ({
        %run_scoped3A = tpu.sem_alloc : memref<!tpu.dma_semaphore, #tpu.memory_space<semaphore_mem>>
        %dma_start3A_39 = arith.constant 0 : i32
        %dma_start3A_40 = tpu.memref_slice %arg9[%scan3A_22, %dma_start3A_39] : memref<79x128xi32, #tpu.memory_space<vmem>> -> memref<1x128xi32, #tpu.memory_space<vmem>>
        %dma_start3A_41 = tpu.memref_squeeze %dma_start3A_40 : memref<1x128xi32, #tpu.memory_space<vmem>> -> memref<128xi32, #tpu.memory_space<vmem>>
        %dma_start3A_42 = arith.constant 0 : i32
        %dma_start3A_43 = arith.constant 0 : i32
        %dma_start3A_44 = tpu.memref_slice %arg12[%dma_start3A_42, %dma_start3A_43] : memref<10000x128xf32, #tpu.memory_space<vmem_shared>> -> memref<10000x128xf32, #tpu.memory_space<vmem_shared>>
        tpu.enqueue_indirect_dma source(%arg11 : memref<128x128xf32, #tpu.memory_space<vmem>>) target(%dma_start3A_44 : memref<10000x128xf32, #tpu.memory_space<vmem_shared>>) offsets(%dma_start3A_41 : memref<128xi32, #tpu.memory_space<vmem>>) semaphore(%run_scoped3A : memref<!tpu.dma_semaphore, #tpu.memory_space<semaphore_mem>>) {add = true}
        %dma_wait3A_45 = arith.constant 0 : i32
        %dma_wait3A_46 = tpu.memref_slice %arg9[%scan3A_22, %dma_wait3A_45] : memref<79x128xi32, #tpu.memory_space<vmem>> -> memref<1x128xi32, #tpu.memory_space<vmem>>
        %dma_wait3A_47 = tpu.memref_squeeze %dma_wait3A_46 : memref<1x128xi32, #tpu.memory_space<vmem>> -> memref<128xi32, #tpu.memory_space<vmem>>
        %dma_wait3A_48 = arith.constant 0 : i32
        %dma_wait3A_49 = arith.constant 0 : i32
        %dma_wait3A_50 = tpu.memref_slice %arg12[%dma_wait3A_48, %dma_wait3A_49] : memref<10000x128xf32, #tpu.memory_space<vmem_shared>> -> memref<10000x128xf32, #tpu.memory_space<vmem_shared>>
        tpu.wait_indirect_dma semaphore(%run_scoped3A : memref<!tpu.dma_semaphore, #tpu.memory_space<semaphore_mem>>) src(%arg11 : memref<128x128xf32, #tpu.memory_space<vmem>>) dst(%dma_wait3A_50 : memref<10000x128xf32, #tpu.memory_space<vmem_shared>>)
        tpu.yield
      }) : () -> ()
    }
    %scan3A_11 = arith.constant 79 : i32
    %barrier3A_12 = arith.constant 0 : index
    tpu.barrier barrier_id(%barrier3A_12)
    %mul3A_13 = arith.constant 624 : i32
    %mul3A_14 = arith.muli %arg1, %mul3A_13 : i32
    %mul3A_15 = arith.constant 624 : i32
    %mul3A_16 = arith.muli %arg1, %mul3A_15 : i32
    "tpu.region"() ({
      %run_scoped3A = tpu.sem_alloc : memref<!tpu.dma_semaphore, #tpu.memory_space<semaphore_mem>>
      %dma_start3A = arith.constant 0 : i32
      %dma_start3A_22 = tpu.memref_slice %arg7[%arg0, %mul3A_16, %dma_start3A] : memref<2x10000x128xf32, #tpu.memory_space<hbm>> -> memref<1x624x128xf32, #tpu.memory_space<hbm>>
      %dma_start3A_23 = tpu.memref_squeeze %dma_start3A_22 : memref<1x624x128xf32, #tpu.memory_space<hbm>> -> memref<624x128xf32, #tpu.memory_space<hbm>>
      %dma_start3A_24 = arith.constant 0 : i32
      %dma_start3A_25 = tpu.memref_slice %arg12[%mul3A_14, %dma_start3A_24] : memref<10000x128xf32, #tpu.memory_space<vmem_shared>> -> memref<624x128xf32, #tpu.memory_space<vmem_shared>>
      tpu.enqueue_dma source(%dma_start3A_25 : memref<624x128xf32, #tpu.memory_space<vmem_shared>>) target(%dma_start3A_23 : memref<624x128xf32, #tpu.memory_space<hbm>>) target_semaphore(%run_scoped3A : memref<!tpu.dma_semaphore, #tpu.memory_space<semaphore_mem>>)
      %dma_wait3A = arith.constant 0 : i32
      %dma_wait3A_26 = tpu.memref_slice %arg7[%arg0, %mul3A_16, %dma_wait3A] : memref<2x10000x128xf32, #tpu.memory_space<hbm>> -> memref<1x624x128xf32, #tpu.memory_space<hbm>>
      %dma_wait3A_27 = tpu.memref_squeeze %dma_wait3A_26 : memref<1x624x128xf32, #tpu.memory_space<hbm>> -> memref<624x128xf32, #tpu.memory_space<hbm>>
      %dma_wait3A_28 = arith.constant 0 : i32
      %dma_wait3A_29 = tpu.memref_slice %arg12[%mul3A_14, %dma_wait3A_28] : memref<10000x128xf32, #tpu.memory_space<vmem_shared>> -> memref<624x128xf32, #tpu.memory_space<vmem_shared>>
      tpu.wait_dma2 semaphore(%run_scoped3A : memref<!tpu.dma_semaphore, #tpu.memory_space<semaphore_mem>>) src(%dma_wait3A_29 : memref<624x128xf32, #tpu.memory_space<vmem_shared>>) dst(%dma_wait3A_27 : memref<624x128xf32, #tpu.memory_space<hbm>>)
      tpu.yield
    }) : () -> ()
    %eq3A_17 = arith.constant 15 : i32
    %eq3A_18 = arith.cmpi eq, %arg1, %eq3A_17 : i32
    %convert_element_type3A_19 = arith.extui %eq3A_18 : i1 to i32
    %cond3A_20 = arith.constant 0 : i32
    %cond3A_21 = arith.cmpi ne, %convert_element_type3A_19, %cond3A_20 : i32
    scf.if %cond3A_21 {
      "tpu.region"() ({
        %run_scoped3A = tpu.sem_alloc : memref<!tpu.dma_semaphore, #tpu.memory_space<semaphore_mem>>
        %dma_start3A = arith.constant 9984 : i32
        %dma_start3A_22 = arith.constant 0 : i32
        %dma_start3A_23 = tpu.memref_slice %arg7[%arg0, %dma_start3A, %dma_start3A_22] : memref<2x10000x128xf32, #tpu.memory_space<hbm>> -> memref<1x16x128xf32, #tpu.memory_space<hbm>>
        %dma_start3A_24 = tpu.memref_squeeze %dma_start3A_23 : memref<1x16x128xf32, #tpu.memory_space<hbm>> -> memref<16x128xf32, #tpu.memory_space<hbm>>
        %dma_start3A_25 = arith.constant 9984 : i32
        %dma_start3A_26 = arith.constant 0 : i32
        %dma_start3A_27 = tpu.memref_slice %arg12[%dma_start3A_25, %dma_start3A_26] : memref<10000x128xf32, #tpu.memory_space<vmem_shared>> -> memref<16x128xf32, #tpu.memory_space<vmem_shared>>
        tpu.enqueue_dma source(%dma_start3A_27 : memref<16x128xf32, #tpu.memory_space<vmem_shared>>) target(%dma_start3A_24 : memref<16x128xf32, #tpu.memory_space<hbm>>) target_semaphore(%run_scoped3A : memref<!tpu.dma_semaphore, #tpu.memory_space<semaphore_mem>>)
        %dma_wait3A = arith.constant 9984 : i32
        %dma_wait3A_28 = arith.constant 0 : i32
        %dma_wait3A_29 = tpu.memref_slice %arg7[%arg0, %dma_wait3A, %dma_wait3A_28] : memref<2x10000x128xf32, #tpu.memory_space<hbm>> -> memref<1x16x128xf32, #tpu.memory_space<hbm>>
        %dma_wait3A_30 = tpu.memref_squeeze %dma_wait3A_29 : memref<1x16x128xf32, #tpu.memory_space<hbm>> -> memref<16x128xf32, #tpu.memory_space<hbm>>
        %dma_wait3A_31 = arith.constant 9984 : i32
        %dma_wait3A_32 = arith.constant 0 : i32
        %dma_wait3A_33 = tpu.memref_slice %arg12[%dma_wait3A_31, %dma_wait3A_32] : memref<10000x128xf32, #tpu.memory_space<vmem_shared>> -> memref<16x128xf32, #tpu.memory_space<vmem_shared>>
        tpu.wait_dma2 semaphore(%run_scoped3A : memref<!tpu.dma_semaphore, #tpu.memory_space<semaphore_mem>>) src(%dma_wait3A_33 : memref<16x128xf32, #tpu.memory_space<vmem_shared>>) dst(%dma_wait3A_30 : memref<16x128xf32, #tpu.memory_space<hbm>>)
        tpu.yield
      }) : () -> ()
    } else {
    }
    return
  }
}

module attributes {stable_mosaic.version = 14 : i64} {
  func.func @_tc_combine_kernel(%arg0: i32, %arg1: memref<2xf32, #tpu.memory_space<smem>>, %arg2: memref<1000x128xf32, #tpu.memory_space<vmem>>, %arg3: memref<1000x128xf32, #tpu.memory_space<vmem>>, %arg4: memref<1000x128xf32, #tpu.memory_space<vmem>>, %arg5: memref<128x128xf32, #tpu.memory_space<vmem>>, %arg6: memref<128x128xf32, #tpu.memory_space<vmem>>, %arg7: memref<1000x128xf32, #tpu.memory_space<vmem>>) attributes {dimension_semantics = [#tpu.dimension_semantics<arbitrary>], iteration_bounds = array<i64: 10>, scalar_prefetch = 0 : i64, scratch_operands = 0 : i64, tpu.core_type = #tpu.core_type<tc>, window_params = [{transform_indices = @transform_0, window_bounds = array<i64: 2>}, {transform_indices = @transform_1, window_bounds = array<i64: 1000, 128>}, {transform_indices = @transform_2, window_bounds = array<i64: 1000, 128>}, {transform_indices = @transform_3, window_bounds = array<i64: 1000, 128>}, {pipeline_mode = #tpu.pipeline_mode<synchronous>, transform_indices = @transform_4, window_bounds = array<i64: 128, 128>}, {pipeline_mode = #tpu.pipeline_mode<synchronous>, transform_indices = @transform_5, window_bounds = array<i64: 128, 128>}, {transform_indices = @transform_6, window_bounds = array<i64: 1000, 128>}]} {
    %get3A = arith.constant 0 : index
    %get3A_0 = memref.load %arg1[%get3A] : memref<2xf32, #tpu.memory_space<smem>>
    %get3A_1 = arith.constant 1 : index
    %get3A_2 = memref.load %arg1[%get3A_1] : memref<2xf32, #tpu.memory_space<smem>>
    %iota3A = tpu.iota {dimensions = array<i32: 0>} : vector<128x128xi32>
    %iota3A_3 = tpu.iota {dimensions = array<i32: 1>} : vector<128x128xi32>
    %eq3A = arith.cmpi eq, %iota3A, %iota3A_3 : vector<128x128xi32>
    %convert_element_type3A = arith.extui %eq3A : vector<128x128xi1> to vector<128x128xi32>
    %convert_element_type3A_4 = arith.sitofp %convert_element_type3A : vector<128x128xi32> to vector<128x128xf32>
    %sub3A = arith.constant 1.000000e+00 : f32
    %sub3A_5 = arith.subf %sub3A, %get3A_2 : f32
    %mul3A = vector.broadcast %sub3A_5 : f32 to vector<128x128xf32>
    %mul3A_6 = arith.mulf %mul3A, %convert_element_type3A_4 : vector<128x128xf32>
    %get3A_7 = arith.constant 0 : index
    %get3A_8 = arith.constant 0 : index
    %get3A_9 = vector.load %arg5[%get3A_7, %get3A_8] : memref<128x128xf32, #tpu.memory_space<vmem>>, vector<128x128xf32>
    %mul3A_10 = vector.broadcast %get3A_2 : f32 to vector<128x128xf32>
    %mul3A_11 = arith.mulf %mul3A_10, %get3A_9 : vector<128x128xf32>
    %add3A = arith.addf %mul3A_6, %mul3A_11 : vector<128x128xf32>
    %sub3A_12 = arith.constant 1.000000e+00 : f32
    %sub3A_13 = arith.subf %sub3A_12, %get3A_2 : f32
    %mul3A_14 = vector.broadcast %sub3A_13 : f32 to vector<128x128xf32>
    %mul3A_15 = arith.mulf %mul3A_14, %convert_element_type3A_4 : vector<128x128xf32>
    %get3A_16 = arith.constant 0 : index
    %get3A_17 = arith.constant 0 : index
    %get3A_18 = vector.load %arg6[%get3A_16, %get3A_17] : memref<128x128xf32, #tpu.memory_space<vmem>>, vector<128x128xf32>
    %mul3A_19 = vector.broadcast %get3A_2 : f32 to vector<128x128xf32>
    %mul3A_20 = arith.mulf %mul3A_19, %get3A_18 : vector<128x128xf32>
    %add3A_21 = arith.addf %mul3A_15, %mul3A_20 : vector<128x128xf32>
    %get3A_22 = arith.constant 0 : index
    %get3A_23 = arith.constant 0 : index
    %get3A_24 = vector.load %arg2[%get3A_22, %get3A_23] : memref<1000x128xf32, #tpu.memory_space<vmem>>, vector<1000x128xf32>
    %get3A_25 = arith.constant 0 : index
    %get3A_26 = arith.constant 0 : index
    %get3A_27 = vector.load %arg3[%get3A_25, %get3A_26] : memref<1000x128xf32, #tpu.memory_space<vmem>>, vector<1000x128xf32>
    %add3A_28 = arith.addf %get3A_24, %get3A_27 : vector<1000x128xf32>
    %dot_general3A = arith.constant dense<0.000000e+00> : vector<1000x128xf32>
    %dot_general3A_29 = tpu.matmul %add3A_28, %add3A, %dot_general3A {dimension_numbers = #tpu.dot_dimension_numbers<[1], [0], [0], [1], [0, 0, 1, 1], [], []>, transpose_lhs_hint = false} : vector<1000x128xf32>, vector<128x128xf32>, vector<1000x128xf32> -> vector<1000x128xf32>
    %get3A_30 = arith.constant 0 : index
    %get3A_31 = arith.constant 0 : index
    %get3A_32 = vector.load %arg4[%get3A_30, %get3A_31] : memref<1000x128xf32, #tpu.memory_space<vmem>>, vector<1000x128xf32>
    %dot_general3A_33 = arith.constant dense<0.000000e+00> : vector<1000x128xf32>
    %dot_general3A_34 = tpu.matmul %get3A_32, %add3A_21, %dot_general3A_33 {dimension_numbers = #tpu.dot_dimension_numbers<[1], [0], [0], [1], [0, 0, 1, 1], [], []>, transpose_lhs_hint = false} : vector<1000x128xf32>, vector<128x128xf32>, vector<1000x128xf32> -> vector<1000x128xf32>
    %sub3A_35 = arith.constant 1.000000e+00 : f32
    %sub3A_36 = arith.subf %sub3A_35, %get3A_0 : f32
    %mul3A_37 = vector.broadcast %sub3A_36 : f32 to vector<1000x128xf32>
    %mul3A_38 = arith.mulf %mul3A_37, %dot_general3A_29 : vector<1000x128xf32>
    %mul3A_39 = vector.broadcast %get3A_0 : f32 to vector<1000x128xf32>
    %mul3A_40 = arith.mulf %mul3A_39, %dot_general3A_34 : vector<1000x128xf32>
    %add3A_41 = arith.addf %mul3A_38, %mul3A_40 : vector<1000x128xf32>
    %swap3A = arith.constant 0 : index
    %swap3A_42 = arith.constant 0 : index
    %swap3A_43 = vector.load %arg7[%swap3A, %swap3A_42] : memref<1000x128xf32, #tpu.memory_space<vmem>>, vector<1000x128xf32>
    tpu.vector_store %arg7[%swap3A, %swap3A_42], %add3A_41 {strides = array<i32>} : memref<1000x128xf32, #tpu.memory_space<vmem>>, vector<1000x128xf32>,
    return
  }
  func.func @transform_0(%arg0: i32) -> i32 {
    %c0_i32 = arith.constant 0 : i32
    %c0_i32_0 = arith.constant 0 : i32
    return %c0_i32 : i32
  }
  func.func @transform_1(%arg0: i32) -> (i32, i32) {
    %c0_i32 = arith.constant 0 : i32
    %c0_i32_0 = arith.constant 0 : i32
    return %arg0, %c0_i32 : i32, i32
  }
  func.func @transform_2(%arg0: i32) -> (i32, i32) {
    %c0_i32 = arith.constant 0 : i32
    %c0_i32_0 = arith.constant 0 : i32
    return %arg0, %c0_i32 : i32, i32
  }
  func.func @transform_3(%arg0: i32) -> (i32, i32) {
    %c0_i32 = arith.constant 0 : i32
    %c0_i32_0 = arith.constant 0 : i32
    return %arg0, %c0_i32 : i32, i32
  }
  func.func @transform_4(%arg0: i32) -> (i32, i32) {
    %c0_i32 = arith.constant 0 : i32
    %c0_i32_0 = arith.constant 0 : i32
    %c0_i32_1 = arith.constant 0 : i32
    return %c0_i32, %c0_i32_0 : i32, i32
  }
  func.func @transform_5(%arg0: i32) -> (i32, i32) {
    %c0_i32 = arith.constant 0 : i32
    %c0_i32_0 = arith.constant 0 : i32
    %c0_i32_1 = arith.constant 0 : i32
    return %c0_i32, %c0_i32_0 : i32, i32
  }
  func.func @transform_6(%arg0: i32) -> (i32, i32) {
    %c0_i32 = arith.constant 0 : i32
    %c0_i32_0 = arith.constant 0 : i32
    return %arg0, %c0_i32 : i32, i32
  }
}

</mosaic_0001>

<sc_bundles>
// kernel: kernel.4.cloned.1.call-start
scs
__scs_entry_jumppad:
0x0: {  	(pc) =	sbr.rel $0x88, $3  }
0x1: {  	(tag) =	ssettag $0x0;
	lr =	simm.s32 $0x1  }
0x2: {  	[smem:$0x3F99] =	sst lr;
	_ =	strace $0xD0000000  }
0x3: {  	_ = 	snop  }
0x4: {  	_ = 	snop  }
0x5: {  	_ = 	snop  }
0x6: {  	_ = 	snop  }
0x7: {  	_ = 	snop  }
__scs_overlays_trampoline_lowered:
0x8: {  	[smem:$0x3FA8] =	sst s0  }
0x9: {  	[smem:$0x3FA9] =	sst s1  }
0xa: {  	[smem:$0x3FAA] =	sst s2  }
0xb: {  	[smem:$0x3FAB] =	sst s3  }
0xc: {  	[smem:$0x3FAC] =	sst s4  }
0xd: {  	[smem:$0x3FAD] =	sst s5  }
0xe: {  	[smem:$0x3FAE] =	sst s6  }
0xf: {  	[smem:$0x3FAF] =	sst s7  }
0x10: {  	[smem:$0x3FB0] =	sst s8  }
0x11: {  	[smem:$0x3FB1] =	sst s9;
	s0 =	simm.s32 @!p0 $0x0  }
0x12: {  	s1 =	sld [smem:$0x3F97];
	s0 =	simm.s32 @p0 $0x1  }
0x13: {  	[smem:$0x3FB2] =	sst s0;
	s0 =	simm.s32 @!p1 $0x0  }
0x14: {  	s2 =	sld [smem:$0x3F96];
	s0 =	simm.s32 @p1 $0x1  }
0x15: {  	[smem:$0x3FB3] =	sst s0;
	s0 =	simm.s32 @!p2 $0x0  }
0x16: {  	s3 =	sld [smem:$0x3FDB];
	s0 =	simm.s32 @p2 $0x1  }
0x17: {  	s4 =	simm.s32 $0x1BF5;
	[smem:$0x3FB5] =	sst s0  }
0x18: {  	s0 =	sld [smem:$0x3F98];
	_ =	swait.ge [sflag:s4], $0x0  }
0x19: {  	s7 =	sld [smem:$0x3F99]  }
0x1a: {  	s8 =	sadd.s32 $0xFFFFE003, lr  }
0x1b: {  	s9 =	sadd.s32 $0xFFFFFEF7, lr;
	s5 =	simm.s32 $0xFFFFFFFF;
	p2 =	slt.u32 s8, $0xFFFFF086  }
0x1c: {  	p1 =	slt.u32 s9, $0xF7A;
	s5 =	simm.s32 @!p2 $0x0  }
0x1d: {  	s5 =	simm.s32 @p1 $0x1;
	p0 =	seq.s32 s7, s2  }
0x1e: {  	s7 =	smul.u32 @!p0 $0xF7A, s2;
	p2 =	seq.s32 @!p0 s5, $0x0  }
0x1f: {  	s9 =	smul.u32 $0xF7A, s1;
	s8 =	simm.s32 @!p0 $0x1BF5;
	p2 =	por !p2, p0  }
0x20: {  	[sflag:s8] =	ssyncset.s32 @!p0 $0xFFFFF086;
	s6 =	sadd.s32 @!p0 s3, s7;
	s7 =	simm.s32 @!p0 $0x108  }
0x21: {  	s3 =	sadd.s32 s3, s9;
	s6 =	sadd.s32 @!p0 $0x88, s6;
	s7 =	simm.s32 @p2 $0x1082  }
0x22: {  	[simem:s7], [sflag:s8] =	dma.local @!p0 [hbm:s6], $0xF7A  }
0x23: {  	s9 =	sor.u32 $0xD0000000, s2;
	s6 =	simm.s32 $0x108;
	_ =	swait.ge @!p0 [sflag:s8], $0x0  }
0x24: {  	s3 =	sadd.s32 $0x88, s3;
	s6 =	simm.s32 @!p1 $0x1082;
	[sflag:s4] =	ssyncset.s32 $0xFFFFF086  }
0x25: {  	[simem:s6], [sflag:s4] =	dma.local [hbm:s3], $0xF7A  }
0x26: {  	[smem:$0x3F99] =	sst s1;
	(tag) =	ssettag s2;
	_ =	strace s9  }
0x27: {  	s1 =	sld [smem:$0x3FA9]  }
0x28: {  	s2 =	sld [smem:$0x3FAA]  }
0x29: {  	s4 =	sld [smem:$0x3FAC]  }
0x2a: {  	p0 =	seq.s32 s5, $0x0;
	s5 =	sld [smem:$0x3FAD]  }
0x2b: {  	s6 =	sld [smem:$0x3FAE]  }
0x2c: {  	s7 =	sld [smem:$0x3FAF]  }
0x2d: {  	s3 =	simm.s32 $0x108;
	s8 =	sld [smem:$0x3FB0]  }
0x2e: {  	s3 =	simm.s32 @!p0 $0x1082;
	s9 =	sld [smem:$0x3FB1]  }
0x2f: {  	lr =	sadd.s32 s0, s3;
	s0 =	sld [smem:$0x3FA8]  }
0x30: {  	s3 =	sld [smem:$0x3FAB]  }
0x31: {  	[smem:$0x3FB4] =	sst s10  }
0x32: {  	s10 =	sld [smem:$0x3FB2];
	_ =	sdelay $0x3  }
0x33: {  	p0 =	seq.s32 s10, $0x1;
	s10 =	sld [smem:$0x3FB4];
	_ =	sdelay $0x3  }
0x34: {  	[smem:$0x3FB4] =	sst s10  }
0x35: {  	s10 =	sld [smem:$0x3FB3];
	_ =	sdelay $0x3  }
0x36: {  	p1 =	seq.s32 s10, $0x1;
	s10 =	sld [smem:$0x3FB4];
	_ =	sdelay $0x3  }
0x37: {  	[smem:$0x3FB4] =	sst s10  }
0x38: {  	s10 =	sld [smem:$0x3FB5]  }
0x39: {  	_ = 	snop;
	(pc) =	sbr.ind lr, $3  }
0x3a: {  	_ = 	snop  }
0x3b: {  	_ = 	snop  }
0x3c: {  	p2 =	seq.s32 s10, $0x1;
	s10 =	sld [smem:$0x3FB4]  }
0x3d: {  	_ =	shalt  }
0x3e: {  	_ =	shalt  }
0x3f: {  	_ =	shalt  }
0x40: {  	_ =	shalt  }
0x41: {  	_ =	shalt  }
0x42: {  	_ =	shalt  }
0x43: {  	_ =	shalt  }
0x44: {  	_ =	shalt  }
0x45: {  	_ =	shalt  }
0x46: {  	_ =	shalt  }
0x47: {  	_ =	shalt  }
0x48: {  	_ =	shalt  }
0x49: {  	_ =	shalt  }
0x4a: {  	_ =	shalt  }
0x4b: {  	_ =	shalt  }
0x4c: {  	_ =	shalt  }
0x4d: {  	_ =	shalt  }
0x4e: {  	_ =	shalt  }
0x4f: {  	_ =	shalt  }
0x50: {  	_ =	shalt  }
0x51: {  	_ =	shalt  }
0x52: {  	_ =	shalt  }
0x53: {  	_ =	shalt  }
0x54: {  	_ =	shalt  }
0x55: {  	_ =	shalt  }
0x56: {  	_ =	shalt  }
0x57: {  	_ =	shalt  }
0x58: {  	_ =	shalt  }
0x59: {  	_ =	shalt  }
0x5a: {  	_ =	shalt  }
0x5b: {  	_ =	shalt  }
0x5c: {  	_ =	shalt  }
0x5d: {  	_ =	shalt  }
0x5e: {  	_ =	shalt  }
0x5f: {  	_ =	shalt  }
0x60: {  	_ =	shalt  }
0x61: {  	_ =	shalt  }
0x62: {  	_ =	shalt  }
0x63: {  	_ =	shalt  }
0x64: {  	_ =	shalt  }
0x65: {  	_ =	shalt  }
0x66: {  	_ =	shalt  }
0x67: {  	_ =	shalt  }
0x68: {  	_ =	shalt  }
0x69: {  	_ =	shalt  }
0x6a: {  	_ =	shalt  }
0x6b: {  	_ =	shalt  }
0x6c: {  	_ =	shalt  }
0x6d: {  	_ =	shalt  }
0x6e: {  	_ =	shalt  }
0x6f: {  	_ =	shalt  }
0x70: {  	_ =	shalt  }
0x71: {  	_ =	shalt  }
0x72: {  	_ =	shalt  }
0x73: {  	_ =	shalt  }
0x74: {  	_ =	shalt  }
0x75: {  	_ =	shalt  }
0x76: {  	_ =	shalt  }
0x77: {  	_ =	shalt  }
0x78: {  	_ =	shalt  }
0x79: {  	_ =	shalt  }
0x7a: {  	_ =	shalt  }
0x7b: {  	_ =	shalt  }
0x7c: {  	_ =	shalt  }
0x7d: {  	_ =	shalt  }
0x7e: {  	_ =	shalt  }
0x7f: {  	_ =	shalt  }
0x80: {  	_ =	shalt  }
0x81: {  	_ =	shalt  }
0x82: {  	_ =	shalt  }
0x83: {  	_ =	shalt  }
0x84: {  	_ =	shalt  }
0x85: {  	_ =	shalt  }
0x86: {  	_ =	shalt  }
0x87: {  	_ =	shalt  }
.Lfunc_end0:
.L_simem_size_0:
called_computation_lowered:
.L_overlay_start_0:
0x88: {  	s2 =	sld [smem:$0x3FD9]  }
0x89: {  	s3 =	sld [smem:$0x3FFE];
	_ =	sdelay $0x1  }
0x8a: {  	s1 =	srdreg.scid  }
0x8b: {  	s0 =	sand.u32 $0x1, s1  }
0x8c: {  	s17 =	sshll.u32 s0, $0xA;
	s2 =	sadd.s32 s3, s2  }
0x8d: {  	s2 =	sadd.s32 s2, s17  }
0x8e: {  	[smem:$0x3FC0] =	sst s2  }
0x8f: {  	_ = 	snop  }
0x90: {  	s2 =	sld [smem:$0x3FC9]  }
0x91: {  	s18 =	sld [smem:$0x3FD0];
	(tm) =	ssettm $0x1  }
0x92: {  	s4 =	sld [smem:$0x3FFB];
	_ =	sdelay $0x3  }
0x93: {  	_ =	strace s4  }
0x94: {  	s4 =	sld [smem:$0x3FFC];
	_ =	sdelay $0x3  }
0x95: {  	_ =	strace s4  }
0x96: {  	s4 =	sld [smem:$0x3FFD];
	_ =	sdelay $0x3  }
0x97: {  	_ =	strace s4  }
0x98: {  	_ =	strace $0x8FFFFFFF  }
0x99: {  	s19 =	sld [smem:$0x3FDB];
	_ =	sdelay $0x1  }
0x9a: {  	s5 =	simm.s32 $_scs_section_size  }
0x9b: {  	s6 =	simm.s32 $_size__tile_overlayer_lowered;
	s7 =	simm.s32 $_tile_overlayer_lowered  }
0x9c: {  	s22 =	simm.s32 $0x1BFF;
	s21 =	sshll.u32 s7, $0x1;
	s4 =	sadd.s32 s5, s19  }
0x9d: {  	s8 =	simm.s32 $0x0;
	s20 =	sshll.u32 s6, $0x1;
	s6 =	sadd.s32 s21, s4  }
0x9e: {  	[timem:s8], [sflag:s22] =	dma.local [hbm:s6], s20  }
0x9f: {  	_ =	swait.ge [sflag:s22], s20  }
0xa0: {  	s5 =	ssub.s32 $0x0, s20;
	[sflag:s22] =	ssyncset.done $0x0  }
0xa1: {  	[sflag:s22] =	ssyncadd.s32 s5;
	_ =	sdelay $0x1  }
0xa2: {  	s23 =	simm.s32 $0x1B8B  }
0xa3: {  	_ =	swait.ge [sflag:s23], $0x1  }
0xa4: {  	[sflag:s23] =	ssyncset.done $0x0  }
0xa5: {  	s25 =	simm.s32 $0x1B8E;
	s24 =	sld [smem:$0x3FFE];
	[sflag:s23] =	ssyncadd.s32 $0xFFFFFFFF  }
0xa6: {  	s26 =	simm.s32 $execute0_lowered;
	[smem:$0x3FD2] =	sst s25  }
0xa7: {  	s6 =	sshll.u32 s26, $0x1;
	_ =	strace $0x80000046;
	[dreg:$0x1] =	wrdreg $0xFFFFFFFF  }
0xa8: {  	s28 =	simm.s32 $_size_execute0_lowered;
	s4 =	sadd.s32 s4, s6;
	[dreg:$0x0] =	wrdreg $0x0  }
0xa9: {  	s6 =	sshll.u32 s28, $0x1;
	[dreg:$0x2] =	wrdreg s4  }
0xaa: {  	[dreg:$0x3] =	wrdreg s6  }
0xab: {  	[dreg:$0x4] =	wrdreg $0xC0  }
0xac: {  	_ =	task [dreg:s8], $0x5FFFF  }
0xad: {  	[dreg:$0x1] =	wrdreg $0xFFFFFFFF  }
0xae: {  	[dreg:$0x0] =	wrdreg $0x60  }
0xaf: {  	[dreg:$0x2] =	wrdreg s2  }
0xb0: {  	[dreg:$0x3] =	wrdreg s24  }
0xb1: {  	[dreg:$0x4] =	wrdreg s18  }
0xb2: {  	[dreg:$0x5] =	wrdreg $0xB8000  }
0xb3: {  	[dreg:$0x6] =	wrdreg $0x9  }
0xb4: {  	_ =	task.clear_ibuf [dreg:s8], $0x7FFFF;
	_ =	strace $0x90000046  }
0xb5: {  	s29 =	simm.s32 $0x9;
	_ =	strace $0x80000048  }
0xb6: {  	_ =	swait.ge [sflag:s29], $0x1  }
0xb7: {  	[sflag:s29] =	ssyncadd.s32 $0xFFFFFFFF  }
0xb8: {  	_ =	strace $0x90000048  }
0xb9: {  	_ =	sfence  }
0xba: {  	s30 =	sld [smem:$0x0];
	_ =	sdelay $0x2  }
0xbb: {  	s31 =	sshll.u32 s1, $0xD;
	s1 =	sshrl.u32 s1, $0x2  }
0xbc: {  	s3 =	sand.u32 $0x4000, s31;
	s1 =	sadd.s32 s1, s30  }
0xbd: {  	s0 =	sor.u32 s3, s0;
	s1 =	sshll.u32 s1, $0x11  }
0xbe: {  	s0 =	sor.u32 s1, s0  }
0xbf: {  	s0 =	sadd.s32 $0x8F2B, s0  }
0xc0: {  	[sflag:s0] =	ssyncadd.remote.s32 $0x1  }
0xc1: {  	_ =	sfence.sel $0xFFFF  }
0xc2: {  	[dreg:$0x0] =	wrdreg $0xFFFFFFFF;
	(pc) =	sbr.abs _section_cstart, $3  }
0xc3: {  	[dreg:$0x1] =	wrdreg $0xFFFFFFFF  }
0xc4: {  	_ =	task.clear_ibuf [dreg:s8], $0x2FFFF;
	_ =	strace $0x9FFFFFFF  }
0xc5: {  	(tm) =	ssettm $0x7FFFFFFF  }
tec
execute0_lowered:
.L_overlay_start_1:
0x0: {  	(tag) =	ssettag $0x1  }
0x1: {  	s0 =	rddreg [dreg:$0x0]  }
0x2: {  	s5 =	rddreg [dreg:$0x1]  }
0x3: {  	s7 =	rddreg [dreg:$0x2]  }
0x4: {  	s1 =	srdreg.scid;
	s3 =	rddreg [dreg:$0x3]  }
0x5: {  	s4 =	simm.s32 $0x0;
	s18 =	simm.s32 $0x5000;
	s19 =	simm.s32 $0x80  }
0x6: {  	s20 =	simm.s32 $0x7800;
	s21 =	simm.s32 $0x1;
	s22 =	simm.s32 $0x0  }
0x7: {  	s6 =	sand.u32 $0x1, s1;
	s1 =	stileid.u32;
	[smem:$0x7FF] =	sst s4  }
0x8: {  	s13 =	sadd.s32 $0x1EC00, s5;
	s16 =	sadd.s32 $0x138000, s3;
	s9 =	smul.u32 $0x4E000, s1  }
0x9: {  	s2 =	sshll.u32 s6, $0x4;
	s26 =	ssub.s32 $0x2, s6;
	s12 =	smul.u32 $0x13800, s1  }
0xa: {  	s29 =	sshll.u32 s1, $0x6;
	s30 =	smul.u32 $0x138800, s6;
	p0 =	sne.s32 s1, $0xF  }
0xb: {  	s8 =	sor.u32 s1, s2;
	s2 =	rddreg [dreg:$0x4];
	_ =	strace $0x80000047  }
0xc: {  	s11 =	sshrl.u32 s26, $0x1;
	s6 =	sor.u32 $0x1C02, s29;
	s16 =	sshrl.u32 @!p0 s16, $0x3  }
0xd: {  	s8 =	smul.u32 $0x500, s8;
	s9 =	sshrl.u32 s9, $0x2;
	s14 =	ssub.s32 s26, s11  }
0xe: {  	s28 =	sshrl.u32 s12, $0x3;
	s12 =	sadd.s32 s12, s30;
	s17 =	sshrl.u32 s30, $0x3  }
0xf: {  	s15 =	sadd.s32 s9, s3;
	s12 =	sshrl.u32 s12, $0x3;
	s31 =	sadd.s32 s13, s17  }
0x10: {  	s17 =	simm.s32 $0x2800;
	s10 =	sadd.s32 s8, s5;
	s5 =	sadd.s32 s7, s28  }
0x11: {  	s7 =	sadd.s32 $0x27000, s7;
	s11 =	sadd.s32 s13, s12;
	s12 =	sadd.s32 $0x27000, s31  }
0x12: {  	s13 =	smax.u32 s14, $0x1;
	s14 =	sshrl.u32 s15, $0x3;
	s15 =	simm.s32 $0x2  }
0x13: {  	s8 =	sadd.s32 $0xC00, s10;
	s9 =	sadd.s32 $0xAC00, s10;
	s10 =	sadd.s32 $0x14C00, s10  }
.LBB2_1:
0x14: {  	[spmem:s14], [sflag:s6] =	dma.local [hbm:s5], $0x2700  }
0x15: {  	_ =	swait.ge [sflag:s15], $0x2700  }
0x16: {  	[sflag:s15] =	ssyncset.done $0x0  }
0x17: {  	s23 =	simm.s32 @!p0 $0x2;
	[sflag:s15] =	ssyncadd.s32 $0xFFFFD900  }
0x18: {  	[spmem:s16], [sflag:s6] =	dma.local @!p0 [hbm:s7], $0x100  }
0x19: {  	_ =	swait.ge @!p0 [sflag:s23], $0x100  }
0x1a: {  	[sflag:s23] =	ssyncset.done @!p0 $0x0  }
0x1b: {  	[sflag:s23] =	ssyncadd.s32 @!p0 $0xFFFFFF00  }
0x1c: {  	[tilespmem:s4], [sflag:$0x2] =	stream.linear.gather [hbm4b:s8+s4], $0x2780, $0x38;
	[tilespmem:$0x1F080] =	vst v63  }
0x1d: {  	_ =	swait.ge [sflag:s15], $0x2780  }
0x1e: {  	[sflag:s15] =	ssyncset.done $0x0  }
0x1f: {  	[sflag:s15] =	ssyncadd.s32 $0xFFFFD880  }
0x20: {  	[tilespmem:s17], [sflag:$0x2] =	stream.linear.gather [hbm4b:s9+s4], $0x2780, $0x38;
	[tilespmem:$0x1F080] =	vst v63  }
0x21: {  	_ =	swait.ge [sflag:s15], $0x2780  }
0x22: {  	[sflag:s15] =	ssyncset.done $0x0  }
0x23: {  	[sflag:s15] =	ssyncadd.s32 $0xFFFFD880  }
0x24: {  	[tilespmem:s18], [sflag:$0x2] =	stream.linear.gather [hbm4b:s10+s4], $0x2780, $0x38;
	[tilespmem:$0x1F080] =	vst v63  }
0x25: {  	_ =	swait.ge [sflag:s15], $0x2780  }
0x26: {  	[sflag:s15] =	ssyncset.done $0x0  }
0x27: {  	[sflag:s15] =	ssyncadd.s32 $0xFFFFD880  }
0x28: {  	s23 =	simm.s32 $0x0;
	[bflag:$0x0] =	sbarrier.arrive $0xFFFF  }
.LBB2_2:
0x29: {  	s24 =	sshll.u32 s23, $0x7  }
0x2a: {  	s25 =	sadd.s32 $0x5000, s24  }
0x2b: {  	v0 =	vmov s25  }
0x2c: {  	[tilespmem:s20], [sflag:$0x1] =	stream.indirect.gather [hbm4b:s0+s19], $0x80, s24, s19, $0xb8;
	[tilespmem:$0x1F080] =	vst v63  }
0x2d: {  	_ =	swait.ge [sflag:s21], $0x4000  }
0x2e: {  	s31 =	simm.s32 $0x0;
	[sflag:s21] =	ssyncset.done $0x0  }
0x2f: {  	s25 =	sand.u32 $0x3FFFFFF0, s31;
	[sflag:s21] =	ssyncadd.s32 $0xFFFFC000  }
0x30: {  	s26 =	simm.s32 $0x0;
	v1 =	vld.idx.msk [tilespmem:v0+s25+$0x0 ss:$0x1], $0xffff  }
0x31: {  	s25 =	sand.u32 $0x3FFFF800, s26  }
0x32: {  	v3 =	vld [tilespmem:s25+$0x7820]  }
0x33: {  	v4 =	vld [tilespmem:s25+$0x7830]  }
0x34: {  	v10 =	vld [tilespmem:s25+$0x7860]  }
0x35: {  	v11 =	vld [tilespmem:s25+$0x7870];
	v2 =	vbroadcast v1, $0x0  }
0x36: {  	v12 =	vld [tilespmem:s25+$0x7880]  }
0x37: {  	v13 =	vld [tilespmem:s25+$0x7890];
	v3 =	vmul.f32 v3, v2  }
0x38: {  	v14 =	vld [tilespmem:s25+$0x78A0];
	v4 =	vmul.f32 v4, v2  }
0x39: {  	v9 =	vld [tilespmem:s25+$0x78B0];
	v23 =	vbroadcast v1, $0x1;
	v22 =	vmul.f32 v10, v2;
	[tilespmem:s25+$0x7820] =	vst v3  }
0x3a: {  	v7 =	vld [tilespmem:s25+$0x78C0];
	v11 =	vmul.f32 v11, v2;
	[tilespmem:s25+$0x7830] =	vst v4  }
0x3b: {  	v8 =	vld [tilespmem:s25+$0x78D0];
	v12 =	vmul.f32 v12, v23;
	[tilespmem:s25+$0x7860] =	vst v22  }
0x3c: {  	v25 =	vld [tilespmem:s25+$0x78F0];
	v13 =	vmul.f32 v13, v23;
	[tilespmem:s25+$0x7870] =	vst v11  }
0x3d: {  	v26 =	vld [tilespmem:s25+$0x7900];
	v14 =	vmul.f32 v14, v23;
	[tilespmem:s25+$0x7880] =	vst v12  }
0x3e: {  	v27 =	vld [tilespmem:s25+$0x7910];
	v9 =	vmul.f32 v9, v23;
	[tilespmem:s25+$0x7890] =	vst v13  }
0x3f: {  	v6 =	vld [tilespmem:s25+$0x7D70];
	v7 =	vmul.f32 v7, v23;
	[tilespmem:s25+$0x78A0] =	vst v14  }
0x40: {  	v24 =	vld [tilespmem:s25+$0x78E0];
	v15 =	vbroadcast v1, $0x2;
	v8 =	vmul.f32 v8, v23;
	[tilespmem:s25+$0x78B0] =	vst v9  }
0x41: {  	v28 =	vld [tilespmem:s25+$0x7920];
	v10 =	vmul.f32 v25, v23;
	[tilespmem:s25+$0x78C0] =	vst v7  }
0x42: {  	v29 =	vld [tilespmem:s25+$0x7930];
	v5 =	vbroadcast v1, $0xA;
	v32 =	vmul.f32 v26, v15;
	[tilespmem:s25+$0x78D0] =	vst v8  }
0x43: {  	v30 =	vld [tilespmem:s25+$0x7940];
	v34 =	vmul.f32 v27, v15;
	[tilespmem:s25+$0x78F0] =	vst v10  }
0x44: {  	v33 =	vld [tilespmem:s25+$0x7960];
	v3 =	vmul.f32 v6, v5;
	[tilespmem:s25+$0x7900] =	vst v32  }
0x45: {  	v35 =	vld [tilespmem:s25+$0x7970];
	v11 =	vmul.f32 v24, v23;
	[tilespmem:s25+$0x7910] =	vst v34  }
0x46: {  	v36 =	vld [tilespmem:s25+$0x7980];
	v9 =	vmul.f32 v28, v15;
	[tilespmem:s25+$0x7D70] =	vst v3  }
0x47: {  	v31 =	vld [tilespmem:s25+$0x7950];
	v7 =	vmul.f32 v29, v15;
	[tilespmem:s25+$0x78E0] =	vst v11  }
0x48: {  	v37 =	vld [tilespmem:s25+$0x7990];
	v8 =	vmul.f32 v30, v15;
	[tilespmem:s25+$0x7920] =	vst v9  }
0x49: {  	v38 =	vld [tilespmem:s25+$0x79A0];
	v41 =	vbroadcast v1, $0x3;
	v10 =	vmul.f32 v33, v15;
	[tilespmem:s25+$0x7930] =	vst v7  }
0x4a: {  	v39 =	vld [tilespmem:s25+$0x79B0];
	v12 =	vmul.f32 v35, v15;
	[tilespmem:s25+$0x7940] =	vst v8  }
0x4b: {  	v42 =	vld [tilespmem:s25+$0x79D0];
	v13 =	vmul.f32 v36, v41;
	[tilespmem:s25+$0x7960] =	vst v10  }
0x4c: {  	v43 =	vld [tilespmem:s25+$0x79E0];
	v11 =	vmul.f32 v31, v15;
	[tilespmem:s25+$0x7970] =	vst v12  }
0x4d: {  	v44 =	vld [tilespmem:s25+$0x79F0];
	v9 =	vmul.f32 v37, v41;
	[tilespmem:s25+$0x7980] =	vst v13  }
0x4e: {  	v40 =	vld [tilespmem:s25+$0x79C0];
	v7 =	vmul.f32 v38, v41;
	[tilespmem:s25+$0x7950] =	vst v11  }
0x4f: {  	v45 =	vld [tilespmem:s25+$0x7A00];
	v8 =	vmul.f32 v39, v41;
	[tilespmem:s25+$0x7990] =	vst v9  }
0x50: {  	v46 =	vld [tilespmem:s25+$0x7A10];
	v10 =	vmul.f32 v42, v41;
	[tilespmem:s25+$0x79A0] =	vst v7  }
0x51: {  	v47 =	vld [tilespmem:s25+$0x7A20];
	v12 =	vmul.f32 v43, v41;
	[tilespmem:s25+$0x79B0] =	vst v8  }
0x52: {  	v49 =	vld [tilespmem:s25+$0x7A40];
	v50 =	vbroadcast v1, $0x4;
	v13 =	vmul.f32 v44, v41;
	[tilespmem:s25+$0x79D0] =	vst v10  }
0x53: {  	v51 =	vld [tilespmem:s25+$0x7A50];
	v11 =	vmul.f32 v40, v41;
	[tilespmem:s25+$0x79E0] =	vst v12  }
0x54: {  	v52 =	vld [tilespmem:s25+$0x7A60];
	v9 =	vmul.f32 v45, v50;
	[tilespmem:s25+$0x79F0] =	vst v13  }
0x55: {  	v48 =	vld [tilespmem:s25+$0x7A30];
	v7 =	vmul.f32 v46, v50;
	[tilespmem:s25+$0x79C0] =	vst v11  }
0x56: {  	v53 =	vld [tilespmem:s25+$0x7A70];
	v8 =	vmul.f32 v47, v50;
	[tilespmem:s25+$0x7A00] =	vst v9  }
0x57: {  	v54 =	vld [tilespmem:s25+$0x7A80];
	v10 =	vmul.f32 v49, v50;
	[tilespmem:s25+$0x7A10] =	vst v7  }
0x58: {  	v55 =	vld [tilespmem:s25+$0x7A90];
	v12 =	vmul.f32 v51, v50;
	[tilespmem:s25+$0x7A20] =	vst v8  }
0x59: {  	v57 =	vld [tilespmem:s25+$0x7AB0];
	v13 =	vmul.f32 v52, v50;
	[tilespmem:s25+$0x7A40] =	vst v10  }
0x5a: {  	v58 =	vld [tilespmem:s25+$0x7AC0];
	v59 =	vbroadcast v1, $0x5;
	v11 =	vmul.f32 v48, v50;
	[tilespmem:s25+$0x7A50] =	vst v12  }
0x5b: {  	v60 =	vld [tilespmem:s25+$0x7AD0];
	v9 =	vmul.f32 v53, v50;
	[tilespmem:s25+$0x7A60] =	vst v13  }
0x5c: {  	v56 =	vld [tilespmem:s25+$0x7AA0];
	v7 =	vmul.f32 v54, v59;
	[tilespmem:s25+$0x7A30] =	vst v11  }
0x5d: {  	v61 =	vld [tilespmem:s25+$0x7AE0];
	v8 =	vmul.f32 v55, v59;
	[tilespmem:s25+$0x7A70] =	vst v9  }
0x5e: {  	v62 =	vld [tilespmem:s25+$0x7AF0];
	v10 =	vmul.f32 v57, v59;
	[tilespmem:s25+$0x7A80] =	vst v7  }
0x5f: {  	v63 =	vld [tilespmem:s25+$0x7B00];
	v12 =	vmul.f32 v58, v59;
	[tilespmem:s25+$0x7A90] =	vst v8  }
0x60: {  	v19 =	vld [tilespmem:s25+$0x7B20];
	v13 =	vmul.f32 v60, v59;
	[tilespmem:s25+$0x7AB0] =	vst v10  }
0x61: {  	v20 =	vld [tilespmem:s25+$0x7B30];
	v11 =	vmul.f32 v56, v59;
	[tilespmem:s25+$0x7AC0] =	vst v12  }
0x62: {  	v21 =	vld [tilespmem:s25+$0x7B40];
	v22 =	vbroadcast v1, $0x6;
	v9 =	vmul.f32 v61, v59;
	[tilespmem:s25+$0x7AD0] =	vst v13  }
0x63: {  	v18 =	vld [tilespmem:s25+$0x7B10];
	v7 =	vmul.f32 v62, v59;
	[tilespmem:s25+$0x7AA0] =	vst v11  }
0x64: {  	v23 =	vld [tilespmem:s25+$0x7B50];
	v8 =	vmul.f32 v63, v22;
	[tilespmem:s25+$0x7AE0] =	vst v9  }
0x65: {  	v24 =	vld [tilespmem:s25+$0x7B60];
	v10 =	vmul.f32 v19, v22;
	[tilespmem:s25+$0x7AF0] =	vst v7  }
0x66: {  	v25 =	vld [tilespmem:s25+$0x7B70];
	v12 =	vmul.f32 v20, v22;
	[tilespmem:s25+$0x7B00] =	vst v8  }
0x67: {  	v27 =	vld [tilespmem:s25+$0x7B90];
	v13 =	vmul.f32 v21, v22;
	[tilespmem:s25+$0x7B20] =	vst v10  }
0x68: {  	v28 =	vld [tilespmem:s25+$0x7BA0];
	v11 =	vmul.f32 v18, v22;
	[tilespmem:s25+$0x7B30] =	vst v12  }
0x69: {  	v29 =	vld [tilespmem:s25+$0x7BB0];
	v9 =	vmul.f32 v23, v22;
	[tilespmem:s25+$0x7B40] =	vst v13  }
0x6a: {  	v31 =	vbroadcast v1, $0x7;
	v53 =	vld [tilespmem:s25+$0x7D00];
	v7 =	vmul.f32 v24, v22;
	[tilespmem:s25+$0x7B10] =	vst v11  }
0x6b: {  	v57 =	vld [tilespmem:s25+$0x7D40];
	v8 =	vmul.f32 v25, v22;
	[tilespmem:s25+$0x7B50] =	vst v9  }
0x6c: {  	v58 =	vld [tilespmem:s25+$0x7D50];
	v10 =	vmul.f32 v27, v31;
	[tilespmem:s25+$0x7B60] =	vst v7  }
0x6d: {  	v26 =	vld [tilespmem:s25+$0x7B80];
	v12 =	vmul.f32 v28, v31;
	[tilespmem:s25+$0x7B70] =	vst v8  }
0x6e: {  	v30 =	vld [tilespmem:s25+$0x7BC0];
	v13 =	vmul.f32 v29, v31;
	[tilespmem:s25+$0x7B90] =	vst v10  }
0x6f: {  	v32 =	vld [tilespmem:s25+$0x7BD0];
	v59 =	vmul.f32 v53, v5;
	[tilespmem:s25+$0x7BA0] =	vst v12  }
0x70: {  	v33 =	vld [tilespmem:s25+$0x7BE0];
	v18 =	vmul.f32 v57, v5;
	[tilespmem:s25+$0x7BB0] =	vst v13  }
0x71: {  	v35 =	vld [tilespmem:s25+$0x7C00];
	v20 =	vmul.f32 v58, v5;
	[tilespmem:s25+$0x7D00] =	vst v59  }
0x72: {  	v36 =	vld [tilespmem:s25+$0x7C10];
	v11 =	vmul.f32 v26, v31;
	[tilespmem:s25+$0x7D40] =	vst v18  }
0x73: {  	v37 =	vld [tilespmem:s25+$0x7C20];
	v9 =	vmul.f32 v30, v31;
	[tilespmem:s25+$0x7D50] =	vst v20  }
0x74: {  	v4 =	vld [tilespmem:s25+$0x7D80];
	v40 =	vbroadcast v1, $0x8;
	v7 =	vmul.f32 v32, v31;
	[tilespmem:s25+$0x7B80] =	vst v11  }
0x75: {  	v6 =	vld [tilespmem:s25+$0x7D90];
	v8 =	vmul.f32 v33, v31;
	[tilespmem:s25+$0x7BC0] =	vst v9  }
0x76: {  	v3 =	vld [tilespmem:s25+$0x7FD0];
	v10 =	vmul.f32 v35, v40;
	[tilespmem:s25+$0x7BD0] =	vst v7  }
0x77: {  	v61 =	vld [tilespmem:s25+$0x7800];
	v23 =	vbroadcast v1, $0xB;
	v12 =	vmul.f32 v36, v40;
	[tilespmem:s25+$0x7BE0] =	vst v8  }
0x78: {  	v34 =	vld [tilespmem:s25+$0x7BF0];
	v13 =	vmul.f32 v37, v40;
	[tilespmem:s25+$0x7C00] =	vst v10  }
0x79: {  	v38 =	vld [tilespmem:s25+$0x7C30];
	v27 =	vbroadcast v1, $0xF;
	v4 =	vmul.f32 v4, v23;
	[tilespmem:s25+$0x7C10] =	vst v12  }
0x7a: {  	v39 =	vld [tilespmem:s25+$0x7C40];
	v6 =	vmul.f32 v6, v23;
	[tilespmem:s25+$0x7C20] =	vst v13  }
0x7b: {  	v41 =	vld [tilespmem:s25+$0x7C50];
	v3 =	vmul.f32 v3, v27;
	[tilespmem:s25+$0x7D80] =	vst v4  }
0x7c: {  	v43 =	vld [tilespmem:s25+$0x7C70];
	v24 =	vmul.f32 v2, v61;
	[tilespmem:s25+$0x7D90] =	vst v6  }
0x7d: {  	v44 =	vld [tilespmem:s25+$0x7C80];
	v11 =	vmul.f32 v34, v31;
	[tilespmem:s25+$0x7FD0] =	vst v3  }
0x7e: {  	v45 =	vld [tilespmem:s25+$0x7C90];
	v9 =	vmul.f32 v38, v40;
	[tilespmem:s25+$0x7800] =	vst v24  }
0x7f: {  	v63 =	vld [tilespmem:s25+$0x7840];
	v7 =	vmul.f32 v39, v40;
	[tilespmem:s25+$0x7BF0] =	vst v11  }
0x80: {  	v49 =	vbroadcast v1, $0x9;
	v29 =	vld [tilespmem:s25+$0x7DF0];
	v8 =	vmul.f32 v41, v40;
	[tilespmem:s25+$0x7C30] =	vst v9  }
0x81: {  	v42 =	vld [tilespmem:s25+$0x7C60];
	v10 =	vmul.f32 v43, v40;
	[tilespmem:s25+$0x7C40] =	vst v7  }
0x82: {  	v46 =	vld [tilespmem:s25+$0x7CA0];
	v12 =	vmul.f32 v44, v49;
	[tilespmem:s25+$0x7C50] =	vst v8  }
0x83: {  	v47 =	vld [tilespmem:s25+$0x7CB0];
	v13 =	vmul.f32 v45, v49;
	[tilespmem:s25+$0x7C70] =	vst v10  }
0x84: {  	v48 =	vld [tilespmem:s25+$0x7CC0];
	v3 =	vmul.f32 v63, v2;
	[tilespmem:s25+$0x7C80] =	vst v12  }
0x85: {  	v51 =	vld [tilespmem:s25+$0x7CE0];
	v6 =	vmul.f32 v29, v23;
	[tilespmem:s25+$0x7C90] =	vst v13  }
0x86: {  	v52 =	vld [tilespmem:s25+$0x7CF0];
	v11 =	vmul.f32 v42, v40;
	[tilespmem:s25+$0x7840] =	vst v3  }
0x87: {  	v28 =	vld [tilespmem:s25+$0x7DE0];
	v9 =	vmul.f32 v46, v49;
	[tilespmem:s25+$0x7DF0] =	vst v6  }
0x88: {  	v26 =	vld [tilespmem:s25+$0x7DD0];
	v7 =	vmul.f32 v47, v49;
	[tilespmem:s25+$0x7C60] =	vst v11  }
0x89: {  	v30 =	vld [tilespmem:s25+$0x7E00];
	v8 =	vmul.f32 v48, v49;
	[tilespmem:s25+$0x7CA0] =	vst v9  }
0x8a: {  	v50 =	vld [tilespmem:s25+$0x7CD0];
	v10 =	vmul.f32 v51, v49;
	[tilespmem:s25+$0x7CB0] =	vst v7  }
0x8b: {  	v54 =	vld [tilespmem:s25+$0x7D10];
	v12 =	vmul.f32 v52, v49;
	[tilespmem:s25+$0x7CC0] =	vst v8  }
0x8c: {  	v55 =	vld [tilespmem:s25+$0x7D20];
	v35 =	vbroadcast v1, $0xC;
	v40 =	vmul.f32 v28, v23;
	[tilespmem:s25+$0x7CE0] =	vst v10  }
0x8d: {  	v56 =	vld [tilespmem:s25+$0x7D30];
	v32 =	vmul.f32 v26, v23;
	[tilespmem:s25+$0x7CF0] =	vst v12  }
0x8e: {  	v60 =	vld [tilespmem:s25+$0x7D60];
	v15 =	vmul.f32 v30, v35;
	[tilespmem:s25+$0x7DE0] =	vst v40  }
0x8f: {  	v62 =	vld [tilespmem:s25+$0x7810];
	v11 =	vmul.f32 v50, v49;
	[tilespmem:s25+$0x7DD0] =	vst v32  }
0x90: {  	v19 =	vld [tilespmem:s25+$0x7850];
	v9 =	vmul.f32 v54, v5;
	[tilespmem:s25+$0x7E00] =	vst v15  }
0x91: {  	v33 =	vld [tilespmem:s25+$0x7E30];
	v7 =	vmul.f32 v55, v5;
	[tilespmem:s25+$0x7CD0] =	vst v11  }
0x92: {  	v61 =	vld [tilespmem:s25+$0x7FF0];
	v8 =	vmul.f32 v56, v5;
	[tilespmem:s25+$0x7D10] =	vst v9  }
0x93: {  	v38 =	vld [tilespmem:s25+$0x7E70];
	v5 =	vmul.f32 v60, v5;
	[tilespmem:s25+$0x7D20] =	vst v7  }
0x94: {  	v21 =	vld [tilespmem:s25+$0x7DA0];
	v12 =	vmul.f32 v62, v2;
	[tilespmem:s25+$0x7D30] =	vst v8  }
0x95: {  	v22 =	vld [tilespmem:s25+$0x7DB0];
	v2 =	vmul.f32 v19, v2;
	[tilespmem:s25+$0x7D60] =	vst v5  }
0x96: {  	v25 =	vld [tilespmem:s25+$0x7DC0];
	v62 =	vmul.f32 v33, v35;
	[tilespmem:s25+$0x7810] =	vst v12  }
0x97: {  	v31 =	vld [tilespmem:s25+$0x7E10];
	v63 =	vmul.f32 v61, v27;
	[tilespmem:s25+$0x7850] =	vst v2  }
0x98: {  	v34 =	vld [tilespmem:s25+$0x7E40];
	v15 =	vmul.f32 v38, v35;
	[tilespmem:s25+$0x7E30] =	vst v62  }
0x99: {  	v41 =	vld [tilespmem:s25+$0x7EA0];
	v7 =	vmul.f32 v21, v23;
	[tilespmem:s25+$0x7FF0] =	vst v63  }
0x9a: {  	v46 =	vld [tilespmem:s25+$0x7EE0];
	v8 =	vmul.f32 v22, v23;
	[tilespmem:s25+$0x7E70] =	vst v15  }
0x9b: {  	v36 =	vld [tilespmem:s25+$0x7E50];
	v5 =	vmul.f32 v25, v23;
	[tilespmem:s25+$0x7DA0] =	vst v7  }
0x9c: {  	v44 =	vbroadcast v1, $0xD;
	v9 =	vmul.f32 v31, v35;
	v2 =	vld [tilespmem:s25+$0x7E90];
	[tilespmem:s25+$0x7DB0] =	vst v8  }
0x9d: {  	v37 =	vld [tilespmem:s25+$0x7E60];
	v12 =	vmul.f32 v34, v35;
	[tilespmem:s25+$0x7DC0] =	vst v5  }
0x9e: {  	v39 =	vld [tilespmem:s25+$0x7E80];
	v11 =	vmul.f32 v41, v44;
	[tilespmem:s25+$0x7E10] =	vst v9  }
0x9f: {  	v42 =	vld [tilespmem:s25+$0x7EB0];
	v51 =	vmul.f32 v46, v44;
	[tilespmem:s25+$0x7E40] =	vst v12  }
0xa0: {  	v48 =	vld [tilespmem:s25+$0x7F10];
	v8 =	vmul.f32 v36, v35;
	[tilespmem:s25+$0x7EA0] =	vst v11  }
0xa1: {  	v49 =	vld [tilespmem:s25+$0x7F20];
	[tilespmem:s25+$0x7EE0] =	vst v51;
	v2 =	vmul.f32 v2, v44  }
0xa2: {  	v50 =	vld [tilespmem:s25+$0x7F30];
	v5 =	vmul.f32 v37, v35;
	[tilespmem:s25+$0x7E50] =	vst v8  }
0xa3: {  	v1 =	vbroadcast v1, $0xE;
	v9 =	vmul.f32 v39, v44;
	[tilespmem:s25+$0x7E90] =	vst v2;
	v2 =	vld [tilespmem:s25+$0x7F00]  }
0xa4: {  	v60 =	vld [tilespmem:s25+$0x7FE0];
	v12 =	vmul.f32 v42, v44;
	[tilespmem:s25+$0x7E60] =	vst v5  }
0xa5: {  	v45 =	vld [tilespmem:s25+$0x7ED0];
	v11 =	vmul.f32 v48, v1;
	[tilespmem:s25+$0x7E80] =	vst v9  }
0xa6: {  	v47 =	vld [tilespmem:s25+$0x7EF0];
	v10 =	vmul.f32 v49, v1;
	[tilespmem:s25+$0x7EB0] =	vst v12  }
0xa7: {  	v43 =	vld [tilespmem:s25+$0x7EC0];
	v6 =	vmul.f32 v50, v1;
	[tilespmem:s25+$0x7F10] =	vst v11  }
0xa8: {  	v55 =	vld [tilespmem:s25+$0x7F80];
	[tilespmem:s25+$0x7F20] =	vst v10;
	v2 =	vmul.f32 v2, v1  }
0xa9: {  	v57 =	vld [tilespmem:s25+$0x7FA0];
	v4 =	vmul.f32 v60, v27;
	[tilespmem:s25+$0x7F30] =	vst v6  }
0xaa: {  	v5 =	vmul.f32 v45, v44;
	[tilespmem:s25+$0x7F00] =	vst v2;
	v2 =	vld [tilespmem:s25+$0x7F70]  }
0xab: {  	v52 =	vld [tilespmem:s25+$0x7F40];
	v9 =	vmul.f32 v47, v44;
	[tilespmem:s25+$0x7FE0] =	vst v4  }
0xac: {  	v56 =	vld [tilespmem:s25+$0x7F90];
	v8 =	vmul.f32 v43, v44;
	[tilespmem:s25+$0x7ED0] =	vst v5  }
0xad: {  	v54 =	vld [tilespmem:s25+$0x7F60];
	v11 =	vmul.f32 v55, v27;
	[tilespmem:s25+$0x7EF0] =	vst v9  }
0xae: {  	v58 =	vld [tilespmem:s25+$0x7FB0];
	v6 =	vmul.f32 v57, v27;
	[tilespmem:s25+$0x7EC0] =	vst v8  }
0xaf: {  	v53 =	vld [tilespmem:s25+$0x7F50];
	[tilespmem:s25+$0x7F80] =	vst v11;
	v2 =	vmul.f32 v2, v1  }
0xb0: {  	v59 =	vld [tilespmem:s25+$0x7FC0];
	v5 =	vmul.f32 v52, v1;
	[tilespmem:s25+$0x7FA0] =	vst v6  }
0xb1: {  	[tilespmem:s25+$0x7F70] =	vst v2;
	v2 =	vmul.f32 v56, v27  }
0xb2: {  	v3 =	vld [tilespmem:s25+$0x7E20];
	v9 =	vmul.f32 v54, v1;
	[tilespmem:s25+$0x7F40] =	vst v5  }
0xb3: {  	[tilespmem:s25+$0x7F90] =	vst v2;
	v2 =	vmul.f32 v58, v27  }
0xb4: {  	[tilespmem:s25+$0x7F60] =	vst v9;
	v1 =	vmul.f32 v53, v1  }
0xb5: {  	[tilespmem:s25+$0x7FB0] =	vst v2;
	v2 =	vmul.f32 v59, v27  }
0xb6: {  	[tilespmem:s25+$0x7F50] =	vst v1  }
0xb7: {  	s26 =	simm.s32 $0x1;
	[tilespmem:s25+$0x7FC0] =	vst v2;
	v2 =	vmul.f32 v3, v35  }
.LBB2_3:
0xb8: {  	s28 =	sshll.u32 s26, $0x4  }
0xb9: {  	p1 =	sne.s32 s26, $0x7;
	[tilespmem:s25+$0x7E20] =	vst v2;
	s25 =	smov.u32 s26;
	s26 =	sadd.s32 $0x1, s26  }
0xba: {  	s28 =	sand.u32 $0x3FFFFFF0, s28  }
0xbb: {  	v1 =	vld.idx.msk [tilespmem:v0+s28+$0x0 ss:$0x1], $0xffff  }
0xbc: {  	s25 =	sshll.u32 s25, $0xB  }
0xbd: {  	s25 =	sand.u32 $0x3FFFF800, s25  }
0xbe: {  	v8 =	vld [tilespmem:s25+$0x78C0]  }
0xbf: {  	v9 =	vld [tilespmem:s25+$0x78D0]  }
0xc0: {  	v10 =	vld [tilespmem:s25+$0x78B0]  }
0xc1: {  	v2 =	vbroadcast v1, $0x0;
	v7 =	vbroadcast v1, $0x4;
	v3 =	vld [tilespmem:s25+$0x7820]  }
0xc2: {  	v5 =	vld [tilespmem:s25+$0x7830]  }
0xc3: {  	v6 =	vld [tilespmem:s25+$0x7D70]  }
0xc4: {  	v11 =	vld [tilespmem:s25+$0x7860]  }
0xc5: {  	v12 =	vld [tilespmem:s25+$0x7870]  }
0xc6: {  	v4 =	vbroadcast v1, $0xA;
	v3 =	vmul.f32 v3, v2;
	v13 =	vld [tilespmem:s25+$0x7880]  }
0xc7: {  	v5 =	vmul.f32 v5, v2;
	v14 =	vld [tilespmem:s25+$0x7890]  }
0xc8: {  	[tilespmem:s25+$0x7820] =	vst v3;
	v15 =	vld [tilespmem:s25+$0x78A0];
	v3 =	vmul.f32 v6, v4  }
0xc9: {  	[tilespmem:s25+$0x7830] =	vst v5;
	v6 =	vmul.f32 v11, v2;
	v11 =	vbroadcast v1, $0x1;
	v5 =	vld [tilespmem:s25+$0x7D80]  }
0xca: {  	v12 =	vmul.f32 v12, v2;
	[tilespmem:s25+$0x7D70] =	vst v3;
	v3 =	vld [tilespmem:s25+$0x7FD0]  }
0xcb: {  	[tilespmem:s25+$0x7860] =	vst v6;
	v13 =	vmul.f32 v13, v11;
	v6 =	vld [tilespmem:s25+$0x7D90]  }
0xcc: {  	[tilespmem:s25+$0x7870] =	vst v12;
	v12 =	vmul.f32 v14, v11;
	v14 =	vld [tilespmem:s25+$0x78E0]  }
0xcd: {  	[tilespmem:s25+$0x7880] =	vst v13;
	v13 =	vmul.f32 v15, v11;
	v15 =	vld [tilespmem:s25+$0x78F0]  }
0xce: {  	v10 =	vmul.f32 v10, v11;
	[tilespmem:s25+$0x7890] =	vst v12;
	v12 =	vld [tilespmem:s25+$0x7900]  }
0xcf: {  	v8 =	vmul.f32 v8, v11;
	[tilespmem:s25+$0x78A0] =	vst v13;
	v13 =	vld [tilespmem:s25+$0x7910]  }
0xd0: {  	v9 =	vmul.f32 v9, v11;
	[tilespmem:s25+$0x78B0] =	vst v10;
	v10 =	vld [tilespmem:s25+$0x7920]  }
0xd1: {  	[tilespmem:s25+$0x78C0] =	vst v8;
	v8 =	vmul.f32 v14, v11;
	v14 =	vbroadcast v1, $0x2;
	v16 =	vld [tilespmem:s25+$0x7930]  }
0xd2: {  	[tilespmem:s25+$0x78D0] =	vst v9;
	v9 =	vmul.f32 v15, v11;
	v11 =	vld [tilespmem:s25+$0x7940]  }
0xd3: {  	[tilespmem:s25+$0x78E0] =	vst v8;
	v8 =	vmul.f32 v12, v14;
	v12 =	vld [tilespmem:s25+$0x7950]  }
0xd4: {  	[tilespmem:s25+$0x78F0] =	vst v9;
	v9 =	vmul.f32 v13, v14;
	v13 =	vld [tilespmem:s25+$0x7960]  }
0xd5: {  	[tilespmem:s25+$0x7900] =	vst v8;
	v8 =	vmul.f32 v10, v14;
	v10 =	vld [tilespmem:s25+$0x7970]  }
0xd6: {  	[tilespmem:s25+$0x7910] =	vst v9;
	v9 =	vmul.f32 v16, v14;
	v15 =	vld [tilespmem:s25+$0x7980]  }
0xd7: {  	[tilespmem:s25+$0x7920] =	vst v8;
	v8 =	vmul.f32 v11, v14;
	v11 =	vld [tilespmem:s25+$0x7990]  }
0xd8: {  	[tilespmem:s25+$0x7930] =	vst v9;
	v9 =	vmul.f32 v12, v14;
	v12 =	vld [tilespmem:s25+$0x79A0]  }
0xd9: {  	[tilespmem:s25+$0x7940] =	vst v8;
	v8 =	vmul.f32 v13, v14;
	v13 =	vbroadcast v1, $0x3;
	v16 =	vld [tilespmem:s25+$0x79B0]  }
0xda: {  	[tilespmem:s25+$0x7950] =	vst v9;
	v9 =	vmul.f32 v10, v14;
	v10 =	vld [tilespmem:s25+$0x79C0]  }
0xdb: {  	[tilespmem:s25+$0x7960] =	vst v8;
	v8 =	vmul.f32 v15, v13;
	v14 =	vld [tilespmem:s25+$0x79D0]  }
0xdc: {  	[tilespmem:s25+$0x7970] =	vst v9;
	v9 =	vmul.f32 v11, v13;
	v11 =	vld [tilespmem:s25+$0x79E0]  }
0xdd: {  	[tilespmem:s25+$0x7980] =	vst v8;
	v8 =	vmul.f32 v12, v13;
	v12 =	vld [tilespmem:s25+$0x79F0]  }
0xde: {  	[tilespmem:s25+$0x7990] =	vst v9;
	v9 =	vmul.f32 v16, v13;
	v15 =	vld [tilespmem:s25+$0x7A00]  }
0xdf: {  	[tilespmem:s25+$0x79A0] =	vst v8;
	v8 =	vmul.f32 v10, v13;
	v10 =	vld [tilespmem:s25+$0x7A10]  }
0xe0: {  	[tilespmem:s25+$0x79B0] =	vst v9;
	v9 =	vmul.f32 v14, v13;
	v14 =	vld [tilespmem:s25+$0x7A20]  }
0xe1: {  	[tilespmem:s25+$0x79C0] =	vst v8;
	v8 =	vmul.f32 v11, v13;
	v11 =	vld [tilespmem:s25+$0x7A30]  }
0xe2: {  	[tilespmem:s25+$0x79D0] =	vst v9;
	v9 =	vmul.f32 v12, v13;
	v12 =	vld [tilespmem:s25+$0x7A40]  }
0xe3: {  	[tilespmem:s25+$0x79E0] =	vst v8;
	v8 =	vmul.f32 v15, v7;
	v13 =	vld [tilespmem:s25+$0x7A50]  }
0xe4: {  	[tilespmem:s25+$0x79F0] =	vst v9;
	v9 =	vmul.f32 v10, v7;
	v10 =	vld [tilespmem:s25+$0x7A60]  }
0xe5: {  	[tilespmem:s25+$0x7A00] =	vst v8;
	v8 =	vmul.f32 v14, v7;
	v14 =	vld [tilespmem:s25+$0x7A70]  }
0xe6: {  	[tilespmem:s25+$0x7A10] =	vst v9;
	v9 =	vmul.f32 v11, v7;
	v11 =	vld [tilespmem:s25+$0x7A80]  }
0xe7: {  	[tilespmem:s25+$0x7A20] =	vst v8;
	v8 =	vmul.f32 v12, v7;
	v12 =	vld [tilespmem:s25+$0x7A90]  }
0xe8: {  	[tilespmem:s25+$0x7A30] =	vst v9;
	v9 =	vmul.f32 v13, v7;
	v13 =	vld [tilespmem:s25+$0x7AA0]  }
0xe9: {  	[tilespmem:s25+$0x7A40] =	vst v8;
	v8 =	vmul.f32 v10, v7;
	v10 =	vbroadcast v1, $0x5;
	v15 =	vld [tilespmem:s25+$0x7AB0]  }
0xea: {  	[tilespmem:s25+$0x7A50] =	vst v9;
	v7 =	vmul.f32 v14, v7;
	v9 =	vld [tilespmem:s25+$0x7AC0]  }
0xeb: {  	[tilespmem:s25+$0x7A60] =	vst v8;
	v8 =	vmul.f32 v11, v10;
	v11 =	vld [tilespmem:s25+$0x7AD0]  }
0xec: {  	[tilespmem:s25+$0x7A70] =	vst v7;
	v7 =	vmul.f32 v12, v10;
	v12 =	vld [tilespmem:s25+$0x7AE0]  }
0xed: {  	[tilespmem:s25+$0x7A80] =	vst v8;
	v8 =	vmul.f32 v13, v10;
	v13 =	vld [tilespmem:s25+$0x7AF0]  }
0xee: {  	[tilespmem:s25+$0x7A90] =	vst v7;
	v7 =	vmul.f32 v15, v10;
	v14 =	vld [tilespmem:s25+$0x7B00]  }
0xef: {  	[tilespmem:s25+$0x7AA0] =	vst v8;
	v8 =	vmul.f32 v9, v10;
	v9 =	vld [tilespmem:s25+$0x7B10]  }
0xf0: {  	[tilespmem:s25+$0x7AB0] =	vst v7;
	v7 =	vmul.f32 v11, v10;
	v11 =	vld [tilespmem:s25+$0x7B20]  }
0xf1: {  	[tilespmem:s25+$0x7AC0] =	vst v8;
	v8 =	vmul.f32 v12, v10;
	v12 =	vbroadcast v1, $0x6;
	v15 =	vld [tilespmem:s25+$0x7B30]  }
0xf2: {  	[tilespmem:s25+$0x7AD0] =	vst v7;
	v7 =	vmul.f32 v13, v10;
	v10 =	vld [tilespmem:s25+$0x7B40]  }
0xf3: {  	[tilespmem:s25+$0x7AE0] =	vst v8;
	v8 =	vmul.f32 v14, v12;
	v13 =	vld [tilespmem:s25+$0x7B50]  }
0xf4: {  	[tilespmem:s25+$0x7AF0] =	vst v7;
	v7 =	vmul.f32 v9, v12;
	v9 =	vld [tilespmem:s25+$0x7B60]  }
0xf5: {  	[tilespmem:s25+$0x7B00] =	vst v8;
	v8 =	vmul.f32 v11, v12;
	v11 =	vld [tilespmem:s25+$0x7B70]  }
0xf6: {  	[tilespmem:s25+$0x7B10] =	vst v7;
	v7 =	vmul.f32 v15, v12;
	v14 =	vld [tilespmem:s25+$0x7B80]  }
0xf7: {  	[tilespmem:s25+$0x7B20] =	vst v8;
	v8 =	vmul.f32 v10, v12;
	v10 =	vld [tilespmem:s25+$0x7B90]  }
0xf8: {  	[tilespmem:s25+$0x7B30] =	vst v7;
	v7 =	vmul.f32 v13, v12;
	v13 =	vld [tilespmem:s25+$0x7BA0]  }
0xf9: {  	[tilespmem:s25+$0x7B40] =	vst v8;
	v8 =	vmul.f32 v9, v12;
	v9 =	vbroadcast v1, $0x7;
	v15 =	vld [tilespmem:s25+$0x7BB0]  }
0xfa: {  	[tilespmem:s25+$0x7B50] =	vst v7;
	v7 =	vmul.f32 v11, v12;
	v11 =	vld [tilespmem:s25+$0x7BC0]  }
0xfb: {  	[tilespmem:s25+$0x7B60] =	vst v8;
	v8 =	vmul.f32 v14, v9;
	v12 =	vld [tilespmem:s25+$0x7BD0]  }
0xfc: {  	[tilespmem:s25+$0x7B70] =	vst v7;
	v7 =	vmul.f32 v10, v9;
	v10 =	vld [tilespmem:s25+$0x7BE0]  }
0xfd: {  	[tilespmem:s25+$0x7B80] =	vst v8;
	v8 =	vmul.f32 v13, v9;
	v13 =	vld [tilespmem:s25+$0x7BF0]  }
0xfe: {  	[tilespmem:s25+$0x7B90] =	vst v7;
	v7 =	vmul.f32 v15, v9;
	v14 =	vld [tilespmem:s25+$0x7C00]  }
0xff: {  	[tilespmem:s25+$0x7BA0] =	vst v8;
	v8 =	vmul.f32 v11, v9;
	v11 =	vld [tilespmem:s25+$0x7C10]  }
0x100: {  	[tilespmem:s25+$0x7BB0] =	vst v7;
	v7 =	vmul.f32 v12, v9;
	v12 =	vld [tilespmem:s25+$0x7C20]  }
0x101: {  	[tilespmem:s25+$0x7BC0] =	vst v8;
	v8 =	vmul.f32 v10, v9;
	v10 =	vbroadcast v1, $0x8;
	v15 =	vld [tilespmem:s25+$0x7C30]  }
0x102: {  	[tilespmem:s25+$0x7BD0] =	vst v7;
	v7 =	vmul.f32 v13, v9;
	v9 =	vld [tilespmem:s25+$0x7C40]  }
0x103: {  	[tilespmem:s25+$0x7BE0] =	vst v8;
	v8 =	vmul.f32 v14, v10;
	v13 =	vld [tilespmem:s25+$0x7C50]  }
0x104: {  	[tilespmem:s25+$0x7BF0] =	vst v7;
	v7 =	vmul.f32 v11, v10;
	v11 =	vld [tilespmem:s25+$0x7C60]  }
0x105: {  	[tilespmem:s25+$0x7C00] =	vst v8;
	v8 =	vmul.f32 v12, v10;
	v12 =	vld [tilespmem:s25+$0x7C70]  }
0x106: {  	[tilespmem:s25+$0x7C10] =	vst v7;
	v7 =	vmul.f32 v15, v10;
	v14 =	vld [tilespmem:s25+$0x7C80]  }
0x107: {  	[tilespmem:s25+$0x7C20] =	vst v8;
	v8 =	vmul.f32 v9, v10;
	v9 =	vld [tilespmem:s25+$0x7C90]  }
0x108: {  	[tilespmem:s25+$0x7C30] =	vst v7;
	v7 =	vmul.f32 v13, v10;
	v13 =	vld [tilespmem:s25+$0x7CA0]  }
0x109: {  	[tilespmem:s25+$0x7C40] =	vst v8;
	v8 =	vmul.f32 v11, v10;
	v11 =	vbroadcast v1, $0x9;
	v15 =	vld [tilespmem:s25+$0x7CB0]  }
0x10a: {  	[tilespmem:s25+$0x7C50] =	vst v7;
	v7 =	vmul.f32 v12, v10;
	v10 =	vld [tilespmem:s25+$0x7CC0]  }
0x10b: {  	[tilespmem:s25+$0x7C60] =	vst v8;
	v8 =	vmul.f32 v14, v11;
	v12 =	vld [tilespmem:s25+$0x7CD0]  }
0x10c: {  	[tilespmem:s25+$0x7C70] =	vst v7;
	v7 =	vmul.f32 v9, v11;
	v9 =	vld [tilespmem:s25+$0x7CE0]  }
0x10d: {  	[tilespmem:s25+$0x7C80] =	vst v8;
	v8 =	vmul.f32 v13, v11;
	v13 =	vld [tilespmem:s25+$0x7CF0]  }
0x10e: {  	[tilespmem:s25+$0x7C90] =	vst v7;
	v7 =	vmul.f32 v15, v11;
	v14 =	vld [tilespmem:s25+$0x7D00]  }
0x10f: {  	[tilespmem:s25+$0x7CA0] =	vst v8;
	v8 =	vmul.f32 v10, v11;
	v10 =	vld [tilespmem:s25+$0x7D10]  }
0x110: {  	[tilespmem:s25+$0x7CB0] =	vst v7;
	v7 =	vmul.f32 v12, v11;
	v12 =	vld [tilespmem:s25+$0x7D20]  }
0x111: {  	[tilespmem:s25+$0x7CC0] =	vst v8;
	v8 =	vmul.f32 v9, v11;
	v9 =	vld [tilespmem:s25+$0x7D30]  }
0x112: {  	[tilespmem:s25+$0x7CD0] =	vst v7;
	v7 =	vmul.f32 v13, v11;
	v11 =	vld [tilespmem:s25+$0x7D40]  }
0x113: {  	[tilespmem:s25+$0x7CE0] =	vst v8;
	v8 =	vmul.f32 v14, v4;
	v13 =	vld [tilespmem:s25+$0x7D50]  }
0x114: {  	[tilespmem:s25+$0x7CF0] =	vst v7;
	v7 =	vmul.f32 v10, v4;
	v10 =	vld [tilespmem:s25+$0x7D60]  }
0x115: {  	v14 =	vld [tilespmem:s25+$0x7800];
	[tilespmem:s25+$0x7D00] =	vst v8;
	v8 =	vmul.f32 v12, v4  }
0x116: {  	v12 =	vld [tilespmem:s25+$0x7810];
	[tilespmem:s25+$0x7D10] =	vst v7;
	v7 =	vmul.f32 v9, v4  }
0x117: {  	v9 =	vld [tilespmem:s25+$0x7840];
	[tilespmem:s25+$0x7D20] =	vst v8;
	v8 =	vmul.f32 v11, v4  }
0x118: {  	v11 =	vld [tilespmem:s25+$0x7850];
	[tilespmem:s25+$0x7D30] =	vst v7;
	v7 =	vmul.f32 v13, v4  }
0x119: {  	[tilespmem:s25+$0x7D40] =	vst v8;
	v8 =	vmul.f32 v10, v4;
	v10 =	vbroadcast v1, $0xB;
	v13 =	vld [tilespmem:s25+$0x7DA0]  }
0x11a: {  	v4 =	vbroadcast v1, $0xF;
	v14 =	vmul.f32 v2, v14;
	[tilespmem:s25+$0x7D50] =	vst v7;
	v7 =	vld [tilespmem:s25+$0x7DB0]  }
0x11b: {  	v12 =	vmul.f32 v12, v2;
	[tilespmem:s25+$0x7D60] =	vst v8;
	v5 =	vmul.f32 v5, v10;
	v8 =	vld [tilespmem:s25+$0x7DC0]  }
0x11c: {  	v6 =	vmul.f32 v6, v10;
	[tilespmem:s25+$0x7800] =	vst v14;
	v9 =	vmul.f32 v9, v2;
	v14 =	vld [tilespmem:s25+$0x7DD0]  }
0x11d: {  	v3 =	vmul.f32 v3, v4;
	v11 =	vmul.f32 v11, v2;
	[tilespmem:s25+$0x7D80] =	vst v5;
	v2 =	vld [tilespmem:s25+$0x7DE0]  }
0x11e: {  	[tilespmem:s25+$0x7D90] =	vst v6;
	v5 =	vmul.f32 v13, v10;
	v6 =	vld [tilespmem:s25+$0x7DF0]  }
0x11f: {  	v7 =	vmul.f32 v7, v10;
	v13 =	vld [tilespmem:s25+$0x7E00];
	[tilespmem:s25+$0x7FD0] =	vst v3  }
0x120: {  	[tilespmem:s25+$0x7810] =	vst v12;
	v3 =	vmul.f32 v8, v10;
	v8 =	vld [tilespmem:s25+$0x7E10]  }
0x121: {  	[tilespmem:s25+$0x7840] =	vst v9;
	v9 =	vmul.f32 v14, v10;
	v12 =	vld [tilespmem:s25+$0x7E20]  }
0x122: {  	v14 =	vbroadcast v1, $0xC;
	[tilespmem:s25+$0x7DA0] =	vst v5;
	v5 =	vmul.f32 v2, v10;
	v15 =	vld [tilespmem:s25+$0x7E30]  }
0x123: {  	[tilespmem:s25+$0x7DD0] =	vst v9;
	v6 =	vmul.f32 v6, v10;
	v9 =	vld [tilespmem:s25+$0x7E40]  }
0x124: {  	[tilespmem:s25+$0x7DB0] =	vst v7;
	v2 =	vmul.f32 v13, v14;
	v7 =	vld [tilespmem:s25+$0x7E50]  }
0x125: {  	[tilespmem:s25+$0x7DC0] =	vst v3;
	v3 =	vmul.f32 v8, v14;
	v8 =	vld [tilespmem:s25+$0x7E60]  }
0x126: {  	[tilespmem:s25+$0x7E00] =	vst v2;
	v2 =	vmul.f32 v12, v14;
	v10 =	vld [tilespmem:s25+$0x7E70]  }
0x127: {  	[tilespmem:s25+$0x7E10] =	vst v3;
	v3 =	vld [tilespmem:s25+$0x7E80]  }
0x128: {  	[tilespmem:s25+$0x7850] =	vst v11;
	v9 =	vmul.f32 v9, v14;
	v11 =	vld [tilespmem:s25+$0x7E90]  }
0x129: {  	[tilespmem:s25+$0x7DE0] =	vst v5;
	v5 =	vmul.f32 v7, v14;
	v7 =	vld [tilespmem:s25+$0x7EA0]  }
0x12a: {  	[tilespmem:s25+$0x7E40] =	vst v9;
	v8 =	vmul.f32 v8, v14;
	v9 =	vbroadcast v1, $0xD;
	v12 =	vld [tilespmem:s25+$0x7EB0]  }
0x12b: {  	[tilespmem:s25+$0x7E50] =	vst v5;
	v5 =	vmul.f32 v10, v14;
	v10 =	vld [tilespmem:s25+$0x7EC0]  }
0x12c: {  	[tilespmem:s25+$0x7E60] =	vst v8;
	v3 =	vmul.f32 v3, v9;
	v8 =	vld [tilespmem:s25+$0x7ED0]  }
0x12d: {  	[tilespmem:s25+$0x7E70] =	vst v5;
	v5 =	vmul.f32 v11, v9;
	v11 =	vld [tilespmem:s25+$0x7EE0]  }
0x12e: {  	[tilespmem:s25+$0x7E80] =	vst v3;
	v3 =	vmul.f32 v7, v9;
	v7 =	vld [tilespmem:s25+$0x7EF0]  }
0x12f: {  	[tilespmem:s25+$0x7E90] =	vst v5;
	v5 =	vmul.f32 v12, v9;
	v12 =	vld [tilespmem:s25+$0x7F00]  }
0x130: {  	[tilespmem:s25+$0x7EA0] =	vst v3;
	v3 =	vmul.f32 v10, v9;
	v10 =	vld [tilespmem:s25+$0x7F10]  }
0x131: {  	[tilespmem:s25+$0x7EB0] =	vst v5;
	v5 =	vmul.f32 v8, v9;
	v8 =	vld [tilespmem:s25+$0x7F20]  }
0x132: {  	v1 =	vbroadcast v1, $0xE;
	[tilespmem:s25+$0x7DF0] =	vst v6;
	v6 =	vmul.f32 v11, v9;
	v11 =	vld [tilespmem:s25+$0x7F30]  }
0x133: {  	[tilespmem:s25+$0x7ED0] =	vst v5;
	v5 =	vmul.f32 v7, v9;
	v7 =	vld [tilespmem:s25+$0x7F40]  }
0x134: {  	[tilespmem:s25+$0x7EE0] =	vst v6;
	v6 =	vmul.f32 v12, v1;
	v9 =	vld [tilespmem:s25+$0x7F50]  }
0x135: {  	[tilespmem:s25+$0x7EF0] =	vst v5;
	v5 =	vmul.f32 v10, v1;
	v10 =	vld [tilespmem:s25+$0x7F60]  }
0x136: {  	[tilespmem:s25+$0x7F00] =	vst v6;
	v6 =	vmul.f32 v8, v1;
	v8 =	vld [tilespmem:s25+$0x7F70]  }
0x137: {  	[tilespmem:s25+$0x7F10] =	vst v5;
	v5 =	vmul.f32 v11, v1;
	v11 =	vld [tilespmem:s25+$0x7F80]  }
0x138: {  	[tilespmem:s25+$0x7F20] =	vst v6;
	v6 =	vmul.f32 v7, v1;
	v7 =	vld [tilespmem:s25+$0x7F90]  }
0x139: {  	[tilespmem:s25+$0x7F30] =	vst v5;
	v5 =	vmul.f32 v9, v1;
	v9 =	vld [tilespmem:s25+$0x7FA0]  }
0x13a: {  	[tilespmem:s25+$0x7F40] =	vst v6;
	v6 =	vmul.f32 v10, v1;
	v10 =	vld [tilespmem:s25+$0x7FB0]  }
0x13b: {  	[tilespmem:s25+$0x7EC0] =	vst v3;
	v1 =	vmul.f32 v8, v1;
	v3 =	vld [tilespmem:s25+$0x7FC0]  }
0x13c: {  	[tilespmem:s25+$0x7F60] =	vst v6;
	v6 =	vmul.f32 v11, v4;
	v8 =	vld [tilespmem:s25+$0x7FE0]  }
0x13d: {  	[tilespmem:s25+$0x7F70] =	vst v1;
	v1 =	vmul.f32 v7, v4;
	v7 =	vld [tilespmem:s25+$0x7FF0]  }
0x13e: {  	[tilespmem:s25+$0x7F80] =	vst v6;
	v6 =	vmul.f32 v9, v4  }
0x13f: {  	[tilespmem:s25+$0x7F90] =	vst v1;
	v1 =	vmul.f32 v10, v4  }
0x140: {  	v9 =	vmul.f32 v15, v14;
	[tilespmem:s25+$0x7FA0] =	vst v6  }
0x141: {  	[tilespmem:s25+$0x7FB0] =	vst v1;
	v1 =	vmul.f32 v3, v4  }
.Ltmp0:
0x142: {  	[tilespmem:s25+$0x7E30] =	vst v9;
	v3 =	vmul.f32 v7, v4;
	(pc) =	sbr.rel @p1 .LBB2_3-.Ltmp0, $4  }
0x143: {  	[tilespmem:s25+$0x7FC0] =	vst v1  }
0x144: {  	v1 =	vmul.f32 v8, v4;
	[tilespmem:s25+$0x7FF0] =	vst v3  }
0x145: {  	[tilespmem:s25+$0x7F50] =	vst v5  }
0x146: {  	[tilespmem:s25+$0x7FE0] =	vst v1  }
0x147: {  	s23 =	sadd.s32 $0x1, s23  }
0x148: {  	p1 =	sne.s32 s23, $0x4F  }
.Ltmp1:
0x149: {  	[tilespmem:s25+$0x7E20] =	vst v2;
	s24 =	sadd.s32 $0x2800, s24;
	(pc) =	sbr.rel @p1 .LBB2_2-.Ltmp1, $4  }
0x14a: {  	[spmem:s3] =	stream.indirect.scatter.add.f32 [tilespmem:s20], [sflag:$0x2], $0x80, s24, s19, $0xb8;
	[tilespmem:$0x1F080] =	vst v63  }
0x14b: {  	_ =	swait.ge [sflag:s15], $0x4000  }
0x14c: {  	[sflag:s15] =	ssyncset.done $0x0  }
0x14d: {  	[sflag:s15] =	ssyncadd.s32 $0xFFFFC000  }
0x14e: {  	[bflag:$0x0] =	sbarrier.arrive $0xFFFF  }
0x14f: {  	[hbm:s11], [sflag:s6] =	dma.local [spmem:s14], $0x2700  }
0x150: {  	s22 =	sadd.s32 $0x1, s22;
	_ =	swait.ge [sflag:s15], $0x2700  }
0x151: {  	p1 =	sne.s32 s22, s13;
	[sflag:s15] =	ssyncset.done $0x0  }
.Ltmp2:
0x152: {  	s23 =	simm.s32 @!p0 $0x2;
	[sflag:s15] =	ssyncadd.s32 $0xFFFFD900;
	(pc) =	sbr.rel @p1 .LBB2_1-.Ltmp2, $4  }
0x153: {  	[hbm:s12], [sflag:s6] =	dma.local @!p0 [spmem:s16], $0x100  }
0x154: {  	_ =	swait.ge @!p0 [sflag:s23], $0x100  }
0x155: {  	[sflag:s23] =	ssyncset.done @!p0 $0x0  }
0x156: {  	[sflag:s23] =	ssyncadd.s32 @!p0 $0xFFFFFF00  }
0x157: {  	_ =	sfence.sel $0x180000  }
0x158: {  	[bflag:$0x0] =	sbarrier.arrive $0xFFFF  }
0x159: {  	p0 =	sne.s32 s1, $0x0;
	_ =	strace $0x90000047  }
0x15a: {  	s0 =	sadd.s32 @!p0 $0x100000, s2;
	[bflag:$0x2] =	sbarrier.arrive $0xFFFF  }
0x15b: {  	[sflag:s0] =	ssyncadd.tile.s32 @!p0 $0x1;
	_ =	shalt  }
.Lfunc_end2:
_tile_overlayer_lowered:
.L_overlay_start_2:
0x15c: {  	(tag) =	ssettag $0x2  }
0x15d: {  	s0 =	rddreg [dreg:$0x0];
	s2 =	stileid.u32  }
0x15e: {  	s1 =	rddreg [dreg:$0x1];
	p0 =	sne.s32 s2, $0x0  }
0x15f: {  	s3 =	rddreg [dreg:$0x2];
	[bflag:$0x3] =	sbarrier.arrive $0xFFFF;
	s2 =	simm.s32 @!p0 $0x1C02  }
0x160: {  	[timem:s3], [sflag:s2] =	dma.local @!p0 [hbm:s0], s1  }
0x161: {  	s0 =	simm.s32 @!p0 $0x2  }
0x162: {  	_ =	swait.ge @!p0 [sflag:s0], s1  }
0x163: {  	s1 =	ssub.s32 @!p0 $0x0, s1;
	[sflag:s0] =	ssyncset.done @!p0 $0x0  }
0x164: {  	[sflag:s0] =	ssyncadd.s32 @!p0 s1  }
0x165: {  	[bflag:$0x3] =	sbarrier.arrive $0xFFFF  }
0x166: {  	_ =	shalt  }

</sc_bundles>
